<compile_context>
chip_gen: v7x
topology: tpu7x:2x2x1
jax: 0.10.2.dev20260603
libtpu: 0.0.44.dev20260713+nightly
codegen_flags: <defaults>
</compile_context>

<pallas_src>
import functools

import jax
import jax.numpy as jnp
from jax import lax
from jax.experimental import pallas as pl
from jax.experimental.pallas import tpu as pltpu
from jax.experimental.pallas import tpu_sc as plsc

_ANCHOR_W = (116.0, 156.0, 373.0)
_ANCHOR_H = (90.0, 198.0, 326.0)
_CIN = 89
_COUT = 85
_G = 52
_RCHUNK = 8
_FULL_CHUNKS = _G // _RCHUNK
_TAIL_R0 = _FULL_CHUNKS * _RCHUNK
_NA = 56
_NB = _CIN - _NA


def _rcp(d):
    y = plsc.bitcast(jnp.int32(0x7EF311C3) - plsc.bitcast(d, jnp.int32),
                     jnp.float32)
    y = y * (2.0 - d * y)
    y = y * (2.0 - d * y)
    return y * (2.0 - d * y)


def _sigmoid(v):
    return _rcp(1.0 + jnp.exp(-v))


def _sc_body(nslab, x_hbm, st_hbm, out_hbm,
             bufa, bufb, ob0, ob1, stv, sem, so0, so1):
    nc = 2
    wid = lax.axis_index("s") * nc + lax.axis_index("c")
    pltpu.sync_copy(st_hbm, stv)
    i16 = lax.iota(jnp.int32, 16)

    def process_chunk(slab, r0, nrows):
        b = slab // 3
        a = slab - b * 3
        aw = jnp.where(a == 0, _ANCHOR_W[0],
                       jnp.where(a == 1, _ANCHOR_W[1], _ANCHOR_W[2]))
        ah = jnp.where(a == 0, _ANCHOR_H[0],
                       jnp.where(a == 1, _ANCHOR_H[1], _ANCHOR_H[2]))
        st = stv[:]
        n0 = a * (_G * _G) + r0 * _G

        dst_a = bufa if nrows == _RCHUNK else bufa.at[:, pl.ds(0, nrows)]
        dst_b = bufb if nrows == _RCHUNK else bufb.at[:, pl.ds(0, nrows)]
        ha = pltpu.async_copy(
            x_hbm.at[b, pl.ds(a * _CIN, _NA), pl.ds(r0, nrows), :], dst_a, sem)
        hb = pltpu.async_copy(
            x_hbm.at[b, pl.ds(a * _CIN + _NA, _NB), pl.ds(r0, nrows), :],
            dst_b, sem)
        ha.wait()
        hb.wait()

        def out_desc(q, ob, so):
            return pltpu.make_async_copy(
                ob, out_hbm.at[b, pl.ds(n0 + q * 16, 16), :], so)

        def block(q, ob):
            p = i16 + q * 16
            rv = p // _G
            lv = p - rv * _G
            z = jnp.full(16, 0, jnp.int32)

            s0 = _sigmoid(plsc.load_gather(bufa, [z, rv, lv]))
            s1 = _sigmoid(plsc.load_gather(bufa, [z + 1, rv, lv]))
            e2 = jnp.exp(plsc.load_gather(bufa, [z + 2, rv, lv]))
            e3 = jnp.exp(plsc.load_gather(bufa, [z + 3, rv, lv]))
            c84 = _sigmoid(plsc.load_gather(bufb, [z + 32, rv, lv]))
            plsc.store_scatter(ob, [i16, z],
                               (s0 + lv.astype(jnp.float32)) * st)
            plsc.store_scatter(ob, [i16, z + 1],
                               (s1 + (rv + r0).astype(jnp.float32)) * st)
            plsc.store_scatter(ob, [i16, z + 2], e2 * aw)
            plsc.store_scatter(ob, [i16, z + 3], e3 * ah)
            plsc.store_scatter(ob, [i16, z + 84], c84)

            @plsc.parallel_loop(0, _NA - 8, 1, unroll=4)
            def ca_loop(c):
                v = _sigmoid(plsc.load_gather(bufa, [z + (c + 8), rv, lv]))
                plsc.store_scatter(ob, [i16, z + (c + 4)], v)

            @plsc.parallel_loop(0, _NB - 1, 1, unroll=4)
            def cb_loop(c):
                v = _sigmoid(plsc.load_gather(bufb, [z + c, rv, lv]))
                plsc.store_scatter(ob, [i16, z + (c + 52)], v)

        nblk = (nrows * _G) // 16

        def q_body(q, carry):
            @pl.when(lax.rem(q, 2) == 0)
            def _():
                @pl.when(q >= 2)
                def _():
                    out_desc(q - 2, ob0, so0).wait()

                block(q, ob0)
                out_desc(q, ob0, so0).start()

            @pl.when(lax.rem(q, 2) == 1)
            def _():
                @pl.when(q >= 3)
                def _():
                    out_desc(q - 2, ob1, so1).wait()

                block(q, ob1)
                out_desc(q, ob1, so1).start()

            return carry

        lax.fori_loop(0, nblk, q_body, 0)
        out_desc(nblk - 2, ob0 if nblk % 2 == 0 else ob1,
                 so0 if nblk % 2 == 0 else so1).wait()
        out_desc(nblk - 1, ob1 if nblk % 2 == 0 else ob0,
                 so1 if nblk % 2 == 0 else so0).wait()

    nfull = nslab * _FULL_CHUNKS

    def full_body(t, carry):
        chunk = wid + t * 32
        slab = chunk // _FULL_CHUNKS
        k = chunk - slab * _FULL_CHUNKS
        process_chunk(slab, k * _RCHUNK, _RCHUNK)
        return carry

    lax.fori_loop(0, nfull // 32, full_body, 0)

    def tail_body(t, carry):
        slab = wid + t * 32

        @pl.when(slab < nslab)
        def _():
            process_chunk(slab, _TAIL_R0, _G - _TAIL_R0)

        return carry

    lax.fori_loop(0, (nslab + 31) // 32, tail_body, 0)


def kernel(x, img_dim):
    B = x.shape[0]
    g = x.shape[2]
    s = g * g
    st = jnp.asarray(img_dim, jnp.float32) / g
    st16 = jnp.broadcast_to(st, (16,))

    nslab = B * 3
    mesh = plsc.VectorSubcoreMesh(core_axis_name="c", subcore_axis_name="s")
    sc = functools.partial(
        pl.kernel,
        mesh=mesh,
        compiler_params=pltpu.CompilerParams(needs_layout_passes=False),
        out_type=jax.ShapeDtypeStruct((B, 3 * s, _COUT), jnp.float32),
        scratch_types=[
            pltpu.VMEM((_NA, _RCHUNK, g), jnp.float32),
            pltpu.VMEM((_NB, _RCHUNK, g), jnp.float32),
            pltpu.VMEM((16, _COUT), jnp.float32),
            pltpu.VMEM((16, _COUT), jnp.float32),
            pltpu.VMEM((16,), jnp.float32),
            pltpu.SemaphoreType.DMA,
            pltpu.SemaphoreType.DMA,
            pltpu.SemaphoreType.DMA,
        ],
    )(functools.partial(_sc_body, nslab))
    out = sc(x, st16)
    return (out, 0)

# --- scband reference (transcript-rebuilt; emitter-appended) ---
"""Pipeline reference for scband-yololayer-17489106829428 (READ-ONLY COPY).

The authoritative reference and input builder live on the scoring server;
editing this copy changes nothing except your own understanding.
"""

import jax, jax.numpy as jnp
import numpy as np

ANCHORS = np.array([[116.0, 90.0], [156.0, 198.0], [373.0, 326.0]], dtype=np.float32)
NUM_CLASSES = 80
NUM_ANCHORS = 3


def setup_inputs(seed: int = 0) -> dict:
    key = jax.random.key(seed)
    x = jax.random.normal(key, (16, NUM_ANCHORS * (NUM_CLASSES + 9), 52, 52), dtype=jnp.float32)
    return {"x": x, "img_dim": 416}


def reference(x, img_dim):
    B = x.shape[0]
    g = x.shape[2]
    stride = img_dim / g
    pred = x.reshape(B, NUM_ANCHORS, NUM_CLASSES + 9, g, g).transpose(0, 1, 3, 4, 2)
    px = jax.nn.sigmoid(pred[..., 0])
    py = jax.nn.sigmoid(pred[..., 1])
    w = pred[..., 2]
    h = pred[..., 3]
    pred_conf = jax.nn.sigmoid(pred[..., 8])
    pred_cls = jax.nn.sigmoid(pred[..., 9:])
    # grid_x varies along the last axis (columns), grid_y along rows, as in torch repeat/t()
    grid_x = jnp.arange(g, dtype=jnp.float32).reshape(1, 1, 1, g)
    grid_y = jnp.arange(g, dtype=jnp.float32).reshape(1, 1, g, 1)
    scaled = jnp.asarray(ANCHORS) / stride
    aw = scaled[:, 0].reshape(1, NUM_ANCHORS, 1, 1)
    ah = scaled[:, 1].reshape(1, NUM_ANCHORS, 1, 1)
    # torch uses x.data (detached) for pred_boxes -> stop_gradient for faithfulness
    bx = jax.lax.stop_gradient(px) + grid_x
    by = jax.lax.stop_gradient(py) + grid_y
    bw = jnp.exp(jax.lax.stop_gradient(w)) * aw
    bh = jnp.exp(jax.lax.stop_gradient(h)) * ah
    pred_boxes = jnp.stack([bx, by, bw, bh], axis=-1)
    output = jnp.concatenate(
        [
            pred_boxes.reshape(B, -1, 4) * stride,
            pred_conf.reshape(B, -1, 1),
            pred_cls.reshape(B, -1, NUM_CLASSES),
        ],
        axis=-1,
    )
    return (output, 0)

if __name__ == "__main__":
    import jax
    _d = setup_inputs()
    print(jax.jit(kernel)(*tuple(_d.values())))

</pallas_src>

<mosaic_0001>
#map = affine_map<(d0, d1) -> (0, 0, 0, 0)>
#map1 = affine_map<(d0, d1) -> (0)>
#map2 = affine_map<(d0, d1) -> (0, 0, 0)>
module attributes {stable_mosaic.version = 14 : i64} {
  func.func @_sc_body(%arg0: i32, %arg1: i32, %arg2: memref<16x267x52x52xf32, #tpu.memory_space<hbm>>, %arg3: memref<16xf32, #tpu.memory_space<hbm>>, %arg4: memref<16x8112x85xf32, #tpu.memory_space<hbm>>, %arg5: memref<56x8x52xf32, #tpu.memory_space<vmem>>, %arg6: memref<33x8x52xf32, #tpu.memory_space<vmem>>, %arg7: memref<16x85xf32, #tpu.memory_space<vmem>>, %arg8: memref<16x85xf32, #tpu.memory_space<vmem>>, %arg9: memref<16xf32, #tpu.memory_space<vmem>>, %arg10: memref<!tpu.dma_semaphore, #tpu.memory_space<semaphore_mem>>, %arg11: memref<!tpu.dma_semaphore, #tpu.memory_space<semaphore_mem>>, %arg12: memref<!tpu.dma_semaphore, #tpu.memory_space<semaphore_mem>>) attributes {dimension_semantics = [#tpu.dimension_semantics<core_parallel>, #tpu.dimension_semantics<subcore_parallel>], iteration_bounds = array<i64: 2, 16>, scalar_prefetch = 0 : i64, scratch_operands = 8 : i64, tpu.core_type = #tpu.core_type<sc_vector_subcore>, window_params = [{transform_indices = #map}, {transform_indices = #map1}, {transform_indices = #map2}]} {
    %mul3A = arith.constant 2 : i32
    %mul3A_0 = arith.muli %arg1, %mul3A : i32
    %add3A = arith.addi %mul3A_0, %arg0 : i32
    "tpu.region"() ({
      %run_scoped3A = tpu.sem_alloc : memref<!tpu.dma_semaphore, #tpu.memory_space<semaphore_mem>>
      tpu.enqueue_dma source(%arg3 : memref<16xf32, #tpu.memory_space<hbm>>) target(%arg9 : memref<16xf32, #tpu.memory_space<vmem>>) target_semaphore(%run_scoped3A : memref<!tpu.dma_semaphore, #tpu.memory_space<semaphore_mem>>)
      tpu.wait_dma2 semaphore(%run_scoped3A : memref<!tpu.dma_semaphore, #tpu.memory_space<semaphore_mem>>) src(%arg3 : memref<16xf32, #tpu.memory_space<hbm>>) dst(%arg9 : memref<16xf32, #tpu.memory_space<vmem>>)
      tpu.yield
    }) : () -> ()
    %iota3A = tpu.iota {dimensions = array<i32: 0>} : vector<16xi32>
    %scan3A = arith.constant 0 : i32
    %scan3A_1 = arith.constant 0 : i32
    %scan3A_2 = arith.constant 9 : i32
    %scan3A_3 = arith.addi %scan3A_1, %scan3A_2 : i32
    %scan3A_4 = arith.constant 1 : i32
    scf.for %scan3A_12 = %scan3A_1 to %scan3A_3 step %scan3A_4  : i32 {
      %mul3A_13 = arith.constant 32 : i32
      %mul3A_14 = arith.muli %scan3A_12, %mul3A_13 : i32
      %add3A_15 = arith.addi %add3A, %mul3A_14 : i32
      %jit3A = arith.constant 6 : i32
      %div3A = arith.divsi %add3A_15, %jit3A : i32
      %sign3A = arith.constant 0 : i32
      %sign3A_16 = arith.cmpi sgt, %add3A_15, %sign3A : i32
      %sign3A_17 = arith.extui %sign3A_16 : i1 to i32
      %sign3A_18 = arith.constant 0 : i32
      %sign3A_19 = arith.cmpi slt, %add3A_15, %sign3A_18 : i32
      %sign3A_20 = arith.extui %sign3A_19 : i1 to i32
      %sign3A_21 = arith.subi %sign3A_17, %sign3A_20 : i32
      %sign3A_22 = arith.constant 0 : i32
      %sign3A_23 = arith.cmpi sgt, %jit3A, %sign3A_22 : i32
      %sign3A_24 = arith.extui %sign3A_23 : i1 to i32
      %sign3A_25 = arith.constant 0 : i32
      %sign3A_26 = arith.cmpi slt, %jit3A, %sign3A_25 : i32
      %sign3A_27 = arith.extui %sign3A_26 : i1 to i32
      %sign3A_28 = arith.subi %sign3A_24, %sign3A_27 : i32
      %ne3A = arith.cmpi ne, %sign3A_21, %sign3A_28 : i32
      %rem3A = arith.remsi %add3A_15, %jit3A : i32
      %ne3A_29 = arith.constant 0 : i32
      %ne3A_30 = arith.cmpi ne, %rem3A, %ne3A_29 : i32
      %and3A = arith.andi %ne3A, %ne3A_30 : i1
      %sub3A = arith.constant 1 : i32
      %sub3A_31 = arith.subi %div3A, %sub3A : i32
      %select_n3A = arith.select %and3A, %sub3A_31, %div3A : i32
      %mul3A_32 = arith.constant 6 : i32
      %mul3A_33 = arith.muli %select_n3A, %mul3A_32 : i32
      %sub3A_34 = arith.subi %add3A_15, %mul3A_33 : i32
      %mul3A_35 = arith.constant 8 : i32
      %mul3A_36 = arith.muli %sub3A_34, %mul3A_35 : i32
      %jit3A_37 = arith.constant 3 : i32
      %div3A_38 = arith.divsi %select_n3A, %jit3A_37 : i32
      %sign3A_39 = arith.constant 0 : i32
      %sign3A_40 = arith.cmpi sgt, %select_n3A, %sign3A_39 : i32
      %sign3A_41 = arith.extui %sign3A_40 : i1 to i32
      %sign3A_42 = arith.constant 0 : i32
      %sign3A_43 = arith.cmpi slt, %select_n3A, %sign3A_42 : i32
      %sign3A_44 = arith.extui %sign3A_43 : i1 to i32
      %sign3A_45 = arith.subi %sign3A_41, %sign3A_44 : i32
      %sign3A_46 = arith.constant 0 : i32
      %sign3A_47 = arith.cmpi sgt, %jit3A_37, %sign3A_46 : i32
      %sign3A_48 = arith.extui %sign3A_47 : i1 to i32
      %sign3A_49 = arith.constant 0 : i32
      %sign3A_50 = arith.cmpi slt, %jit3A_37, %sign3A_49 : i32
      %sign3A_51 = arith.extui %sign3A_50 : i1 to i32
      %sign3A_52 = arith.subi %sign3A_48, %sign3A_51 : i32
      %ne3A_53 = arith.cmpi ne, %sign3A_45, %sign3A_52 : i32
      %rem3A_54 = arith.remsi %select_n3A, %jit3A_37 : i32
      %ne3A_55 = arith.constant 0 : i32
      %ne3A_56 = arith.cmpi ne, %rem3A_54, %ne3A_55 : i32
      %and3A_57 = arith.andi %ne3A_53, %ne3A_56 : i1
      %sub3A_58 = arith.constant 1 : i32
      %sub3A_59 = arith.subi %div3A_38, %sub3A_58 : i32
      %select_n3A_60 = arith.select %and3A_57, %sub3A_59, %div3A_38 : i32
      %mul3A_61 = arith.constant 3 : i32
      %mul3A_62 = arith.muli %select_n3A_60, %mul3A_61 : i32
      %sub3A_63 = arith.subi %select_n3A, %mul3A_62 : i32
      %eq3A = arith.constant 0 : i32
      %eq3A_64 = arith.cmpi eq, %sub3A_63, %eq3A : i32
      %eq3A_65 = arith.constant 1 : i32
      %eq3A_66 = arith.cmpi eq, %sub3A_63, %eq3A_65 : i32
      %jit3A_67 = arith.constant 1.560000e+02 : f32
      %jit3A_68 = arith.constant 3.730000e+02 : f32
      %select_n3A_69 = arith.select %eq3A_66, %jit3A_67, %jit3A_68 : f32
      %jit3A_70 = arith.constant 1.160000e+02 : f32
      %select_n3A_71 = arith.select %eq3A_64, %jit3A_70, %select_n3A_69 : f32
      %eq3A_72 = arith.constant 0 : i32
      %eq3A_73 = arith.cmpi eq, %sub3A_63, %eq3A_72 : i32
      %eq3A_74 = arith.constant 1 : i32
      %eq3A_75 = arith.cmpi eq, %sub3A_63, %eq3A_74 : i32
      %jit3A_76 = arith.constant 1.980000e+02 : f32
      %jit3A_77 = arith.constant 3.260000e+02 : f32
      %select_n3A_78 = arith.select %eq3A_75, %jit3A_76, %jit3A_77 : f32
      %jit3A_79 = arith.constant 9.000000e+01 : f32
      %select_n3A_80 = arith.select %eq3A_73, %jit3A_79, %select_n3A_78 : f32
      %get3A = arith.constant 0 : index
      %get3A_81 = tpu.vector_load %arg9[%get3A] {strides = array<i32>} : memref<16xf32, #tpu.memory_space<vmem>>, vector<16xf32>,
      %mul3A_82 = arith.constant 2704 : i32
      %mul3A_83 = arith.muli %sub3A_63, %mul3A_82 : i32
      %mul3A_84 = arith.constant 52 : i32
      %mul3A_85 = arith.muli %mul3A_36, %mul3A_84 : i32
      %add3A_86 = arith.addi %mul3A_83, %mul3A_85 : i32
      %mul3A_87 = arith.constant 89 : i32
      %mul3A_88 = arith.muli %sub3A_63, %mul3A_87 : i32
      %dma_start3A = arith.constant 0 : i32
      %dma_start3A_89 = tpu.memref_slice %arg2[%select_n3A_60, %mul3A_88, %mul3A_36, %dma_start3A] : memref<16x267x52x52xf32, #tpu.memory_space<hbm>> -> memref<1x56x8x52xf32, #tpu.memory_space<hbm>>
      %dma_start3A_90 = tpu.memref_squeeze %dma_start3A_89 : memref<1x56x8x52xf32, #tpu.memory_space<hbm>> -> memref<56x8x52xf32, #tpu.memory_space<hbm>>
      %dma_start3A_91 = arith.constant 0 : i32
      %dma_start3A_92 = tpu.memref_slice %arg2[%select_n3A_60, %mul3A_88, %mul3A_36, %dma_start3A_91] : memref<16x267x52x52xf32, #tpu.memory_space<hbm>> -> memref<1x56x8x52xf32, #tpu.memory_space<hbm>>
      %dma_start3A_93 = tpu.memref_squeeze %dma_start3A_92 : memref<1x56x8x52xf32, #tpu.memory_space<hbm>> -> memref<56x8x52xf32, #tpu.memory_space<hbm>>
      tpu.enqueue_dma source(%dma_start3A_93 : memref<56x8x52xf32, #tpu.memory_space<hbm>>) target(%arg5 : memref<56x8x52xf32, #tpu.memory_space<vmem>>) target_semaphore(%arg10 : memref<!tpu.dma_semaphore, #tpu.memory_space<semaphore_mem>>)
      %mul3A_94 = arith.constant 89 : i32
      %mul3A_95 = arith.muli %sub3A_63, %mul3A_94 : i32
      %add3A_96 = arith.constant 56 : i32
      %add3A_97 = arith.addi %mul3A_95, %add3A_96 : i32
      %dma_start3A_98 = arith.constant 0 : i32
      %dma_start3A_99 = tpu.memref_slice %arg2[%select_n3A_60, %add3A_97, %mul3A_36, %dma_start3A_98] : memref<16x267x52x52xf32, #tpu.memory_space<hbm>> -> memref<1x33x8x52xf32, #tpu.memory_space<hbm>>
      %dma_start3A_100 = tpu.memref_squeeze %dma_start3A_99 : memref<1x33x8x52xf32, #tpu.memory_space<hbm>> -> memref<33x8x52xf32, #tpu.memory_space<hbm>>
      %dma_start3A_101 = arith.constant 0 : i32
      %dma_start3A_102 = tpu.memref_slice %arg2[%select_n3A_60, %add3A_97, %mul3A_36, %dma_start3A_101] : memref<16x267x52x52xf32, #tpu.memory_space<hbm>> -> memref<1x33x8x52xf32, #tpu.memory_space<hbm>>
      %dma_start3A_103 = tpu.memref_squeeze %dma_start3A_102 : memref<1x33x8x52xf32, #tpu.memory_space<hbm>> -> memref<33x8x52xf32, #tpu.memory_space<hbm>>
      tpu.enqueue_dma source(%dma_start3A_103 : memref<33x8x52xf32, #tpu.memory_space<hbm>>) target(%arg6 : memref<33x8x52xf32, #tpu.memory_space<vmem>>) target_semaphore(%arg10 : memref<!tpu.dma_semaphore, #tpu.memory_space<semaphore_mem>>)
      %dma_wait3A = arith.constant 0 : i32
      %dma_wait3A_104 = tpu.memref_slice %arg2[%select_n3A_60, %mul3A_88, %mul3A_36, %dma_wait3A] : memref<16x267x52x52xf32, #tpu.memory_space<hbm>> -> memref<1x56x8x52xf32, #tpu.memory_space<hbm>>
      %dma_wait3A_105 = tpu.memref_squeeze %dma_wait3A_104 : memref<1x56x8x52xf32, #tpu.memory_space<hbm>> -> memref<56x8x52xf32, #tpu.memory_space<hbm>>
      %dma_wait3A_106 = arith.constant 0 : i32
      %dma_wait3A_107 = tpu.memref_slice %arg2[%select_n3A_60, %mul3A_88, %mul3A_36, %dma_wait3A_106] : memref<16x267x52x52xf32, #tpu.memory_space<hbm>> -> memref<1x56x8x52xf32, #tpu.memory_space<hbm>>
      %dma_wait3A_108 = tpu.memref_squeeze %dma_wait3A_107 : memref<1x56x8x52xf32, #tpu.memory_space<hbm>> -> memref<56x8x52xf32, #tpu.memory_space<hbm>>
      tpu.wait_dma2 semaphore(%arg10 : memref<!tpu.dma_semaphore, #tpu.memory_space<semaphore_mem>>) src(%dma_wait3A_108 : memref<56x8x52xf32, #tpu.memory_space<hbm>>) dst(%arg5 : memref<56x8x52xf32, #tpu.memory_space<vmem>>)
      %dma_wait3A_109 = arith.constant 0 : i32
      %dma_wait3A_110 = tpu.memref_slice %arg2[%select_n3A_60, %add3A_97, %mul3A_36, %dma_wait3A_109] : memref<16x267x52x52xf32, #tpu.memory_space<hbm>> -> memref<1x33x8x52xf32, #tpu.memory_space<hbm>>
      %dma_wait3A_111 = tpu.memref_squeeze %dma_wait3A_110 : memref<1x33x8x52xf32, #tpu.memory_space<hbm>> -> memref<33x8x52xf32, #tpu.memory_space<hbm>>
      %dma_wait3A_112 = arith.constant 0 : i32
      %dma_wait3A_113 = tpu.memref_slice %arg2[%select_n3A_60, %add3A_97, %mul3A_36, %dma_wait3A_112] : memref<16x267x52x52xf32, #tpu.memory_space<hbm>> -> memref<1x33x8x52xf32, #tpu.memory_space<hbm>>
      %dma_wait3A_114 = tpu.memref_squeeze %dma_wait3A_113 : memref<1x33x8x52xf32, #tpu.memory_space<hbm>> -> memref<33x8x52xf32, #tpu.memory_space<hbm>>
      tpu.wait_dma2 semaphore(%arg10 : memref<!tpu.dma_semaphore, #tpu.memory_space<semaphore_mem>>) src(%dma_wait3A_114 : memref<33x8x52xf32, #tpu.memory_space<hbm>>) dst(%arg6 : memref<33x8x52xf32, #tpu.memory_space<vmem>>)
      %scan3A_115 = arith.constant 0 : i32
      %scan3A_116 = arith.constant 0 : i32
      %scan3A_117 = arith.constant 26 : i32
      %scan3A_118 = arith.addi %scan3A_116, %scan3A_117 : i32
      %scan3A_119 = arith.constant 1 : i32
      scf.for %scan3A_137 = %scan3A_116 to %scan3A_118 step %scan3A_119  : i32 {
        %rem3A_138 = arith.constant 2 : i32
        %rem3A_139 = arith.remsi %scan3A_137, %rem3A_138 : i32
        %eq3A_140 = arith.constant 0 : i32
        %eq3A_141 = arith.cmpi eq, %rem3A_139, %eq3A_140 : i32
        %convert_element_type3A = arith.extui %eq3A_141 : i1 to i32
        %cond3A = arith.constant 0 : i32
        %cond3A_142 = arith.cmpi ne, %convert_element_type3A, %cond3A : i32
        scf.if %cond3A_142 {
          %ge3A = arith.constant 2 : i32
          %ge3A_150 = arith.cmpi sge, %scan3A_137, %ge3A : i32
          %convert_element_type3A_151 = arith.extui %ge3A_150 : i1 to i32
          %cond3A_152 = arith.constant 0 : i32
          %cond3A_153 = arith.cmpi ne, %convert_element_type3A_151, %cond3A_152 : i32
          scf.if %cond3A_153 {
            %sub3A_328 = arith.constant 2 : i32
            %sub3A_329 = arith.subi %scan3A_137, %sub3A_328 : i32
            %mul3A_330 = arith.constant 16 : i32
            %mul3A_331 = arith.muli %sub3A_329, %mul3A_330 : i32
            %add3A_332 = arith.addi %add3A_86, %mul3A_331 : i32
            %dma_wait3A_333 = arith.constant 0 : i32
            %dma_wait3A_334 = tpu.memref_slice %arg4[%select_n3A_60, %add3A_332, %dma_wait3A_333] : memref<16x8112x85xf32, #tpu.memory_space<hbm>> -> memref<1x16x85xf32, #tpu.memory_space<hbm>>
            %dma_wait3A_335 = tpu.memref_squeeze %dma_wait3A_334 : memref<1x16x85xf32, #tpu.memory_space<hbm>> -> memref<16x85xf32, #tpu.memory_space<hbm>>
            %dma_wait3A_336 = arith.constant 0 : i32
            %dma_wait3A_337 = tpu.memref_slice %arg4[%select_n3A_60, %add3A_332, %dma_wait3A_336] : memref<16x8112x85xf32, #tpu.memory_space<hbm>> -> memref<1x16x85xf32, #tpu.memory_space<hbm>>
            %dma_wait3A_338 = tpu.memref_squeeze %dma_wait3A_337 : memref<1x16x85xf32, #tpu.memory_space<hbm>> -> memref<16x85xf32, #tpu.memory_space<hbm>>
            tpu.wait_dma2 semaphore(%arg11 : memref<!tpu.dma_semaphore, #tpu.memory_space<semaphore_mem>>) src(%arg7 : memref<16x85xf32, #tpu.memory_space<vmem>>) dst(%dma_wait3A_338 : memref<16x85xf32, #tpu.memory_space<hbm>>)
          } else {
          }
          %mul3A_154 = arith.constant 16 : i32
          %mul3A_155 = arith.muli %scan3A_137, %mul3A_154 : i32
          %add3A_156 = vector.broadcast %mul3A_155 : i32 to vector<16xi32>
          %add3A_157 = arith.addi %iota3A, %add3A_156 : vector<16xi32>
          %jit3A_158 = arith.constant 52 : i32
          %div3A_159 = vector.broadcast %jit3A_158 : i32 to vector<16xi32>
          %div3A_160 = arith.divsi %add3A_157, %div3A_159 : vector<16xi32>
          %sign3A_161 = arith.constant 0 : i32
          %sign3A_162 = vector.broadcast %sign3A_161 : i32 to vector<16xi32>
          %sign3A_163 = arith.cmpi sgt, %add3A_157, %sign3A_162 : vector<16xi32>
          %sign3A_164 = arith.extui %sign3A_163 : vector<16xi1> to vector<16xi32>
          %sign3A_165 = arith.constant 0 : i32
          %sign3A_166 = vector.broadcast %sign3A_165 : i32 to vector<16xi32>
          %sign3A_167 = arith.cmpi slt, %add3A_157, %sign3A_166 : vector<16xi32>
          %sign3A_168 = arith.extui %sign3A_167 : vector<16xi1> to vector<16xi32>
          %sign3A_169 = arith.subi %sign3A_164, %sign3A_168 : vector<16xi32>
          %sign3A_170 = arith.constant 0 : i32
          %sign3A_171 = arith.cmpi sgt, %jit3A_158, %sign3A_170 : i32
          %sign3A_172 = arith.extui %sign3A_171 : i1 to i32
          %sign3A_173 = arith.constant 0 : i32
          %sign3A_174 = arith.cmpi slt, %jit3A_158, %sign3A_173 : i32
          %sign3A_175 = arith.extui %sign3A_174 : i1 to i32
          %sign3A_176 = arith.subi %sign3A_172, %sign3A_175 : i32
          %ne3A_177 = vector.broadcast %sign3A_176 : i32 to vector<16xi32>
          %ne3A_178 = arith.cmpi ne, %sign3A_169, %ne3A_177 : vector<16xi32>
          %rem3A_179 = vector.broadcast %jit3A_158 : i32 to vector<16xi32>
          %rem3A_180 = arith.remsi %add3A_157, %rem3A_179 : vector<16xi32>
          %ne3A_181 = arith.constant 0 : i32
          %ne3A_182 = vector.broadcast %ne3A_181 : i32 to vector<16xi32>
          %ne3A_183 = arith.cmpi ne, %rem3A_180, %ne3A_182 : vector<16xi32>
          %and3A_184 = arith.andi %ne3A_178, %ne3A_183 : vector<16xi1>
          %sub3A_185 = arith.constant 1 : i32
          %sub3A_186 = vector.broadcast %sub3A_185 : i32 to vector<16xi32>
          %sub3A_187 = arith.subi %div3A_160, %sub3A_186 : vector<16xi32>
          %select_n3A_188 = arith.select %and3A_184, %sub3A_187, %div3A_160 : vector<16xi1>, vector<16xi32>
          %mul3A_189 = arith.constant 52 : i32
          %mul3A_190 = vector.broadcast %mul3A_189 : i32 to vector<16xi32>
          %mul3A_191 = arith.muli %select_n3A_188, %mul3A_190 : vector<16xi32>
          %sub3A_192 = arith.subi %add3A_157, %mul3A_191 : vector<16xi32>
          %broadcast_in_dim3A = arith.constant 0 : i32
          %broadcast_in_dim3A_193 = vector.broadcast %broadcast_in_dim3A : i32 to vector<16xi32>
          %gather3A = tpu.vector_load_idx %arg5[%broadcast_in_dim3A_193, %select_n3A_188, %sub3A_192] : memref<56x8x52xf32, #tpu.memory_space<vmem>>[vector<16xi32>, vector<16xi32>, vector<16xi32>], vector<16xf32>,
          %neg3A = arith.constant 0.000000e+00 : f32
          %neg3A_194 = vector.broadcast %neg3A : f32 to vector<16xf32>
          %neg3A_195 = arith.subf %neg3A_194, %gather3A : vector<16xf32>
          %exp3A = math.exp %neg3A_195 : vector<16xf32>
          %add3A_196 = arith.constant 1.000000e+00 : f32
          %add3A_197 = vector.broadcast %add3A_196 : f32 to vector<16xf32>
          %add3A_198 = arith.addf %add3A_197, %exp3A : vector<16xf32>
          %bitcast3A = vector.bitcast %add3A_198 : vector<16xf32> to vector<16xi32>
          %sub3A_199 = arith.constant 2129859011 : i32
          %sub3A_200 = vector.broadcast %sub3A_199 : i32 to vector<16xi32>
          %sub3A_201 = arith.subi %sub3A_200, %bitcast3A : vector<16xi32>
          %bitcast3A_202 = vector.bitcast %sub3A_201 : vector<16xi32> to vector<16xf32>
          %mul3A_203 = arith.mulf %add3A_198, %bitcast3A_202 : vector<16xf32>
          %sub3A_204 = arith.constant 2.000000e+00 : f32
          %sub3A_205 = vector.broadcast %sub3A_204 : f32 to vector<16xf32>
          %sub3A_206 = arith.subf %sub3A_205, %mul3A_203 : vector<16xf32>
          %mul3A_207 = arith.mulf %bitcast3A_202, %sub3A_206 : vector<16xf32>
          %mul3A_208 = arith.mulf %add3A_198, %mul3A_207 : vector<16xf32>
          %sub3A_209 = arith.constant 2.000000e+00 : f32
          %sub3A_210 = vector.broadcast %sub3A_209 : f32 to vector<16xf32>
          %sub3A_211 = arith.subf %sub3A_210, %mul3A_208 : vector<16xf32>
          %mul3A_212 = arith.mulf %mul3A_207, %sub3A_211 : vector<16xf32>
          %mul3A_213 = arith.mulf %add3A_198, %mul3A_212 : vector<16xf32>
          %sub3A_214 = arith.constant 2.000000e+00 : f32
          %sub3A_215 = vector.broadcast %sub3A_214 : f32 to vector<16xf32>
          %sub3A_216 = arith.subf %sub3A_215, %mul3A_213 : vector<16xf32>
          %mul3A_217 = arith.mulf %mul3A_212, %sub3A_216 : vector<16xf32>
          %add3A_218 = arith.constant 1 : i32
          %add3A_219 = vector.broadcast %add3A_218 : i32 to vector<16xi32>
          %add3A_220 = arith.addi %broadcast_in_dim3A_193, %add3A_219 : vector<16xi32>
          %gather3A_221 = tpu.vector_load_idx %arg5[%add3A_220, %select_n3A_188, %sub3A_192] : memref<56x8x52xf32, #tpu.memory_space<vmem>>[vector<16xi32>, vector<16xi32>, vector<16xi32>], vector<16xf32>,
          %neg3A_222 = arith.constant 0.000000e+00 : f32
          %neg3A_223 = vector.broadcast %neg3A_222 : f32 to vector<16xf32>
          %neg3A_224 = arith.subf %neg3A_223, %gather3A_221 : vector<16xf32>
          %exp3A_225 = math.exp %neg3A_224 : vector<16xf32>
          %add3A_226 = arith.constant 1.000000e+00 : f32
          %add3A_227 = vector.broadcast %add3A_226 : f32 to vector<16xf32>
          %add3A_228 = arith.addf %add3A_227, %exp3A_225 : vector<16xf32>
          %bitcast3A_229 = vector.bitcast %add3A_228 : vector<16xf32> to vector<16xi32>
          %sub3A_230 = arith.constant 2129859011 : i32
          %sub3A_231 = vector.broadcast %sub3A_230 : i32 to vector<16xi32>
          %sub3A_232 = arith.subi %sub3A_231, %bitcast3A_229 : vector<16xi32>
          %bitcast3A_233 = vector.bitcast %sub3A_232 : vector<16xi32> to vector<16xf32>
          %mul3A_234 = arith.mulf %add3A_228, %bitcast3A_233 : vector<16xf32>
          %sub3A_235 = arith.constant 2.000000e+00 : f32
          %sub3A_236 = vector.broadcast %sub3A_235 : f32 to vector<16xf32>
          %sub3A_237 = arith.subf %sub3A_236, %mul3A_234 : vector<16xf32>
          %mul3A_238 = arith.mulf %bitcast3A_233, %sub3A_237 : vector<16xf32>
          %mul3A_239 = arith.mulf %add3A_228, %mul3A_238 : vector<16xf32>
          %sub3A_240 = arith.constant 2.000000e+00 : f32
          %sub3A_241 = vector.broadcast %sub3A_240 : f32 to vector<16xf32>
          %sub3A_242 = arith.subf %sub3A_241, %mul3A_239 : vector<16xf32>
          %mul3A_243 = arith.mulf %mul3A_238, %sub3A_242 : vector<16xf32>
          %mul3A_244 = arith.mulf %add3A_228, %mul3A_243 : vector<16xf32>
          %sub3A_245 = arith.constant 2.000000e+00 : f32
          %sub3A_246 = vector.broadcast %sub3A_245 : f32 to vector<16xf32>
          %sub3A_247 = arith.subf %sub3A_246, %mul3A_244 : vector<16xf32>
          %mul3A_248 = arith.mulf %mul3A_243, %sub3A_247 : vector<16xf32>
          %add3A_249 = arith.constant 2 : i32
          %add3A_250 = vector.broadcast %add3A_249 : i32 to vector<16xi32>
          %add3A_251 = arith.addi %broadcast_in_dim3A_193, %add3A_250 : vector<16xi32>
          %gather3A_252 = tpu.vector_load_idx %arg5[%add3A_251, %select_n3A_188, %sub3A_192] : memref<56x8x52xf32, #tpu.memory_space<vmem>>[vector<16xi32>, vector<16xi32>, vector<16xi32>], vector<16xf32>,
          %exp3A_253 = math.exp %gather3A_252 : vector<16xf32>
          %add3A_254 = arith.constant 3 : i32
          %add3A_255 = vector.broadcast %add3A_254 : i32 to vector<16xi32>
          %add3A_256 = arith.addi %broadcast_in_dim3A_193, %add3A_255 : vector<16xi32>
          %gather3A_257 = tpu.vector_load_idx %arg5[%add3A_256, %select_n3A_188, %sub3A_192] : memref<56x8x52xf32, #tpu.memory_space<vmem>>[vector<16xi32>, vector<16xi32>, vector<16xi32>], vector<16xf32>,
          %exp3A_258 = math.exp %gather3A_257 : vector<16xf32>
          %add3A_259 = arith.constant 32 : i32
          %add3A_260 = vector.broadcast %add3A_259 : i32 to vector<16xi32>
          %add3A_261 = arith.addi %broadcast_in_dim3A_193, %add3A_260 : vector<16xi32>
          %gather3A_262 = tpu.vector_load_idx %arg6[%add3A_261, %select_n3A_188, %sub3A_192] : memref<33x8x52xf32, #tpu.memory_space<vmem>>[vector<16xi32>, vector<16xi32>, vector<16xi32>], vector<16xf32>,
          %neg3A_263 = arith.constant 0.000000e+00 : f32
          %neg3A_264 = vector.broadcast %neg3A_263 : f32 to vector<16xf32>
          %neg3A_265 = arith.subf %neg3A_264, %gather3A_262 : vector<16xf32>
          %exp3A_266 = math.exp %neg3A_265 : vector<16xf32>
          %add3A_267 = arith.constant 1.000000e+00 : f32
          %add3A_268 = vector.broadcast %add3A_267 : f32 to vector<16xf32>
          %add3A_269 = arith.addf %add3A_268, %exp3A_266 : vector<16xf32>
          %bitcast3A_270 = vector.bitcast %add3A_269 : vector<16xf32> to vector<16xi32>
          %sub3A_271 = arith.constant 2129859011 : i32
          %sub3A_272 = vector.broadcast %sub3A_271 : i32 to vector<16xi32>
          %sub3A_273 = arith.subi %sub3A_272, %bitcast3A_270 : vector<16xi32>
          %bitcast3A_274 = vector.bitcast %sub3A_273 : vector<16xi32> to vector<16xf32>
          %mul3A_275 = arith.mulf %add3A_269, %bitcast3A_274 : vector<16xf32>
          %sub3A_276 = arith.constant 2.000000e+00 : f32
          %sub3A_277 = vector.broadcast %sub3A_276 : f32 to vector<16xf32>
          %sub3A_278 = arith.subf %sub3A_277, %mul3A_275 : vector<16xf32>
          %mul3A_279 = arith.mulf %bitcast3A_274, %sub3A_278 : vector<16xf32>
          %mul3A_280 = arith.mulf %add3A_269, %mul3A_279 : vector<16xf32>
          %sub3A_281 = arith.constant 2.000000e+00 : f32
          %sub3A_282 = vector.broadcast %sub3A_281 : f32 to vector<16xf32>
          %sub3A_283 = arith.subf %sub3A_282, %mul3A_280 : vector<16xf32>
          %mul3A_284 = arith.mulf %mul3A_279, %sub3A_283 : vector<16xf32>
          %mul3A_285 = arith.mulf %add3A_269, %mul3A_284 : vector<16xf32>
          %sub3A_286 = arith.constant 2.000000e+00 : f32
          %sub3A_287 = vector.broadcast %sub3A_286 : f32 to vector<16xf32>
          %sub3A_288 = arith.subf %sub3A_287, %mul3A_285 : vector<16xf32>
          %mul3A_289 = arith.mulf %mul3A_284, %sub3A_288 : vector<16xf32>
          %convert_element_type3A_290 = arith.sitofp %sub3A_192 : vector<16xi32> to vector<16xf32>
          %add3A_291 = arith.addf %mul3A_217, %convert_element_type3A_290 : vector<16xf32>
          %mul3A_292 = arith.mulf %add3A_291, %get3A_81 : vector<16xf32>
          tpu.vector_store_idx %arg7[%iota3A, %broadcast_in_dim3A_193], %mul3A_292 : memref<16x85xf32, #tpu.memory_space<vmem>>[vector<16xi32>, vector<16xi32>], vector<16xf32>,
          %add3A_293 = arith.constant 1 : i32
          %add3A_294 = vector.broadcast %add3A_293 : i32 to vector<16xi32>
          %add3A_295 = arith.addi %broadcast_in_dim3A_193, %add3A_294 : vector<16xi32>
          %add3A_296 = vector.broadcast %mul3A_36 : i32 to vector<16xi32>
          %add3A_297 = arith.addi %select_n3A_188, %add3A_296 : vector<16xi32>
          %convert_element_type3A_298 = arith.sitofp %add3A_297 : vector<16xi32> to vector<16xf32>
          %add3A_299 = arith.addf %mul3A_248, %convert_element_type3A_298 : vector<16xf32>
          %mul3A_300 = arith.mulf %add3A_299, %get3A_81 : vector<16xf32>
          tpu.vector_store_idx %arg7[%iota3A, %add3A_295], %mul3A_300 : memref<16x85xf32, #tpu.memory_space<vmem>>[vector<16xi32>, vector<16xi32>], vector<16xf32>,
          %add3A_301 = arith.constant 2 : i32
          %add3A_302 = vector.broadcast %add3A_301 : i32 to vector<16xi32>
          %add3A_303 = arith.addi %broadcast_in_dim3A_193, %add3A_302 : vector<16xi32>
          %mul3A_304 = vector.broadcast %select_n3A_71 : f32 to vector<16xf32>
          %mul3A_305 = arith.mulf %exp3A_253, %mul3A_304 : vector<16xf32>
          tpu.vector_store_idx %arg7[%iota3A, %add3A_303], %mul3A_305 : memref<16x85xf32, #tpu.memory_space<vmem>>[vector<16xi32>, vector<16xi32>], vector<16xf32>,
          %add3A_306 = arith.constant 3 : i32
          %add3A_307 = vector.broadcast %add3A_306 : i32 to vector<16xi32>
          %add3A_308 = arith.addi %broadcast_in_dim3A_193, %add3A_307 : vector<16xi32>
          %mul3A_309 = vector.broadcast %select_n3A_80 : f32 to vector<16xf32>
          %mul3A_310 = arith.mulf %exp3A_258, %mul3A_309 : vector<16xf32>
          tpu.vector_store_idx %arg7[%iota3A, %add3A_308], %mul3A_310 : memref<16x85xf32, #tpu.memory_space<vmem>>[vector<16xi32>, vector<16xi32>], vector<16xf32>,
          %add3A_311 = arith.constant 84 : i32
          %add3A_312 = vector.broadcast %add3A_311 : i32 to vector<16xi32>
          %add3A_313 = arith.addi %broadcast_in_dim3A_193, %add3A_312 : vector<16xi32>
          tpu.vector_store_idx %arg7[%iota3A, %add3A_313], %mul3A_289 : memref<16x85xf32, #tpu.memory_space<vmem>>[vector<16xi32>, vector<16xi32>], vector<16xf32>,
          %parallel_loop3A = arith.constant 0 : i32
          %parallel_loop3A_314 = arith.constant 48 : i32
          %parallel_loop3A_315 = arith.constant 1 : i32
          scf.for %parallel_loop3A_328 = %parallel_loop3A to %parallel_loop3A_314 step %parallel_loop3A_315  : i32 {
            %parallel_loop3A_329 = arith.constant 8 : i32
            %parallel_loop3A_330 = arith.addi %parallel_loop3A_328, %parallel_loop3A_329 : i32
            %parallel_loop3A_331 = vector.broadcast %parallel_loop3A_330 : i32 to vector<16xi32>
            %parallel_loop3A_332 = arith.addi %broadcast_in_dim3A_193, %parallel_loop3A_331 : vector<16xi32>
            %parallel_loop3A_333 = tpu.vector_load_idx %arg5[%parallel_loop3A_332, %select_n3A_188, %sub3A_192] : memref<56x8x52xf32, #tpu.memory_space<vmem>>[vector<16xi32>, vector<16xi32>, vector<16xi32>], vector<16xf32>,
            %parallel_loop3A_334 = arith.constant 0.000000e+00 : f32
            %parallel_loop3A_335 = vector.broadcast %parallel_loop3A_334 : f32 to vector<16xf32>
            %parallel_loop3A_336 = arith.subf %parallel_loop3A_335, %parallel_loop3A_333 : vector<16xf32>
            %parallel_loop3A_337 = math.exp %parallel_loop3A_336 : vector<16xf32>
            %parallel_loop3A_338 = arith.constant 1.000000e+00 : f32
            %parallel_loop3A_339 = vector.broadcast %parallel_loop3A_338 : f32 to vector<16xf32>
            %parallel_loop3A_340 = arith.addf %parallel_loop3A_339, %parallel_loop3A_337 : vector<16xf32>
            %parallel_loop3A_341 = vector.bitcast %parallel_loop3A_340 : vector<16xf32> to vector<16xi32>
            %parallel_loop3A_342 = arith.constant 2129859011 : i32
            %parallel_loop3A_343 = vector.broadcast %parallel_loop3A_342 : i32 to vector<16xi32>
            %parallel_loop3A_344 = arith.subi %parallel_loop3A_343, %parallel_loop3A_341 : vector<16xi32>
            %parallel_loop3A_345 = vector.bitcast %parallel_loop3A_344 : vector<16xi32> to vector<16xf32>
            %parallel_loop3A_346 = arith.mulf %parallel_loop3A_340, %parallel_loop3A_345 : vector<16xf32>
            %parallel_loop3A_347 = arith.constant 2.000000e+00 : f32
            %parallel_loop3A_348 = vector.broadcast %parallel_loop3A_347 : f32 to vector<16xf32>
            %parallel_loop3A_349 = arith.subf %parallel_loop3A_348, %parallel_loop3A_346 : vector<16xf32>
            %parallel_loop3A_350 = arith.mulf %parallel_loop3A_345, %parallel_loop3A_349 : vector<16xf32>
            %parallel_loop3A_351 = arith.mulf %parallel_loop3A_340, %parallel_loop3A_350 : vector<16xf32>
            %parallel_loop3A_352 = arith.constant 2.000000e+00 : f32
            %parallel_loop3A_353 = vector.broadcast %parallel_loop3A_352 : f32 to vector<16xf32>
            %parallel_loop3A_354 = arith.subf %parallel_loop3A_353, %parallel_loop3A_351 : vector<16xf32>
            %parallel_loop3A_355 = arith.mulf %parallel_loop3A_350, %parallel_loop3A_354 : vector<16xf32>
            %parallel_loop3A_356 = arith.mulf %parallel_loop3A_340, %parallel_loop3A_355 : vector<16xf32>
            %parallel_loop3A_357 = arith.constant 2.000000e+00 : f32
            %parallel_loop3A_358 = vector.broadcast %parallel_loop3A_357 : f32 to vector<16xf32>
            %parallel_loop3A_359 = arith.subf %parallel_loop3A_358, %parallel_loop3A_356 : vector<16xf32>
            %parallel_loop3A_360 = arith.mulf %parallel_loop3A_355, %parallel_loop3A_359 : vector<16xf32>
            %parallel_loop3A_361 = arith.constant 4 : i32
            %parallel_loop3A_362 = arith.addi %parallel_loop3A_328, %parallel_loop3A_361 : i32
            %parallel_loop3A_363 = vector.broadcast %parallel_loop3A_362 : i32 to vector<16xi32>
            %parallel_loop3A_364 = arith.addi %broadcast_in_dim3A_193, %parallel_loop3A_363 : vector<16xi32>
            tpu.vector_store_idx %arg7[%iota3A, %parallel_loop3A_364], %parallel_loop3A_360 : memref<16x85xf32, #tpu.memory_space<vmem>>[vector<16xi32>, vector<16xi32>], vector<16xf32>,
          } {sc.loop_unroll_factor = 4 : i64, sc.parallel_access}
          %parallel_loop3A_316 = arith.constant 0 : i32
          %parallel_loop3A_317 = arith.constant 32 : i32
          %parallel_loop3A_318 = arith.constant 1 : i32
          scf.for %parallel_loop3A_328 = %parallel_loop3A_316 to %parallel_loop3A_317 step %parallel_loop3A_318  : i32 {
            %parallel_loop3A_329 = vector.broadcast %parallel_loop3A_328 : i32 to vector<16xi32>
            %parallel_loop3A_330 = arith.addi %broadcast_in_dim3A_193, %parallel_loop3A_329 : vector<16xi32>
            %parallel_loop3A_331 = tpu.vector_load_idx %arg6[%parallel_loop3A_330, %select_n3A_188, %sub3A_192] : memref<33x8x52xf32, #tpu.memory_space<vmem>>[vector<16xi32>, vector<16xi32>, vector<16xi32>], vector<16xf32>,
            %parallel_loop3A_332 = arith.constant 0.000000e+00 : f32
            %parallel_loop3A_333 = vector.broadcast %parallel_loop3A_332 : f32 to vector<16xf32>
            %parallel_loop3A_334 = arith.subf %parallel_loop3A_333, %parallel_loop3A_331 : vector<16xf32>
            %parallel_loop3A_335 = math.exp %parallel_loop3A_334 : vector<16xf32>
            %parallel_loop3A_336 = arith.constant 1.000000e+00 : f32
            %parallel_loop3A_337 = vector.broadcast %parallel_loop3A_336 : f32 to vector<16xf32>
            %parallel_loop3A_338 = arith.addf %parallel_loop3A_337, %parallel_loop3A_335 : vector<16xf32>
            %parallel_loop3A_339 = vector.bitcast %parallel_loop3A_338 : vector<16xf32> to vector<16xi32>
            %parallel_loop3A_340 = arith.constant 2129859011 : i32
            %parallel_loop3A_341 = vector.broadcast %parallel_loop3A_340 : i32 to vector<16xi32>
            %parallel_loop3A_342 = arith.subi %parallel_loop3A_341, %parallel_loop3A_339 : vector<16xi32>
            %parallel_loop3A_343 = vector.bitcast %parallel_loop3A_342 : vector<16xi32> to vector<16xf32>
            %parallel_loop3A_344 = arith.mulf %parallel_loop3A_338, %parallel_loop3A_343 : vector<16xf32>
            %parallel_loop3A_345 = arith.constant 2.000000e+00 : f32
            %parallel_loop3A_346 = vector.broadcast %parallel_loop3A_345 : f32 to vector<16xf32>
            %parallel_loop3A_347 = arith.subf %parallel_loop3A_346, %parallel_loop3A_344 : vector<16xf32>
            %parallel_loop3A_348 = arith.mulf %parallel_loop3A_343, %parallel_loop3A_347 : vector<16xf32>
            %parallel_loop3A_349 = arith.mulf %parallel_loop3A_338, %parallel_loop3A_348 : vector<16xf32>
            %parallel_loop3A_350 = arith.constant 2.000000e+00 : f32
            %parallel_loop3A_351 = vector.broadcast %parallel_loop3A_350 : f32 to vector<16xf32>
            %parallel_loop3A_352 = arith.subf %parallel_loop3A_351, %parallel_loop3A_349 : vector<16xf32>
            %parallel_loop3A_353 = arith.mulf %parallel_loop3A_348, %parallel_loop3A_352 : vector<16xf32>
            %parallel_loop3A_354 = arith.mulf %parallel_loop3A_338, %parallel_loop3A_353 : vector<16xf32>
            %parallel_loop3A_355 = arith.constant 2.000000e+00 : f32
            %parallel_loop3A_356 = vector.broadcast %parallel_loop3A_355 : f32 to vector<16xf32>
            %parallel_loop3A_357 = arith.subf %parallel_loop3A_356, %parallel_loop3A_354 : vector<16xf32>
            %parallel_loop3A_358 = arith.mulf %parallel_loop3A_353, %parallel_loop3A_357 : vector<16xf32>
            %parallel_loop3A_359 = arith.constant 52 : i32
            %parallel_loop3A_360 = arith.addi %parallel_loop3A_328, %parallel_loop3A_359 : i32
            %parallel_loop3A_361 = vector.broadcast %parallel_loop3A_360 : i32 to vector<16xi32>
            %parallel_loop3A_362 = arith.addi %broadcast_in_dim3A_193, %parallel_loop3A_361 : vector<16xi32>
            tpu.vector_store_idx %arg7[%iota3A, %parallel_loop3A_362], %parallel_loop3A_358 : memref<16x85xf32, #tpu.memory_space<vmem>>[vector<16xi32>, vector<16xi32>], vector<16xf32>,
          } {sc.loop_unroll_factor = 4 : i64, sc.parallel_access}
          %mul3A_319 = arith.constant 16 : i32
          %mul3A_320 = arith.muli %scan3A_137, %mul3A_319 : i32
          %add3A_321 = arith.addi %add3A_86, %mul3A_320 : i32
          %dma_start3A_322 = arith.constant 0 : i32
          %dma_start3A_323 = tpu.memref_slice %arg4[%select_n3A_60, %add3A_321, %dma_start3A_322] : memref<16x8112x85xf32, #tpu.memory_space<hbm>> -> memref<1x16x85xf32, #tpu.memory_space<hbm>>
          %dma_start3A_324 = tpu.memref_squeeze %dma_start3A_323 : memref<1x16x85xf32, #tpu.memory_space<hbm>> -> memref<16x85xf32, #tpu.memory_space<hbm>>
          %dma_start3A_325 = arith.constant 0 : i32
          %dma_start3A_326 = tpu.memref_slice %arg4[%select_n3A_60, %add3A_321, %dma_start3A_325] : memref<16x8112x85xf32, #tpu.memory_space<hbm>> -> memref<1x16x85xf32, #tpu.memory_space<hbm>>
          %dma_start3A_327 = tpu.memref_squeeze %dma_start3A_326 : memref<1x16x85xf32, #tpu.memory_space<hbm>> -> memref<16x85xf32, #tpu.memory_space<hbm>>
          tpu.enqueue_dma source(%arg7 : memref<16x85xf32, #tpu.memory_space<vmem>>) target(%dma_start3A_327 : memref<16x85xf32, #tpu.memory_space<hbm>>) target_semaphore(%arg11 : memref<!tpu.dma_semaphore, #tpu.memory_space<semaphore_mem>>)
        } else {
        }
        %rem3A_143 = arith.constant 2 : i32
        %rem3A_144 = arith.remsi %scan3A_137, %rem3A_143 : i32
        %eq3A_145 = arith.constant 1 : i32
        %eq3A_146 = arith.cmpi eq, %rem3A_144, %eq3A_145 : i32
        %convert_element_type3A_147 = arith.extui %eq3A_146 : i1 to i32
        %cond3A_148 = arith.constant 0 : i32
        %cond3A_149 = arith.cmpi ne, %convert_element_type3A_147, %cond3A_148 : i32
        scf.if %cond3A_149 {
          %ge3A = arith.constant 3 : i32
          %ge3A_150 = arith.cmpi sge, %scan3A_137, %ge3A : i32
          %convert_element_type3A_151 = arith.extui %ge3A_150 : i1 to i32
          %cond3A_152 = arith.constant 0 : i32
          %cond3A_153 = arith.cmpi ne, %convert_element_type3A_151, %cond3A_152 : i32
          scf.if %cond3A_153 {
            %sub3A_328 = arith.constant 2 : i32
            %sub3A_329 = arith.subi %scan3A_137, %sub3A_328 : i32
            %mul3A_330 = arith.constant 16 : i32
            %mul3A_331 = arith.muli %sub3A_329, %mul3A_330 : i32
            %add3A_332 = arith.addi %add3A_86, %mul3A_331 : i32
            %dma_wait3A_333 = arith.constant 0 : i32
            %dma_wait3A_334 = tpu.memref_slice %arg4[%select_n3A_60, %add3A_332, %dma_wait3A_333] : memref<16x8112x85xf32, #tpu.memory_space<hbm>> -> memref<1x16x85xf32, #tpu.memory_space<hbm>>
            %dma_wait3A_335 = tpu.memref_squeeze %dma_wait3A_334 : memref<1x16x85xf32, #tpu.memory_space<hbm>> -> memref<16x85xf32, #tpu.memory_space<hbm>>
            %dma_wait3A_336 = arith.constant 0 : i32
            %dma_wait3A_337 = tpu.memref_slice %arg4[%select_n3A_60, %add3A_332, %dma_wait3A_336] : memref<16x8112x85xf32, #tpu.memory_space<hbm>> -> memref<1x16x85xf32, #tpu.memory_space<hbm>>
            %dma_wait3A_338 = tpu.memref_squeeze %dma_wait3A_337 : memref<1x16x85xf32, #tpu.memory_space<hbm>> -> memref<16x85xf32, #tpu.memory_space<hbm>>
            tpu.wait_dma2 semaphore(%arg12 : memref<!tpu.dma_semaphore, #tpu.memory_space<semaphore_mem>>) src(%arg8 : memref<16x85xf32, #tpu.memory_space<vmem>>) dst(%dma_wait3A_338 : memref<16x85xf32, #tpu.memory_space<hbm>>)
          } else {
          }
          %mul3A_154 = arith.constant 16 : i32
          %mul3A_155 = arith.muli %scan3A_137, %mul3A_154 : i32
          %add3A_156 = vector.broadcast %mul3A_155 : i32 to vector<16xi32>
          %add3A_157 = arith.addi %iota3A, %add3A_156 : vector<16xi32>
          %jit3A_158 = arith.constant 52 : i32
          %div3A_159 = vector.broadcast %jit3A_158 : i32 to vector<16xi32>
          %div3A_160 = arith.divsi %add3A_157, %div3A_159 : vector<16xi32>
          %sign3A_161 = arith.constant 0 : i32
          %sign3A_162 = vector.broadcast %sign3A_161 : i32 to vector<16xi32>
          %sign3A_163 = arith.cmpi sgt, %add3A_157, %sign3A_162 : vector<16xi32>
          %sign3A_164 = arith.extui %sign3A_163 : vector<16xi1> to vector<16xi32>
          %sign3A_165 = arith.constant 0 : i32
          %sign3A_166 = vector.broadcast %sign3A_165 : i32 to vector<16xi32>
          %sign3A_167 = arith.cmpi slt, %add3A_157, %sign3A_166 : vector<16xi32>
          %sign3A_168 = arith.extui %sign3A_167 : vector<16xi1> to vector<16xi32>
          %sign3A_169 = arith.subi %sign3A_164, %sign3A_168 : vector<16xi32>
          %sign3A_170 = arith.constant 0 : i32
          %sign3A_171 = arith.cmpi sgt, %jit3A_158, %sign3A_170 : i32
          %sign3A_172 = arith.extui %sign3A_171 : i1 to i32
          %sign3A_173 = arith.constant 0 : i32
          %sign3A_174 = arith.cmpi slt, %jit3A_158, %sign3A_173 : i32
          %sign3A_175 = arith.extui %sign3A_174 : i1 to i32
          %sign3A_176 = arith.subi %sign3A_172, %sign3A_175 : i32
          %ne3A_177 = vector.broadcast %sign3A_176 : i32 to vector<16xi32>
          %ne3A_178 = arith.cmpi ne, %sign3A_169, %ne3A_177 : vector<16xi32>
          %rem3A_179 = vector.broadcast %jit3A_158 : i32 to vector<16xi32>
          %rem3A_180 = arith.remsi %add3A_157, %rem3A_179 : vector<16xi32>
          %ne3A_181 = arith.constant 0 : i32
          %ne3A_182 = vector.broadcast %ne3A_181 : i32 to vector<16xi32>
          %ne3A_183 = arith.cmpi ne, %rem3A_180, %ne3A_182 : vector<16xi32>
          %and3A_184 = arith.andi %ne3A_178, %ne3A_183 : vector<16xi1>
          %sub3A_185 = arith.constant 1 : i32
          %sub3A_186 = vector.broadcast %sub3A_185 : i32 to vector<16xi32>
          %sub3A_187 = arith.subi %div3A_160, %sub3A_186 : vector<16xi32>
          %select_n3A_188 = arith.select %and3A_184, %sub3A_187, %div3A_160 : vector<16xi1>, vector<16xi32>
          %mul3A_189 = arith.constant 52 : i32
          %mul3A_190 = vector.broadcast %mul3A_189 : i32 to vector<16xi32>
          %mul3A_191 = arith.muli %select_n3A_188, %mul3A_190 : vector<16xi32>
          %sub3A_192 = arith.subi %add3A_157, %mul3A_191 : vector<16xi32>
          %broadcast_in_dim3A = arith.constant 0 : i32
          %broadcast_in_dim3A_193 = vector.broadcast %broadcast_in_dim3A : i32 to vector<16xi32>
          %gather3A = tpu.vector_load_idx %arg5[%broadcast_in_dim3A_193, %select_n3A_188, %sub3A_192] : memref<56x8x52xf32, #tpu.memory_space<vmem>>[vector<16xi32>, vector<16xi32>, vector<16xi32>], vector<16xf32>,
          %neg3A = arith.constant 0.000000e+00 : f32
          %neg3A_194 = vector.broadcast %neg3A : f32 to vector<16xf32>
          %neg3A_195 = arith.subf %neg3A_194, %gather3A : vector<16xf32>
          %exp3A = math.exp %neg3A_195 : vector<16xf32>
          %add3A_196 = arith.constant 1.000000e+00 : f32
          %add3A_197 = vector.broadcast %add3A_196 : f32 to vector<16xf32>
          %add3A_198 = arith.addf %add3A_197, %exp3A : vector<16xf32>
          %bitcast3A = vector.bitcast %add3A_198 : vector<16xf32> to vector<16xi32>
          %sub3A_199 = arith.constant 2129859011 : i32
          %sub3A_200 = vector.broadcast %sub3A_199 : i32 to vector<16xi32>
          %sub3A_201 = arith.subi %sub3A_200, %bitcast3A : vector<16xi32>
          %bitcast3A_202 = vector.bitcast %sub3A_201 : vector<16xi32> to vector<16xf32>
          %mul3A_203 = arith.mulf %add3A_198, %bitcast3A_202 : vector<16xf32>
          %sub3A_204 = arith.constant 2.000000e+00 : f32
          %sub3A_205 = vector.broadcast %sub3A_204 : f32 to vector<16xf32>
          %sub3A_206 = arith.subf %sub3A_205, %mul3A_203 : vector<16xf32>
          %mul3A_207 = arith.mulf %bitcast3A_202, %sub3A_206 : vector<16xf32>
          %mul3A_208 = arith.mulf %add3A_198, %mul3A_207 : vector<16xf32>
          %sub3A_209 = arith.constant 2.000000e+00 : f32
          %sub3A_210 = vector.broadcast %sub3A_209 : f32 to vector<16xf32>
          %sub3A_211 = arith.subf %sub3A_210, %mul3A_208 : vector<16xf32>
          %mul3A_212 = arith.mulf %mul3A_207, %sub3A_211 : vector<16xf32>
          %mul3A_213 = arith.mulf %add3A_198, %mul3A_212 : vector<16xf32>
          %sub3A_214 = arith.constant 2.000000e+00 : f32
          %sub3A_215 = vector.broadcast %sub3A_214 : f32 to vector<16xf32>
          %sub3A_216 = arith.subf %sub3A_215, %mul3A_213 : vector<16xf32>
          %mul3A_217 = arith.mulf %mul3A_212, %sub3A_216 : vector<16xf32>
          %add3A_218 = arith.constant 1 : i32
          %add3A_219 = vector.broadcast %add3A_218 : i32 to vector<16xi32>
          %add3A_220 = arith.addi %broadcast_in_dim3A_193, %add3A_219 : vector<16xi32>
          %gather3A_221 = tpu.vector_load_idx %arg5[%add3A_220, %select_n3A_188, %sub3A_192] : memref<56x8x52xf32, #tpu.memory_space<vmem>>[vector<16xi32>, vector<16xi32>, vector<16xi32>], vector<16xf32>,
          %neg3A_222 = arith.constant 0.000000e+00 : f32
          %neg3A_223 = vector.broadcast %neg3A_222 : f32 to vector<16xf32>
          %neg3A_224 = arith.subf %neg3A_223, %gather3A_221 : vector<16xf32>
          %exp3A_225 = math.exp %neg3A_224 : vector<16xf32>
          %add3A_226 = arith.constant 1.000000e+00 : f32
          %add3A_227 = vector.broadcast %add3A_226 : f32 to vector<16xf32>
          %add3A_228 = arith.addf %add3A_227, %exp3A_225 : vector<16xf32>
          %bitcast3A_229 = vector.bitcast %add3A_228 : vector<16xf32> to vector<16xi32>
          %sub3A_230 = arith.constant 2129859011 : i32
          %sub3A_231 = vector.broadcast %sub3A_230 : i32 to vector<16xi32>
          %sub3A_232 = arith.subi %sub3A_231, %bitcast3A_229 : vector<16xi32>
          %bitcast3A_233 = vector.bitcast %sub3A_232 : vector<16xi32> to vector<16xf32>
          %mul3A_234 = arith.mulf %add3A_228, %bitcast3A_233 : vector<16xf32>
          %sub3A_235 = arith.constant 2.000000e+00 : f32
          %sub3A_236 = vector.broadcast %sub3A_235 : f32 to vector<16xf32>
          %sub3A_237 = arith.subf %sub3A_236, %mul3A_234 : vector<16xf32>
          %mul3A_238 = arith.mulf %bitcast3A_233, %sub3A_237 : vector<16xf32>
          %mul3A_239 = arith.mulf %add3A_228, %mul3A_238 : vector<16xf32>
          %sub3A_240 = arith.constant 2.000000e+00 : f32
          %sub3A_241 = vector.broadcast %sub3A_240 : f32 to vector<16xf32>
          %sub3A_242 = arith.subf %sub3A_241, %mul3A_239 : vector<16xf32>
          %mul3A_243 = arith.mulf %mul3A_238, %sub3A_242 : vector<16xf32>
          %mul3A_244 = arith.mulf %add3A_228, %mul3A_243 : vector<16xf32>
          %sub3A_245 = arith.constant 2.000000e+00 : f32
          %sub3A_246 = vector.broadcast %sub3A_245 : f32 to vector<16xf32>
          %sub3A_247 = arith.subf %sub3A_246, %mul3A_244 : vector<16xf32>
          %mul3A_248 = arith.mulf %mul3A_243, %sub3A_247 : vector<16xf32>
          %add3A_249 = arith.constant 2 : i32
          %add3A_250 = vector.broadcast %add3A_249 : i32 to vector<16xi32>
          %add3A_251 = arith.addi %broadcast_in_dim3A_193, %add3A_250 : vector<16xi32>
          %gather3A_252 = tpu.vector_load_idx %arg5[%add3A_251, %select_n3A_188, %sub3A_192] : memref<56x8x52xf32, #tpu.memory_space<vmem>>[vector<16xi32>, vector<16xi32>, vector<16xi32>], vector<16xf32>,
          %exp3A_253 = math.exp %gather3A_252 : vector<16xf32>
          %add3A_254 = arith.constant 3 : i32
          %add3A_255 = vector.broadcast %add3A_254 : i32 to vector<16xi32>
          %add3A_256 = arith.addi %broadcast_in_dim3A_193, %add3A_255 : vector<16xi32>
          %gather3A_257 = tpu.vector_load_idx %arg5[%add3A_256, %select_n3A_188, %sub3A_192] : memref<56x8x52xf32, #tpu.memory_space<vmem>>[vector<16xi32>, vector<16xi32>, vector<16xi32>], vector<16xf32>,
          %exp3A_258 = math.exp %gather3A_257 : vector<16xf32>
          %add3A_259 = arith.constant 32 : i32
          %add3A_260 = vector.broadcast %add3A_259 : i32 to vector<16xi32>
          %add3A_261 = arith.addi %broadcast_in_dim3A_193, %add3A_260 : vector<16xi32>
          %gather3A_262 = tpu.vector_load_idx %arg6[%add3A_261, %select_n3A_188, %sub3A_192] : memref<33x8x52xf32, #tpu.memory_space<vmem>>[vector<16xi32>, vector<16xi32>, vector<16xi32>], vector<16xf32>,
          %neg3A_263 = arith.constant 0.000000e+00 : f32
          %neg3A_264 = vector.broadcast %neg3A_263 : f32 to vector<16xf32>
          %neg3A_265 = arith.subf %neg3A_264, %gather3A_262 : vector<16xf32>
          %exp3A_266 = math.exp %neg3A_265 : vector<16xf32>
          %add3A_267 = arith.constant 1.000000e+00 : f32
          %add3A_268 = vector.broadcast %add3A_267 : f32 to vector<16xf32>
          %add3A_269 = arith.addf %add3A_268, %exp3A_266 : vector<16xf32>
          %bitcast3A_270 = vector.bitcast %add3A_269 : vector<16xf32> to vector<16xi32>
          %sub3A_271 = arith.constant 2129859011 : i32
          %sub3A_272 = vector.broadcast %sub3A_271 : i32 to vector<16xi32>
          %sub3A_273 = arith.subi %sub3A_272, %bitcast3A_270 : vector<16xi32>
          %bitcast3A_274 = vector.bitcast %sub3A_273 : vector<16xi32> to vector<16xf32>
          %mul3A_275 = arith.mulf %add3A_269, %bitcast3A_274 : vector<16xf32>
          %sub3A_276 = arith.constant 2.000000e+00 : f32
          %sub3A_277 = vector.broadcast %sub3A_276 : f32 to vector<16xf32>
          %sub3A_278 = arith.subf %sub3A_277, %mul3A_275 : vector<16xf32>
          %mul3A_279 = arith.mulf %bitcast3A_274, %sub3A_278 : vector<16xf32>
          %mul3A_280 = arith.mulf %add3A_269, %mul3A_279 : vector<16xf32>
          %sub3A_281 = arith.constant 2.000000e+00 : f32
          %sub3A_282 = vector.broadcast %sub3A_281 : f32 to vector<16xf32>
          %sub3A_283 = arith.subf %sub3A_282, %mul3A_280 : vector<16xf32>
          %mul3A_284 = arith.mulf %mul3A_279, %sub3A_283 : vector<16xf32>
          %mul3A_285 = arith.mulf %add3A_269, %mul3A_284 : vector<16xf32>
          %sub3A_286 = arith.constant 2.000000e+00 : f32
          %sub3A_287 = vector.broadcast %sub3A_286 : f32 to vector<16xf32>
          %sub3A_288 = arith.subf %sub3A_287, %mul3A_285 : vector<16xf32>
          %mul3A_289 = arith.mulf %mul3A_284, %sub3A_288 : vector<16xf32>
          %convert_element_type3A_290 = arith.sitofp %sub3A_192 : vector<16xi32> to vector<16xf32>
          %add3A_291 = arith.addf %mul3A_217, %convert_element_type3A_290 : vector<16xf32>
          %mul3A_292 = arith.mulf %add3A_291, %get3A_81 : vector<16xf32>
          tpu.vector_store_idx %arg8[%iota3A, %broadcast_in_dim3A_193], %mul3A_292 : memref<16x85xf32, #tpu.memory_space<vmem>>[vector<16xi32>, vector<16xi32>], vector<16xf32>,
          %add3A_293 = arith.constant 1 : i32
          %add3A_294 = vector.broadcast %add3A_293 : i32 to vector<16xi32>
          %add3A_295 = arith.addi %broadcast_in_dim3A_193, %add3A_294 : vector<16xi32>
          %add3A_296 = vector.broadcast %mul3A_36 : i32 to vector<16xi32>
          %add3A_297 = arith.addi %select_n3A_188, %add3A_296 : vector<16xi32>
          %convert_element_type3A_298 = arith.sitofp %add3A_297 : vector<16xi32> to vector<16xf32>
          %add3A_299 = arith.addf %mul3A_248, %convert_element_type3A_298 : vector<16xf32>
          %mul3A_300 = arith.mulf %add3A_299, %get3A_81 : vector<16xf32>
          tpu.vector_store_idx %arg8[%iota3A, %add3A_295], %mul3A_300 : memref<16x85xf32, #tpu.memory_space<vmem>>[vector<16xi32>, vector<16xi32>], vector<16xf32>,
          %add3A_301 = arith.constant 2 : i32
          %add3A_302 = vector.broadcast %add3A_301 : i32 to vector<16xi32>
          %add3A_303 = arith.addi %broadcast_in_dim3A_193, %add3A_302 : vector<16xi32>
          %mul3A_304 = vector.broadcast %select_n3A_71 : f32 to vector<16xf32>
          %mul3A_305 = arith.mulf %exp3A_253, %mul3A_304 : vector<16xf32>
          tpu.vector_store_idx %arg8[%iota3A, %add3A_303], %mul3A_305 : memref<16x85xf32, #tpu.memory_space<vmem>>[vector<16xi32>, vector<16xi32>], vector<16xf32>,
          %add3A_306 = arith.constant 3 : i32
          %add3A_307 = vector.broadcast %add3A_306 : i32 to vector<16xi32>
          %add3A_308 = arith.addi %broadcast_in_dim3A_193, %add3A_307 : vector<16xi32>
          %mul3A_309 = vector.broadcast %select_n3A_80 : f32 to vector<16xf32>
          %mul3A_310 = arith.mulf %exp3A_258, %mul3A_309 : vector<16xf32>
          tpu.vector_store_idx %arg8[%iota3A, %add3A_308], %mul3A_310 : memref<16x85xf32, #tpu.memory_space<vmem>>[vector<16xi32>, vector<16xi32>], vector<16xf32>,
          %add3A_311 = arith.constant 84 : i32
          %add3A_312 = vector.broadcast %add3A_311 : i32 to vector<16xi32>
          %add3A_313 = arith.addi %broadcast_in_dim3A_193, %add3A_312 : vector<16xi32>
          tpu.vector_store_idx %arg8[%iota3A, %add3A_313], %mul3A_289 : memref<16x85xf32, #tpu.memory_space<vmem>>[vector<16xi32>, vector<16xi32>], vector<16xf32>,
          %parallel_loop3A = arith.constant 0 : i32
          %parallel_loop3A_314 = arith.constant 48 : i32
          %parallel_loop3A_315 = arith.constant 1 : i32
          scf.for %parallel_loop3A_328 = %parallel_loop3A to %parallel_loop3A_314 step %parallel_loop3A_315  : i32 {
            %parallel_loop3A_329 = arith.constant 8 : i32
            %parallel_loop3A_330 = arith.addi %parallel_loop3A_328, %parallel_loop3A_329 : i32
            %parallel_loop3A_331 = vector.broadcast %parallel_loop3A_330 : i32 to vector<16xi32>
            %parallel_loop3A_332 = arith.addi %broadcast_in_dim3A_193, %parallel_loop3A_331 : vector<16xi32>
            %parallel_loop3A_333 = tpu.vector_load_idx %arg5[%parallel_loop3A_332, %select_n3A_188, %sub3A_192] : memref<56x8x52xf32, #tpu.memory_space<vmem>>[vector<16xi32>, vector<16xi32>, vector<16xi32>], vector<16xf32>,
            %parallel_loop3A_334 = arith.constant 0.000000e+00 : f32
            %parallel_loop3A_335 = vector.broadcast %parallel_loop3A_334 : f32 to vector<16xf32>
            %parallel_loop3A_336 = arith.subf %parallel_loop3A_335, %parallel_loop3A_333 : vector<16xf32>
            %parallel_loop3A_337 = math.exp %parallel_loop3A_336 : vector<16xf32>
            %parallel_loop3A_338 = arith.constant 1.000000e+00 : f32
            %parallel_loop3A_339 = vector.broadcast %parallel_loop3A_338 : f32 to vector<16xf32>
            %parallel_loop3A_340 = arith.addf %parallel_loop3A_339, %parallel_loop3A_337 : vector<16xf32>
            %parallel_loop3A_341 = vector.bitcast %parallel_loop3A_340 : vector<16xf32> to vector<16xi32>
            %parallel_loop3A_342 = arith.constant 2129859011 : i32
            %parallel_loop3A_343 = vector.broadcast %parallel_loop3A_342 : i32 to vector<16xi32>
            %parallel_loop3A_344 = arith.subi %parallel_loop3A_343, %parallel_loop3A_341 : vector<16xi32>
            %parallel_loop3A_345 = vector.bitcast %parallel_loop3A_344 : vector<16xi32> to vector<16xf32>
            %parallel_loop3A_346 = arith.mulf %parallel_loop3A_340, %parallel_loop3A_345 : vector<16xf32>
            %parallel_loop3A_347 = arith.constant 2.000000e+00 : f32
            %parallel_loop3A_348 = vector.broadcast %parallel_loop3A_347 : f32 to vector<16xf32>
            %parallel_loop3A_349 = arith.subf %parallel_loop3A_348, %parallel_loop3A_346 : vector<16xf32>
            %parallel_loop3A_350 = arith.mulf %parallel_loop3A_345, %parallel_loop3A_349 : vector<16xf32>
            %parallel_loop3A_351 = arith.mulf %parallel_loop3A_340, %parallel_loop3A_350 : vector<16xf32>
            %parallel_loop3A_352 = arith.constant 2.000000e+00 : f32
            %parallel_loop3A_353 = vector.broadcast %parallel_loop3A_352 : f32 to vector<16xf32>
            %parallel_loop3A_354 = arith.subf %parallel_loop3A_353, %parallel_loop3A_351 : vector<16xf32>
            %parallel_loop3A_355 = arith.mulf %parallel_loop3A_350, %parallel_loop3A_354 : vector<16xf32>
            %parallel_loop3A_356 = arith.mulf %parallel_loop3A_340, %parallel_loop3A_355 : vector<16xf32>
            %parallel_loop3A_357 = arith.constant 2.000000e+00 : f32
            %parallel_loop3A_358 = vector.broadcast %parallel_loop3A_357 : f32 to vector<16xf32>
            %parallel_loop3A_359 = arith.subf %parallel_loop3A_358, %parallel_loop3A_356 : vector<16xf32>
            %parallel_loop3A_360 = arith.mulf %parallel_loop3A_355, %parallel_loop3A_359 : vector<16xf32>
            %parallel_loop3A_361 = arith.constant 4 : i32
            %parallel_loop3A_362 = arith.addi %parallel_loop3A_328, %parallel_loop3A_361 : i32
            %parallel_loop3A_363 = vector.broadcast %parallel_loop3A_362 : i32 to vector<16xi32>
            %parallel_loop3A_364 = arith.addi %broadcast_in_dim3A_193, %parallel_loop3A_363 : vector<16xi32>
            tpu.vector_store_idx %arg8[%iota3A, %parallel_loop3A_364], %parallel_loop3A_360 : memref<16x85xf32, #tpu.memory_space<vmem>>[vector<16xi32>, vector<16xi32>], vector<16xf32>,
          } {sc.loop_unroll_factor = 4 : i64, sc.parallel_access}
          %parallel_loop3A_316 = arith.constant 0 : i32
          %parallel_loop3A_317 = arith.constant 32 : i32
          %parallel_loop3A_318 = arith.constant 1 : i32
          scf.for %parallel_loop3A_328 = %parallel_loop3A_316 to %parallel_loop3A_317 step %parallel_loop3A_318  : i32 {
            %parallel_loop3A_329 = vector.broadcast %parallel_loop3A_328 : i32 to vector<16xi32>
            %parallel_loop3A_330 = arith.addi %broadcast_in_dim3A_193, %parallel_loop3A_329 : vector<16xi32>
            %parallel_loop3A_331 = tpu.vector_load_idx %arg6[%parallel_loop3A_330, %select_n3A_188, %sub3A_192] : memref<33x8x52xf32, #tpu.memory_space<vmem>>[vector<16xi32>, vector<16xi32>, vector<16xi32>], vector<16xf32>,
            %parallel_loop3A_332 = arith.constant 0.000000e+00 : f32
            %parallel_loop3A_333 = vector.broadcast %parallel_loop3A_332 : f32 to vector<16xf32>
            %parallel_loop3A_334 = arith.subf %parallel_loop3A_333, %parallel_loop3A_331 : vector<16xf32>
            %parallel_loop3A_335 = math.exp %parallel_loop3A_334 : vector<16xf32>
            %parallel_loop3A_336 = arith.constant 1.000000e+00 : f32
            %parallel_loop3A_337 = vector.broadcast %parallel_loop3A_336 : f32 to vector<16xf32>
            %parallel_loop3A_338 = arith.addf %parallel_loop3A_337, %parallel_loop3A_335 : vector<16xf32>
            %parallel_loop3A_339 = vector.bitcast %parallel_loop3A_338 : vector<16xf32> to vector<16xi32>
            %parallel_loop3A_340 = arith.constant 2129859011 : i32
            %parallel_loop3A_341 = vector.broadcast %parallel_loop3A_340 : i32 to vector<16xi32>
            %parallel_loop3A_342 = arith.subi %parallel_loop3A_341, %parallel_loop3A_339 : vector<16xi32>
            %parallel_loop3A_343 = vector.bitcast %parallel_loop3A_342 : vector<16xi32> to vector<16xf32>
            %parallel_loop3A_344 = arith.mulf %parallel_loop3A_338, %parallel_loop3A_343 : vector<16xf32>
            %parallel_loop3A_345 = arith.constant 2.000000e+00 : f32
            %parallel_loop3A_346 = vector.broadcast %parallel_loop3A_345 : f32 to vector<16xf32>
            %parallel_loop3A_347 = arith.subf %parallel_loop3A_346, %parallel_loop3A_344 : vector<16xf32>
            %parallel_loop3A_348 = arith.mulf %parallel_loop3A_343, %parallel_loop3A_347 : vector<16xf32>
            %parallel_loop3A_349 = arith.mulf %parallel_loop3A_338, %parallel_loop3A_348 : vector<16xf32>
            %parallel_loop3A_350 = arith.constant 2.000000e+00 : f32
            %parallel_loop3A_351 = vector.broadcast %parallel_loop3A_350 : f32 to vector<16xf32>
            %parallel_loop3A_352 = arith.subf %parallel_loop3A_351, %parallel_loop3A_349 : vector<16xf32>
            %parallel_loop3A_353 = arith.mulf %parallel_loop3A_348, %parallel_loop3A_352 : vector<16xf32>
            %parallel_loop3A_354 = arith.mulf %parallel_loop3A_338, %parallel_loop3A_353 : vector<16xf32>
            %parallel_loop3A_355 = arith.constant 2.000000e+00 : f32
            %parallel_loop3A_356 = vector.broadcast %parallel_loop3A_355 : f32 to vector<16xf32>
            %parallel_loop3A_357 = arith.subf %parallel_loop3A_356, %parallel_loop3A_354 : vector<16xf32>
            %parallel_loop3A_358 = arith.mulf %parallel_loop3A_353, %parallel_loop3A_357 : vector<16xf32>
            %parallel_loop3A_359 = arith.constant 52 : i32
            %parallel_loop3A_360 = arith.addi %parallel_loop3A_328, %parallel_loop3A_359 : i32
            %parallel_loop3A_361 = vector.broadcast %parallel_loop3A_360 : i32 to vector<16xi32>
            %parallel_loop3A_362 = arith.addi %broadcast_in_dim3A_193, %parallel_loop3A_361 : vector<16xi32>
            tpu.vector_store_idx %arg8[%iota3A, %parallel_loop3A_362], %parallel_loop3A_358 : memref<16x85xf32, #tpu.memory_space<vmem>>[vector<16xi32>, vector<16xi32>], vector<16xf32>,
          } {sc.loop_unroll_factor = 4 : i64, sc.parallel_access}
          %mul3A_319 = arith.constant 16 : i32
          %mul3A_320 = arith.muli %scan3A_137, %mul3A_319 : i32
          %add3A_321 = arith.addi %add3A_86, %mul3A_320 : i32
          %dma_start3A_322 = arith.constant 0 : i32
          %dma_start3A_323 = tpu.memref_slice %arg4[%select_n3A_60, %add3A_321, %dma_start3A_322] : memref<16x8112x85xf32, #tpu.memory_space<hbm>> -> memref<1x16x85xf32, #tpu.memory_space<hbm>>
          %dma_start3A_324 = tpu.memref_squeeze %dma_start3A_323 : memref<1x16x85xf32, #tpu.memory_space<hbm>> -> memref<16x85xf32, #tpu.memory_space<hbm>>
          %dma_start3A_325 = arith.constant 0 : i32
          %dma_start3A_326 = tpu.memref_slice %arg4[%select_n3A_60, %add3A_321, %dma_start3A_325] : memref<16x8112x85xf32, #tpu.memory_space<hbm>> -> memref<1x16x85xf32, #tpu.memory_space<hbm>>
          %dma_start3A_327 = tpu.memref_squeeze %dma_start3A_326 : memref<1x16x85xf32, #tpu.memory_space<hbm>> -> memref<16x85xf32, #tpu.memory_space<hbm>>
          tpu.enqueue_dma source(%arg8 : memref<16x85xf32, #tpu.memory_space<vmem>>) target(%dma_start3A_327 : memref<16x85xf32, #tpu.memory_space<hbm>>) target_semaphore(%arg12 : memref<!tpu.dma_semaphore, #tpu.memory_space<semaphore_mem>>)
        } else {
        }
      }
      %scan3A_120 = arith.constant 26 : i32
      %add3A_121 = arith.constant 384 : i32
      %add3A_122 = arith.addi %add3A_86, %add3A_121 : i32
      %dma_wait3A_123 = arith.constant 0 : i32
      %dma_wait3A_124 = tpu.memref_slice %arg4[%select_n3A_60, %add3A_122, %dma_wait3A_123] : memref<16x8112x85xf32, #tpu.memory_space<hbm>> -> memref<1x16x85xf32, #tpu.memory_space<hbm>>
      %dma_wait3A_125 = tpu.memref_squeeze %dma_wait3A_124 : memref<1x16x85xf32, #tpu.memory_space<hbm>> -> memref<16x85xf32, #tpu.memory_space<hbm>>
      %dma_wait3A_126 = arith.constant 0 : i32
      %dma_wait3A_127 = tpu.memref_slice %arg4[%select_n3A_60, %add3A_122, %dma_wait3A_126] : memref<16x8112x85xf32, #tpu.memory_space<hbm>> -> memref<1x16x85xf32, #tpu.memory_space<hbm>>
      %dma_wait3A_128 = tpu.memref_squeeze %dma_wait3A_127 : memref<1x16x85xf32, #tpu.memory_space<hbm>> -> memref<16x85xf32, #tpu.memory_space<hbm>>
      tpu.wait_dma2 semaphore(%arg11 : memref<!tpu.dma_semaphore, #tpu.memory_space<semaphore_mem>>) src(%arg7 : memref<16x85xf32, #tpu.memory_space<vmem>>) dst(%dma_wait3A_128 : memref<16x85xf32, #tpu.memory_space<hbm>>)
      %add3A_129 = arith.constant 400 : i32
      %add3A_130 = arith.addi %add3A_86, %add3A_129 : i32
      %dma_wait3A_131 = arith.constant 0 : i32
      %dma_wait3A_132 = tpu.memref_slice %arg4[%select_n3A_60, %add3A_130, %dma_wait3A_131] : memref<16x8112x85xf32, #tpu.memory_space<hbm>> -> memref<1x16x85xf32, #tpu.memory_space<hbm>>
      %dma_wait3A_133 = tpu.memref_squeeze %dma_wait3A_132 : memref<1x16x85xf32, #tpu.memory_space<hbm>> -> memref<16x85xf32, #tpu.memory_space<hbm>>
      %dma_wait3A_134 = arith.constant 0 : i32
      %dma_wait3A_135 = tpu.memref_slice %arg4[%select_n3A_60, %add3A_130, %dma_wait3A_134] : memref<16x8112x85xf32, #tpu.memory_space<hbm>> -> memref<1x16x85xf32, #tpu.memory_space<hbm>>
      %dma_wait3A_136 = tpu.memref_squeeze %dma_wait3A_135 : memref<1x16x85xf32, #tpu.memory_space<hbm>> -> memref<16x85xf32, #tpu.memory_space<hbm>>
      tpu.wait_dma2 semaphore(%arg12 : memref<!tpu.dma_semaphore, #tpu.memory_space<semaphore_mem>>) src(%arg8 : memref<16x85xf32, #tpu.memory_space<vmem>>) dst(%dma_wait3A_136 : memref<16x85xf32, #tpu.memory_space<hbm>>)
    }
    %scan3A_5 = arith.constant 9 : i32
    %scan3A_6 = arith.constant 0 : i32
    %scan3A_7 = arith.constant 0 : i32
    %scan3A_8 = arith.constant 2 : i32
    %scan3A_9 = arith.addi %scan3A_7, %scan3A_8 : i32
    %scan3A_10 = arith.constant 1 : i32
    scf.for %scan3A_12 = %scan3A_7 to %scan3A_9 step %scan3A_10  : i32 {
      %mul3A_13 = arith.constant 32 : i32
      %mul3A_14 = arith.muli %scan3A_12, %mul3A_13 : i32
      %add3A_15 = arith.addi %add3A, %mul3A_14 : i32
      %lt3A = arith.constant 48 : i32
      %lt3A_16 = arith.cmpi slt, %add3A_15, %lt3A : i32
      %convert_element_type3A = arith.extui %lt3A_16 : i1 to i32
      %cond3A = arith.constant 0 : i32
      %cond3A_17 = arith.cmpi ne, %convert_element_type3A, %cond3A : i32
      scf.if %cond3A_17 {
        %jit3A = arith.constant 3 : i32
        %div3A = arith.divsi %add3A_15, %jit3A : i32
        %sign3A = arith.constant 0 : i32
        %sign3A_18 = arith.cmpi sgt, %add3A_15, %sign3A : i32
        %sign3A_19 = arith.extui %sign3A_18 : i1 to i32
        %sign3A_20 = arith.constant 0 : i32
        %sign3A_21 = arith.cmpi slt, %add3A_15, %sign3A_20 : i32
        %sign3A_22 = arith.extui %sign3A_21 : i1 to i32
        %sign3A_23 = arith.subi %sign3A_19, %sign3A_22 : i32
        %sign3A_24 = arith.constant 0 : i32
        %sign3A_25 = arith.cmpi sgt, %jit3A, %sign3A_24 : i32
        %sign3A_26 = arith.extui %sign3A_25 : i1 to i32
        %sign3A_27 = arith.constant 0 : i32
        %sign3A_28 = arith.cmpi slt, %jit3A, %sign3A_27 : i32
        %sign3A_29 = arith.extui %sign3A_28 : i1 to i32
        %sign3A_30 = arith.subi %sign3A_26, %sign3A_29 : i32
        %ne3A = arith.cmpi ne, %sign3A_23, %sign3A_30 : i32
        %rem3A = arith.remsi %add3A_15, %jit3A : i32
        %ne3A_31 = arith.constant 0 : i32
        %ne3A_32 = arith.cmpi ne, %rem3A, %ne3A_31 : i32
        %and3A = arith.andi %ne3A, %ne3A_32 : i1
        %sub3A = arith.constant 1 : i32
        %sub3A_33 = arith.subi %div3A, %sub3A : i32
        %select_n3A = arith.select %and3A, %sub3A_33, %div3A : i32
        %mul3A_34 = arith.constant 3 : i32
        %mul3A_35 = arith.muli %select_n3A, %mul3A_34 : i32
        %sub3A_36 = arith.subi %add3A_15, %mul3A_35 : i32
        %eq3A = arith.constant 0 : i32
        %eq3A_37 = arith.cmpi eq, %sub3A_36, %eq3A : i32
        %eq3A_38 = arith.constant 1 : i32
        %eq3A_39 = arith.cmpi eq, %sub3A_36, %eq3A_38 : i32
        %jit3A_40 = arith.constant 1.560000e+02 : f32
        %jit3A_41 = arith.constant 3.730000e+02 : f32
        %select_n3A_42 = arith.select %eq3A_39, %jit3A_40, %jit3A_41 : f32
        %jit3A_43 = arith.constant 1.160000e+02 : f32
        %select_n3A_44 = arith.select %eq3A_37, %jit3A_43, %select_n3A_42 : f32
        %eq3A_45 = arith.constant 0 : i32
        %eq3A_46 = arith.cmpi eq, %sub3A_36, %eq3A_45 : i32
        %eq3A_47 = arith.constant 1 : i32
        %eq3A_48 = arith.cmpi eq, %sub3A_36, %eq3A_47 : i32
        %jit3A_49 = arith.constant 1.980000e+02 : f32
        %jit3A_50 = arith.constant 3.260000e+02 : f32
        %select_n3A_51 = arith.select %eq3A_48, %jit3A_49, %jit3A_50 : f32
        %jit3A_52 = arith.constant 9.000000e+01 : f32
        %select_n3A_53 = arith.select %eq3A_46, %jit3A_52, %select_n3A_51 : f32
        %get3A = arith.constant 0 : index
        %get3A_54 = tpu.vector_load %arg9[%get3A] {strides = array<i32>} : memref<16xf32, #tpu.memory_space<vmem>>, vector<16xf32>,
        %mul3A_55 = arith.constant 2704 : i32
        %mul3A_56 = arith.muli %sub3A_36, %mul3A_55 : i32
        %add3A_57 = arith.constant 2496 : i32
        %add3A_58 = arith.addi %mul3A_56, %add3A_57 : i32
        %mul3A_59 = arith.constant 89 : i32
        %mul3A_60 = arith.muli %sub3A_36, %mul3A_59 : i32
        %dma_start3A = arith.constant 0 : i32
        %dma_start3A_61 = arith.constant 0 : i32
        %dma_start3A_62 = arith.constant 0 : i32
        %dma_start3A_63 = tpu.memref_slice %arg5[%dma_start3A, %dma_start3A_61, %dma_start3A_62] : memref<56x8x52xf32, #tpu.memory_space<vmem>> -> memref<56x4x52xf32, #tpu.memory_space<vmem>>
        %dma_start3A_64 = arith.constant 48 : i32
        %dma_start3A_65 = arith.constant 0 : i32
        %dma_start3A_66 = tpu.memref_slice %arg2[%select_n3A, %mul3A_60, %dma_start3A_64, %dma_start3A_65] : memref<16x267x52x52xf32, #tpu.memory_space<hbm>> -> memref<1x56x4x52xf32, #tpu.memory_space<hbm>>
        %dma_start3A_67 = tpu.memref_squeeze %dma_start3A_66 : memref<1x56x4x52xf32, #tpu.memory_space<hbm>> -> memref<56x4x52xf32, #tpu.memory_space<hbm>>
        %dma_start3A_68 = arith.constant 0 : i32
        %dma_start3A_69 = arith.constant 0 : i32
        %dma_start3A_70 = arith.constant 0 : i32
        %dma_start3A_71 = tpu.memref_slice %arg5[%dma_start3A_68, %dma_start3A_69, %dma_start3A_70] : memref<56x8x52xf32, #tpu.memory_space<vmem>> -> memref<56x4x52xf32, #tpu.memory_space<vmem>>
        %dma_start3A_72 = arith.constant 48 : i32
        %dma_start3A_73 = arith.constant 0 : i32
        %dma_start3A_74 = tpu.memref_slice %arg2[%select_n3A, %mul3A_60, %dma_start3A_72, %dma_start3A_73] : memref<16x267x52x52xf32, #tpu.memory_space<hbm>> -> memref<1x56x4x52xf32, #tpu.memory_space<hbm>>
        %dma_start3A_75 = tpu.memref_squeeze %dma_start3A_74 : memref<1x56x4x52xf32, #tpu.memory_space<hbm>> -> memref<56x4x52xf32, #tpu.memory_space<hbm>>
        tpu.enqueue_dma source(%dma_start3A_75 : memref<56x4x52xf32, #tpu.memory_space<hbm>>) target(%dma_start3A_71 : memref<56x4x52xf32, #tpu.memory_space<vmem>>) target_semaphore(%arg10 : memref<!tpu.dma_semaphore, #tpu.memory_space<semaphore_mem>>)
        %mul3A_76 = arith.constant 89 : i32
        %mul3A_77 = arith.muli %sub3A_36, %mul3A_76 : i32
        %add3A_78 = arith.constant 56 : i32
        %add3A_79 = arith.addi %mul3A_77, %add3A_78 : i32
        %dma_start3A_80 = arith.constant 0 : i32
        %dma_start3A_81 = arith.constant 0 : i32
        %dma_start3A_82 = arith.constant 0 : i32
        %dma_start3A_83 = tpu.memref_slice %arg6[%dma_start3A_80, %dma_start3A_81, %dma_start3A_82] : memref<33x8x52xf32, #tpu.memory_space<vmem>> -> memref<33x4x52xf32, #tpu.memory_space<vmem>>
        %dma_start3A_84 = arith.constant 48 : i32
        %dma_start3A_85 = arith.constant 0 : i32
        %dma_start3A_86 = tpu.memref_slice %arg2[%select_n3A, %add3A_79, %dma_start3A_84, %dma_start3A_85] : memref<16x267x52x52xf32, #tpu.memory_space<hbm>> -> memref<1x33x4x52xf32, #tpu.memory_space<hbm>>
        %dma_start3A_87 = tpu.memref_squeeze %dma_start3A_86 : memref<1x33x4x52xf32, #tpu.memory_space<hbm>> -> memref<33x4x52xf32, #tpu.memory_space<hbm>>
        %dma_start3A_88 = arith.constant 0 : i32
        %dma_start3A_89 = arith.constant 0 : i32
        %dma_start3A_90 = arith.constant 0 : i32
        %dma_start3A_91 = tpu.memref_slice %arg6[%dma_start3A_88, %dma_start3A_89, %dma_start3A_90] : memref<33x8x52xf32, #tpu.memory_space<vmem>> -> memref<33x4x52xf32, #tpu.memory_space<vmem>>
        %dma_start3A_92 = arith.constant 48 : i32
        %dma_start3A_93 = arith.constant 0 : i32
        %dma_start3A_94 = tpu.memref_slice %arg2[%select_n3A, %add3A_79, %dma_start3A_92, %dma_start3A_93] : memref<16x267x52x52xf32, #tpu.memory_space<hbm>> -> memref<1x33x4x52xf32, #tpu.memory_space<hbm>>
        %dma_start3A_95 = tpu.memref_squeeze %dma_start3A_94 : memref<1x33x4x52xf32, #tpu.memory_space<hbm>> -> memref<33x4x52xf32, #tpu.memory_space<hbm>>
        tpu.enqueue_dma source(%dma_start3A_95 : memref<33x4x52xf32, #tpu.memory_space<hbm>>) target(%dma_start3A_91 : memref<33x4x52xf32, #tpu.memory_space<vmem>>) target_semaphore(%arg10 : memref<!tpu.dma_semaphore, #tpu.memory_space<semaphore_mem>>)
        %dma_wait3A = arith.constant 0 : i32
        %dma_wait3A_96 = arith.constant 0 : i32
        %dma_wait3A_97 = arith.constant 0 : i32
        %dma_wait3A_98 = tpu.memref_slice %arg5[%dma_wait3A, %dma_wait3A_96, %dma_wait3A_97] : memref<56x8x52xf32, #tpu.memory_space<vmem>> -> memref<56x4x52xf32, #tpu.memory_space<vmem>>
        %dma_wait3A_99 = arith.constant 48 : i32
        %dma_wait3A_100 = arith.constant 0 : i32
        %dma_wait3A_101 = tpu.memref_slice %arg2[%select_n3A, %mul3A_60, %dma_wait3A_99, %dma_wait3A_100] : memref<16x267x52x52xf32, #tpu.memory_space<hbm>> -> memref<1x56x4x52xf32, #tpu.memory_space<hbm>>
        %dma_wait3A_102 = tpu.memref_squeeze %dma_wait3A_101 : memref<1x56x4x52xf32, #tpu.memory_space<hbm>> -> memref<56x4x52xf32, #tpu.memory_space<hbm>>
        %dma_wait3A_103 = arith.constant 0 : i32
        %dma_wait3A_104 = arith.constant 0 : i32
        %dma_wait3A_105 = arith.constant 0 : i32
        %dma_wait3A_106 = tpu.memref_slice %arg5[%dma_wait3A_103, %dma_wait3A_104, %dma_wait3A_105] : memref<56x8x52xf32, #tpu.memory_space<vmem>> -> memref<56x4x52xf32, #tpu.memory_space<vmem>>
        %dma_wait3A_107 = arith.constant 48 : i32
        %dma_wait3A_108 = arith.constant 0 : i32
        %dma_wait3A_109 = tpu.memref_slice %arg2[%select_n3A, %mul3A_60, %dma_wait3A_107, %dma_wait3A_108] : memref<16x267x52x52xf32, #tpu.memory_space<hbm>> -> memref<1x56x4x52xf32, #tpu.memory_space<hbm>>
        %dma_wait3A_110 = tpu.memref_squeeze %dma_wait3A_109 : memref<1x56x4x52xf32, #tpu.memory_space<hbm>> -> memref<56x4x52xf32, #tpu.memory_space<hbm>>
        tpu.wait_dma2 semaphore(%arg10 : memref<!tpu.dma_semaphore, #tpu.memory_space<semaphore_mem>>) src(%dma_wait3A_110 : memref<56x4x52xf32, #tpu.memory_space<hbm>>) dst(%dma_wait3A_106 : memref<56x4x52xf32, #tpu.memory_space<vmem>>)
        %dma_wait3A_111 = arith.constant 0 : i32
        %dma_wait3A_112 = arith.constant 0 : i32
        %dma_wait3A_113 = arith.constant 0 : i32
        %dma_wait3A_114 = tpu.memref_slice %arg6[%dma_wait3A_111, %dma_wait3A_112, %dma_wait3A_113] : memref<33x8x52xf32, #tpu.memory_space<vmem>> -> memref<33x4x52xf32, #tpu.memory_space<vmem>>
        %dma_wait3A_115 = arith.constant 48 : i32
        %dma_wait3A_116 = arith.constant 0 : i32
        %dma_wait3A_117 = tpu.memref_slice %arg2[%select_n3A, %add3A_79, %dma_wait3A_115, %dma_wait3A_116] : memref<16x267x52x52xf32, #tpu.memory_space<hbm>> -> memref<1x33x4x52xf32, #tpu.memory_space<hbm>>
        %dma_wait3A_118 = tpu.memref_squeeze %dma_wait3A_117 : memref<1x33x4x52xf32, #tpu.memory_space<hbm>> -> memref<33x4x52xf32, #tpu.memory_space<hbm>>
        %dma_wait3A_119 = arith.constant 0 : i32
        %dma_wait3A_120 = arith.constant 0 : i32
        %dma_wait3A_121 = arith.constant 0 : i32
        %dma_wait3A_122 = tpu.memref_slice %arg6[%dma_wait3A_119, %dma_wait3A_120, %dma_wait3A_121] : memref<33x8x52xf32, #tpu.memory_space<vmem>> -> memref<33x4x52xf32, #tpu.memory_space<vmem>>
        %dma_wait3A_123 = arith.constant 48 : i32
        %dma_wait3A_124 = arith.constant 0 : i32
        %dma_wait3A_125 = tpu.memref_slice %arg2[%select_n3A, %add3A_79, %dma_wait3A_123, %dma_wait3A_124] : memref<16x267x52x52xf32, #tpu.memory_space<hbm>> -> memref<1x33x4x52xf32, #tpu.memory_space<hbm>>
        %dma_wait3A_126 = tpu.memref_squeeze %dma_wait3A_125 : memref<1x33x4x52xf32, #tpu.memory_space<hbm>> -> memref<33x4x52xf32, #tpu.memory_space<hbm>>
        tpu.wait_dma2 semaphore(%arg10 : memref<!tpu.dma_semaphore, #tpu.memory_space<semaphore_mem>>) src(%dma_wait3A_126 : memref<33x4x52xf32, #tpu.memory_space<hbm>>) dst(%dma_wait3A_122 : memref<33x4x52xf32, #tpu.memory_space<vmem>>)
        %scan3A_127 = arith.constant 0 : i32
        %scan3A_128 = arith.constant 0 : i32
        %scan3A_129 = arith.constant 13 : i32
        %scan3A_130 = arith.addi %scan3A_128, %scan3A_129 : i32
        %scan3A_131 = arith.constant 1 : i32
        scf.for %scan3A_149 = %scan3A_128 to %scan3A_130 step %scan3A_131  : i32 {
          %rem3A_150 = arith.constant 2 : i32
          %rem3A_151 = arith.remsi %scan3A_149, %rem3A_150 : i32
          %eq3A_152 = arith.constant 0 : i32
          %eq3A_153 = arith.cmpi eq, %rem3A_151, %eq3A_152 : i32
          %convert_element_type3A_154 = arith.extui %eq3A_153 : i1 to i32
          %cond3A_155 = arith.constant 0 : i32
          %cond3A_156 = arith.cmpi ne, %convert_element_type3A_154, %cond3A_155 : i32
          scf.if %cond3A_156 {
            %ge3A = arith.constant 2 : i32
            %ge3A_164 = arith.cmpi sge, %scan3A_149, %ge3A : i32
            %convert_element_type3A_165 = arith.extui %ge3A_164 : i1 to i32
            %cond3A_166 = arith.constant 0 : i32
            %cond3A_167 = arith.cmpi ne, %convert_element_type3A_165, %cond3A_166 : i32
            scf.if %cond3A_167 {
              %sub3A_343 = arith.constant 2 : i32
              %sub3A_344 = arith.subi %scan3A_149, %sub3A_343 : i32
              %mul3A_345 = arith.constant 16 : i32
              %mul3A_346 = arith.muli %sub3A_344, %mul3A_345 : i32
              %add3A_347 = arith.addi %add3A_58, %mul3A_346 : i32
              %dma_wait3A_348 = arith.constant 0 : i32
              %dma_wait3A_349 = tpu.memref_slice %arg4[%select_n3A, %add3A_347, %dma_wait3A_348] : memref<16x8112x85xf32, #tpu.memory_space<hbm>> -> memref<1x16x85xf32, #tpu.memory_space<hbm>>
              %dma_wait3A_350 = tpu.memref_squeeze %dma_wait3A_349 : memref<1x16x85xf32, #tpu.memory_space<hbm>> -> memref<16x85xf32, #tpu.memory_space<hbm>>
              %dma_wait3A_351 = arith.constant 0 : i32
              %dma_wait3A_352 = tpu.memref_slice %arg4[%select_n3A, %add3A_347, %dma_wait3A_351] : memref<16x8112x85xf32, #tpu.memory_space<hbm>> -> memref<1x16x85xf32, #tpu.memory_space<hbm>>
              %dma_wait3A_353 = tpu.memref_squeeze %dma_wait3A_352 : memref<1x16x85xf32, #tpu.memory_space<hbm>> -> memref<16x85xf32, #tpu.memory_space<hbm>>
              tpu.wait_dma2 semaphore(%arg11 : memref<!tpu.dma_semaphore, #tpu.memory_space<semaphore_mem>>) src(%arg7 : memref<16x85xf32, #tpu.memory_space<vmem>>) dst(%dma_wait3A_353 : memref<16x85xf32, #tpu.memory_space<hbm>>)
            } else {
            }
            %mul3A_168 = arith.constant 16 : i32
            %mul3A_169 = arith.muli %scan3A_149, %mul3A_168 : i32
            %add3A_170 = vector.broadcast %mul3A_169 : i32 to vector<16xi32>
            %add3A_171 = arith.addi %iota3A, %add3A_170 : vector<16xi32>
            %jit3A_172 = arith.constant 52 : i32
            %div3A_173 = vector.broadcast %jit3A_172 : i32 to vector<16xi32>
            %div3A_174 = arith.divsi %add3A_171, %div3A_173 : vector<16xi32>
            %sign3A_175 = arith.constant 0 : i32
            %sign3A_176 = vector.broadcast %sign3A_175 : i32 to vector<16xi32>
            %sign3A_177 = arith.cmpi sgt, %add3A_171, %sign3A_176 : vector<16xi32>
            %sign3A_178 = arith.extui %sign3A_177 : vector<16xi1> to vector<16xi32>
            %sign3A_179 = arith.constant 0 : i32
            %sign3A_180 = vector.broadcast %sign3A_179 : i32 to vector<16xi32>
            %sign3A_181 = arith.cmpi slt, %add3A_171, %sign3A_180 : vector<16xi32>
            %sign3A_182 = arith.extui %sign3A_181 : vector<16xi1> to vector<16xi32>
            %sign3A_183 = arith.subi %sign3A_178, %sign3A_182 : vector<16xi32>
            %sign3A_184 = arith.constant 0 : i32
            %sign3A_185 = arith.cmpi sgt, %jit3A_172, %sign3A_184 : i32
            %sign3A_186 = arith.extui %sign3A_185 : i1 to i32
            %sign3A_187 = arith.constant 0 : i32
            %sign3A_188 = arith.cmpi slt, %jit3A_172, %sign3A_187 : i32
            %sign3A_189 = arith.extui %sign3A_188 : i1 to i32
            %sign3A_190 = arith.subi %sign3A_186, %sign3A_189 : i32
            %ne3A_191 = vector.broadcast %sign3A_190 : i32 to vector<16xi32>
            %ne3A_192 = arith.cmpi ne, %sign3A_183, %ne3A_191 : vector<16xi32>
            %rem3A_193 = vector.broadcast %jit3A_172 : i32 to vector<16xi32>
            %rem3A_194 = arith.remsi %add3A_171, %rem3A_193 : vector<16xi32>
            %ne3A_195 = arith.constant 0 : i32
            %ne3A_196 = vector.broadcast %ne3A_195 : i32 to vector<16xi32>
            %ne3A_197 = arith.cmpi ne, %rem3A_194, %ne3A_196 : vector<16xi32>
            %and3A_198 = arith.andi %ne3A_192, %ne3A_197 : vector<16xi1>
            %sub3A_199 = arith.constant 1 : i32
            %sub3A_200 = vector.broadcast %sub3A_199 : i32 to vector<16xi32>
            %sub3A_201 = arith.subi %div3A_174, %sub3A_200 : vector<16xi32>
            %select_n3A_202 = arith.select %and3A_198, %sub3A_201, %div3A_174 : vector<16xi1>, vector<16xi32>
            %mul3A_203 = arith.constant 52 : i32
            %mul3A_204 = vector.broadcast %mul3A_203 : i32 to vector<16xi32>
            %mul3A_205 = arith.muli %select_n3A_202, %mul3A_204 : vector<16xi32>
            %sub3A_206 = arith.subi %add3A_171, %mul3A_205 : vector<16xi32>
            %broadcast_in_dim3A = arith.constant 0 : i32
            %broadcast_in_dim3A_207 = vector.broadcast %broadcast_in_dim3A : i32 to vector<16xi32>
            %gather3A = tpu.vector_load_idx %arg5[%broadcast_in_dim3A_207, %select_n3A_202, %sub3A_206] : memref<56x8x52xf32, #tpu.memory_space<vmem>>[vector<16xi32>, vector<16xi32>, vector<16xi32>], vector<16xf32>,
            %neg3A = arith.constant 0.000000e+00 : f32
            %neg3A_208 = vector.broadcast %neg3A : f32 to vector<16xf32>
            %neg3A_209 = arith.subf %neg3A_208, %gather3A : vector<16xf32>
            %exp3A = math.exp %neg3A_209 : vector<16xf32>
            %add3A_210 = arith.constant 1.000000e+00 : f32
            %add3A_211 = vector.broadcast %add3A_210 : f32 to vector<16xf32>
            %add3A_212 = arith.addf %add3A_211, %exp3A : vector<16xf32>
            %bitcast3A = vector.bitcast %add3A_212 : vector<16xf32> to vector<16xi32>
            %sub3A_213 = arith.constant 2129859011 : i32
            %sub3A_214 = vector.broadcast %sub3A_213 : i32 to vector<16xi32>
            %sub3A_215 = arith.subi %sub3A_214, %bitcast3A : vector<16xi32>
            %bitcast3A_216 = vector.bitcast %sub3A_215 : vector<16xi32> to vector<16xf32>
            %mul3A_217 = arith.mulf %add3A_212, %bitcast3A_216 : vector<16xf32>
            %sub3A_218 = arith.constant 2.000000e+00 : f32
            %sub3A_219 = vector.broadcast %sub3A_218 : f32 to vector<16xf32>
            %sub3A_220 = arith.subf %sub3A_219, %mul3A_217 : vector<16xf32>
            %mul3A_221 = arith.mulf %bitcast3A_216, %sub3A_220 : vector<16xf32>
            %mul3A_222 = arith.mulf %add3A_212, %mul3A_221 : vector<16xf32>
            %sub3A_223 = arith.constant 2.000000e+00 : f32
            %sub3A_224 = vector.broadcast %sub3A_223 : f32 to vector<16xf32>
            %sub3A_225 = arith.subf %sub3A_224, %mul3A_222 : vector<16xf32>
            %mul3A_226 = arith.mulf %mul3A_221, %sub3A_225 : vector<16xf32>
            %mul3A_227 = arith.mulf %add3A_212, %mul3A_226 : vector<16xf32>
            %sub3A_228 = arith.constant 2.000000e+00 : f32
            %sub3A_229 = vector.broadcast %sub3A_228 : f32 to vector<16xf32>
            %sub3A_230 = arith.subf %sub3A_229, %mul3A_227 : vector<16xf32>
            %mul3A_231 = arith.mulf %mul3A_226, %sub3A_230 : vector<16xf32>
            %add3A_232 = arith.constant 1 : i32
            %add3A_233 = vector.broadcast %add3A_232 : i32 to vector<16xi32>
            %add3A_234 = arith.addi %broadcast_in_dim3A_207, %add3A_233 : vector<16xi32>
            %gather3A_235 = tpu.vector_load_idx %arg5[%add3A_234, %select_n3A_202, %sub3A_206] : memref<56x8x52xf32, #tpu.memory_space<vmem>>[vector<16xi32>, vector<16xi32>, vector<16xi32>], vector<16xf32>,
            %neg3A_236 = arith.constant 0.000000e+00 : f32
            %neg3A_237 = vector.broadcast %neg3A_236 : f32 to vector<16xf32>
            %neg3A_238 = arith.subf %neg3A_237, %gather3A_235 : vector<16xf32>
            %exp3A_239 = math.exp %neg3A_238 : vector<16xf32>
            %add3A_240 = arith.constant 1.000000e+00 : f32
            %add3A_241 = vector.broadcast %add3A_240 : f32 to vector<16xf32>
            %add3A_242 = arith.addf %add3A_241, %exp3A_239 : vector<16xf32>
            %bitcast3A_243 = vector.bitcast %add3A_242 : vector<16xf32> to vector<16xi32>
            %sub3A_244 = arith.constant 2129859011 : i32
            %sub3A_245 = vector.broadcast %sub3A_244 : i32 to vector<16xi32>
            %sub3A_246 = arith.subi %sub3A_245, %bitcast3A_243 : vector<16xi32>
            %bitcast3A_247 = vector.bitcast %sub3A_246 : vector<16xi32> to vector<16xf32>
            %mul3A_248 = arith.mulf %add3A_242, %bitcast3A_247 : vector<16xf32>
            %sub3A_249 = arith.constant 2.000000e+00 : f32
            %sub3A_250 = vector.broadcast %sub3A_249 : f32 to vector<16xf32>
            %sub3A_251 = arith.subf %sub3A_250, %mul3A_248 : vector<16xf32>
            %mul3A_252 = arith.mulf %bitcast3A_247, %sub3A_251 : vector<16xf32>
            %mul3A_253 = arith.mulf %add3A_242, %mul3A_252 : vector<16xf32>
            %sub3A_254 = arith.constant 2.000000e+00 : f32
            %sub3A_255 = vector.broadcast %sub3A_254 : f32 to vector<16xf32>
            %sub3A_256 = arith.subf %sub3A_255, %mul3A_253 : vector<16xf32>
            %mul3A_257 = arith.mulf %mul3A_252, %sub3A_256 : vector<16xf32>
            %mul3A_258 = arith.mulf %add3A_242, %mul3A_257 : vector<16xf32>
            %sub3A_259 = arith.constant 2.000000e+00 : f32
            %sub3A_260 = vector.broadcast %sub3A_259 : f32 to vector<16xf32>
            %sub3A_261 = arith.subf %sub3A_260, %mul3A_258 : vector<16xf32>
            %mul3A_262 = arith.mulf %mul3A_257, %sub3A_261 : vector<16xf32>
            %add3A_263 = arith.constant 2 : i32
            %add3A_264 = vector.broadcast %add3A_263 : i32 to vector<16xi32>
            %add3A_265 = arith.addi %broadcast_in_dim3A_207, %add3A_264 : vector<16xi32>
            %gather3A_266 = tpu.vector_load_idx %arg5[%add3A_265, %select_n3A_202, %sub3A_206] : memref<56x8x52xf32, #tpu.memory_space<vmem>>[vector<16xi32>, vector<16xi32>, vector<16xi32>], vector<16xf32>,
            %exp3A_267 = math.exp %gather3A_266 : vector<16xf32>
            %add3A_268 = arith.constant 3 : i32
            %add3A_269 = vector.broadcast %add3A_268 : i32 to vector<16xi32>
            %add3A_270 = arith.addi %broadcast_in_dim3A_207, %add3A_269 : vector<16xi32>
            %gather3A_271 = tpu.vector_load_idx %arg5[%add3A_270, %select_n3A_202, %sub3A_206] : memref<56x8x52xf32, #tpu.memory_space<vmem>>[vector<16xi32>, vector<16xi32>, vector<16xi32>], vector<16xf32>,
            %exp3A_272 = math.exp %gather3A_271 : vector<16xf32>
            %add3A_273 = arith.constant 32 : i32
            %add3A_274 = vector.broadcast %add3A_273 : i32 to vector<16xi32>
            %add3A_275 = arith.addi %broadcast_in_dim3A_207, %add3A_274 : vector<16xi32>
            %gather3A_276 = tpu.vector_load_idx %arg6[%add3A_275, %select_n3A_202, %sub3A_206] : memref<33x8x52xf32, #tpu.memory_space<vmem>>[vector<16xi32>, vector<16xi32>, vector<16xi32>], vector<16xf32>,
            %neg3A_277 = arith.constant 0.000000e+00 : f32
            %neg3A_278 = vector.broadcast %neg3A_277 : f32 to vector<16xf32>
            %neg3A_279 = arith.subf %neg3A_278, %gather3A_276 : vector<16xf32>
            %exp3A_280 = math.exp %neg3A_279 : vector<16xf32>
            %add3A_281 = arith.constant 1.000000e+00 : f32
            %add3A_282 = vector.broadcast %add3A_281 : f32 to vector<16xf32>
            %add3A_283 = arith.addf %add3A_282, %exp3A_280 : vector<16xf32>
            %bitcast3A_284 = vector.bitcast %add3A_283 : vector<16xf32> to vector<16xi32>
            %sub3A_285 = arith.constant 2129859011 : i32
            %sub3A_286 = vector.broadcast %sub3A_285 : i32 to vector<16xi32>
            %sub3A_287 = arith.subi %sub3A_286, %bitcast3A_284 : vector<16xi32>
            %bitcast3A_288 = vector.bitcast %sub3A_287 : vector<16xi32> to vector<16xf32>
            %mul3A_289 = arith.mulf %add3A_283, %bitcast3A_288 : vector<16xf32>
            %sub3A_290 = arith.constant 2.000000e+00 : f32
            %sub3A_291 = vector.broadcast %sub3A_290 : f32 to vector<16xf32>
            %sub3A_292 = arith.subf %sub3A_291, %mul3A_289 : vector<16xf32>
            %mul3A_293 = arith.mulf %bitcast3A_288, %sub3A_292 : vector<16xf32>
            %mul3A_294 = arith.mulf %add3A_283, %mul3A_293 : vector<16xf32>
            %sub3A_295 = arith.constant 2.000000e+00 : f32
            %sub3A_296 = vector.broadcast %sub3A_295 : f32 to vector<16xf32>
            %sub3A_297 = arith.subf %sub3A_296, %mul3A_294 : vector<16xf32>
            %mul3A_298 = arith.mulf %mul3A_293, %sub3A_297 : vector<16xf32>
            %mul3A_299 = arith.mulf %add3A_283, %mul3A_298 : vector<16xf32>
            %sub3A_300 = arith.constant 2.000000e+00 : f32
            %sub3A_301 = vector.broadcast %sub3A_300 : f32 to vector<16xf32>
            %sub3A_302 = arith.subf %sub3A_301, %mul3A_299 : vector<16xf32>
            %mul3A_303 = arith.mulf %mul3A_298, %sub3A_302 : vector<16xf32>
            %convert_element_type3A_304 = arith.sitofp %sub3A_206 : vector<16xi32> to vector<16xf32>
            %add3A_305 = arith.addf %mul3A_231, %convert_element_type3A_304 : vector<16xf32>
            %mul3A_306 = arith.mulf %add3A_305, %get3A_54 : vector<16xf32>
            tpu.vector_store_idx %arg7[%iota3A, %broadcast_in_dim3A_207], %mul3A_306 : memref<16x85xf32, #tpu.memory_space<vmem>>[vector<16xi32>, vector<16xi32>], vector<16xf32>,
            %add3A_307 = arith.constant 1 : i32
            %add3A_308 = vector.broadcast %add3A_307 : i32 to vector<16xi32>
            %add3A_309 = arith.addi %broadcast_in_dim3A_207, %add3A_308 : vector<16xi32>
            %add3A_310 = arith.constant 48 : i32
            %add3A_311 = vector.broadcast %add3A_310 : i32 to vector<16xi32>
            %add3A_312 = arith.addi %select_n3A_202, %add3A_311 : vector<16xi32>
            %convert_element_type3A_313 = arith.sitofp %add3A_312 : vector<16xi32> to vector<16xf32>
            %add3A_314 = arith.addf %mul3A_262, %convert_element_type3A_313 : vector<16xf32>
            %mul3A_315 = arith.mulf %add3A_314, %get3A_54 : vector<16xf32>
            tpu.vector_store_idx %arg7[%iota3A, %add3A_309], %mul3A_315 : memref<16x85xf32, #tpu.memory_space<vmem>>[vector<16xi32>, vector<16xi32>], vector<16xf32>,
            %add3A_316 = arith.constant 2 : i32
            %add3A_317 = vector.broadcast %add3A_316 : i32 to vector<16xi32>
            %add3A_318 = arith.addi %broadcast_in_dim3A_207, %add3A_317 : vector<16xi32>
            %mul3A_319 = vector.broadcast %select_n3A_44 : f32 to vector<16xf32>
            %mul3A_320 = arith.mulf %exp3A_267, %mul3A_319 : vector<16xf32>
            tpu.vector_store_idx %arg7[%iota3A, %add3A_318], %mul3A_320 : memref<16x85xf32, #tpu.memory_space<vmem>>[vector<16xi32>, vector<16xi32>], vector<16xf32>,
            %add3A_321 = arith.constant 3 : i32
            %add3A_322 = vector.broadcast %add3A_321 : i32 to vector<16xi32>
            %add3A_323 = arith.addi %broadcast_in_dim3A_207, %add3A_322 : vector<16xi32>
            %mul3A_324 = vector.broadcast %select_n3A_53 : f32 to vector<16xf32>
            %mul3A_325 = arith.mulf %exp3A_272, %mul3A_324 : vector<16xf32>
            tpu.vector_store_idx %arg7[%iota3A, %add3A_323], %mul3A_325 : memref<16x85xf32, #tpu.memory_space<vmem>>[vector<16xi32>, vector<16xi32>], vector<16xf32>,
            %add3A_326 = arith.constant 84 : i32
            %add3A_327 = vector.broadcast %add3A_326 : i32 to vector<16xi32>
            %add3A_328 = arith.addi %broadcast_in_dim3A_207, %add3A_327 : vector<16xi32>
            tpu.vector_store_idx %arg7[%iota3A, %add3A_328], %mul3A_303 : memref<16x85xf32, #tpu.memory_space<vmem>>[vector<16xi32>, vector<16xi32>], vector<16xf32>,
            %parallel_loop3A = arith.constant 0 : i32
            %parallel_loop3A_329 = arith.constant 48 : i32
            %parallel_loop3A_330 = arith.constant 1 : i32
            scf.for %parallel_loop3A_343 = %parallel_loop3A to %parallel_loop3A_329 step %parallel_loop3A_330  : i32 {
              %parallel_loop3A_344 = arith.constant 8 : i32
              %parallel_loop3A_345 = arith.addi %parallel_loop3A_343, %parallel_loop3A_344 : i32
              %parallel_loop3A_346 = vector.broadcast %parallel_loop3A_345 : i32 to vector<16xi32>
              %parallel_loop3A_347 = arith.addi %broadcast_in_dim3A_207, %parallel_loop3A_346 : vector<16xi32>
              %parallel_loop3A_348 = tpu.vector_load_idx %arg5[%parallel_loop3A_347, %select_n3A_202, %sub3A_206] : memref<56x8x52xf32, #tpu.memory_space<vmem>>[vector<16xi32>, vector<16xi32>, vector<16xi32>], vector<16xf32>,
              %parallel_loop3A_349 = arith.constant 0.000000e+00 : f32
              %parallel_loop3A_350 = vector.broadcast %parallel_loop3A_349 : f32 to vector<16xf32>
              %parallel_loop3A_351 = arith.subf %parallel_loop3A_350, %parallel_loop3A_348 : vector<16xf32>
              %parallel_loop3A_352 = math.exp %parallel_loop3A_351 : vector<16xf32>
              %parallel_loop3A_353 = arith.constant 1.000000e+00 : f32
              %parallel_loop3A_354 = vector.broadcast %parallel_loop3A_353 : f32 to vector<16xf32>
              %parallel_loop3A_355 = arith.addf %parallel_loop3A_354, %parallel_loop3A_352 : vector<16xf32>
              %parallel_loop3A_356 = vector.bitcast %parallel_loop3A_355 : vector<16xf32> to vector<16xi32>
              %parallel_loop3A_357 = arith.constant 2129859011 : i32
              %parallel_loop3A_358 = vector.broadcast %parallel_loop3A_357 : i32 to vector<16xi32>
              %parallel_loop3A_359 = arith.subi %parallel_loop3A_358, %parallel_loop3A_356 : vector<16xi32>
              %parallel_loop3A_360 = vector.bitcast %parallel_loop3A_359 : vector<16xi32> to vector<16xf32>
              %parallel_loop3A_361 = arith.mulf %parallel_loop3A_355, %parallel_loop3A_360 : vector<16xf32>
              %parallel_loop3A_362 = arith.constant 2.000000e+00 : f32
              %parallel_loop3A_363 = vector.broadcast %parallel_loop3A_362 : f32 to vector<16xf32>
              %parallel_loop3A_364 = arith.subf %parallel_loop3A_363, %parallel_loop3A_361 : vector<16xf32>
              %parallel_loop3A_365 = arith.mulf %parallel_loop3A_360, %parallel_loop3A_364 : vector<16xf32>
              %parallel_loop3A_366 = arith.mulf %parallel_loop3A_355, %parallel_loop3A_365 : vector<16xf32>
              %parallel_loop3A_367 = arith.constant 2.000000e+00 : f32
              %parallel_loop3A_368 = vector.broadcast %parallel_loop3A_367 : f32 to vector<16xf32>
              %parallel_loop3A_369 = arith.subf %parallel_loop3A_368, %parallel_loop3A_366 : vector<16xf32>
              %parallel_loop3A_370 = arith.mulf %parallel_loop3A_365, %parallel_loop3A_369 : vector<16xf32>
              %parallel_loop3A_371 = arith.mulf %parallel_loop3A_355, %parallel_loop3A_370 : vector<16xf32>
              %parallel_loop3A_372 = arith.constant 2.000000e+00 : f32
              %parallel_loop3A_373 = vector.broadcast %parallel_loop3A_372 : f32 to vector<16xf32>
              %parallel_loop3A_374 = arith.subf %parallel_loop3A_373, %parallel_loop3A_371 : vector<16xf32>
              %parallel_loop3A_375 = arith.mulf %parallel_loop3A_370, %parallel_loop3A_374 : vector<16xf32>
              %parallel_loop3A_376 = arith.constant 4 : i32
              %parallel_loop3A_377 = arith.addi %parallel_loop3A_343, %parallel_loop3A_376 : i32
              %parallel_loop3A_378 = vector.broadcast %parallel_loop3A_377 : i32 to vector<16xi32>
              %parallel_loop3A_379 = arith.addi %broadcast_in_dim3A_207, %parallel_loop3A_378 : vector<16xi32>
              tpu.vector_store_idx %arg7[%iota3A, %parallel_loop3A_379], %parallel_loop3A_375 : memref<16x85xf32, #tpu.memory_space<vmem>>[vector<16xi32>, vector<16xi32>], vector<16xf32>,
            } {sc.loop_unroll_factor = 4 : i64, sc.parallel_access}
            %parallel_loop3A_331 = arith.constant 0 : i32
            %parallel_loop3A_332 = arith.constant 32 : i32
            %parallel_loop3A_333 = arith.constant 1 : i32
            scf.for %parallel_loop3A_343 = %parallel_loop3A_331 to %parallel_loop3A_332 step %parallel_loop3A_333  : i32 {
              %parallel_loop3A_344 = vector.broadcast %parallel_loop3A_343 : i32 to vector<16xi32>
              %parallel_loop3A_345 = arith.addi %broadcast_in_dim3A_207, %parallel_loop3A_344 : vector<16xi32>
              %parallel_loop3A_346 = tpu.vector_load_idx %arg6[%parallel_loop3A_345, %select_n3A_202, %sub3A_206] : memref<33x8x52xf32, #tpu.memory_space<vmem>>[vector<16xi32>, vector<16xi32>, vector<16xi32>], vector<16xf32>,
              %parallel_loop3A_347 = arith.constant 0.000000e+00 : f32
              %parallel_loop3A_348 = vector.broadcast %parallel_loop3A_347 : f32 to vector<16xf32>
              %parallel_loop3A_349 = arith.subf %parallel_loop3A_348, %parallel_loop3A_346 : vector<16xf32>
              %parallel_loop3A_350 = math.exp %parallel_loop3A_349 : vector<16xf32>
              %parallel_loop3A_351 = arith.constant 1.000000e+00 : f32
              %parallel_loop3A_352 = vector.broadcast %parallel_loop3A_351 : f32 to vector<16xf32>
              %parallel_loop3A_353 = arith.addf %parallel_loop3A_352, %parallel_loop3A_350 : vector<16xf32>
              %parallel_loop3A_354 = vector.bitcast %parallel_loop3A_353 : vector<16xf32> to vector<16xi32>
              %parallel_loop3A_355 = arith.constant 2129859011 : i32
              %parallel_loop3A_356 = vector.broadcast %parallel_loop3A_355 : i32 to vector<16xi32>
              %parallel_loop3A_357 = arith.subi %parallel_loop3A_356, %parallel_loop3A_354 : vector<16xi32>
              %parallel_loop3A_358 = vector.bitcast %parallel_loop3A_357 : vector<16xi32> to vector<16xf32>
              %parallel_loop3A_359 = arith.mulf %parallel_loop3A_353, %parallel_loop3A_358 : vector<16xf32>
              %parallel_loop3A_360 = arith.constant 2.000000e+00 : f32
              %parallel_loop3A_361 = vector.broadcast %parallel_loop3A_360 : f32 to vector<16xf32>
              %parallel_loop3A_362 = arith.subf %parallel_loop3A_361, %parallel_loop3A_359 : vector<16xf32>
              %parallel_loop3A_363 = arith.mulf %parallel_loop3A_358, %parallel_loop3A_362 : vector<16xf32>
              %parallel_loop3A_364 = arith.mulf %parallel_loop3A_353, %parallel_loop3A_363 : vector<16xf32>
              %parallel_loop3A_365 = arith.constant 2.000000e+00 : f32
              %parallel_loop3A_366 = vector.broadcast %parallel_loop3A_365 : f32 to vector<16xf32>
              %parallel_loop3A_367 = arith.subf %parallel_loop3A_366, %parallel_loop3A_364 : vector<16xf32>
              %parallel_loop3A_368 = arith.mulf %parallel_loop3A_363, %parallel_loop3A_367 : vector<16xf32>
              %parallel_loop3A_369 = arith.mulf %parallel_loop3A_353, %parallel_loop3A_368 : vector<16xf32>
              %parallel_loop3A_370 = arith.constant 2.000000e+00 : f32
              %parallel_loop3A_371 = vector.broadcast %parallel_loop3A_370 : f32 to vector<16xf32>
              %parallel_loop3A_372 = arith.subf %parallel_loop3A_371, %parallel_loop3A_369 : vector<16xf32>
              %parallel_loop3A_373 = arith.mulf %parallel_loop3A_368, %parallel_loop3A_372 : vector<16xf32>
              %parallel_loop3A_374 = arith.constant 52 : i32
              %parallel_loop3A_375 = arith.addi %parallel_loop3A_343, %parallel_loop3A_374 : i32
              %parallel_loop3A_376 = vector.broadcast %parallel_loop3A_375 : i32 to vector<16xi32>
              %parallel_loop3A_377 = arith.addi %broadcast_in_dim3A_207, %parallel_loop3A_376 : vector<16xi32>
              tpu.vector_store_idx %arg7[%iota3A, %parallel_loop3A_377], %parallel_loop3A_373 : memref<16x85xf32, #tpu.memory_space<vmem>>[vector<16xi32>, vector<16xi32>], vector<16xf32>,
            } {sc.loop_unroll_factor = 4 : i64, sc.parallel_access}
            %mul3A_334 = arith.constant 16 : i32
            %mul3A_335 = arith.muli %scan3A_149, %mul3A_334 : i32
            %add3A_336 = arith.addi %add3A_58, %mul3A_335 : i32
            %dma_start3A_337 = arith.constant 0 : i32
            %dma_start3A_338 = tpu.memref_slice %arg4[%select_n3A, %add3A_336, %dma_start3A_337] : memref<16x8112x85xf32, #tpu.memory_space<hbm>> -> memref<1x16x85xf32, #tpu.memory_space<hbm>>
            %dma_start3A_339 = tpu.memref_squeeze %dma_start3A_338 : memref<1x16x85xf32, #tpu.memory_space<hbm>> -> memref<16x85xf32, #tpu.memory_space<hbm>>
            %dma_start3A_340 = arith.constant 0 : i32
            %dma_start3A_341 = tpu.memref_slice %arg4[%select_n3A, %add3A_336, %dma_start3A_340] : memref<16x8112x85xf32, #tpu.memory_space<hbm>> -> memref<1x16x85xf32, #tpu.memory_space<hbm>>
            %dma_start3A_342 = tpu.memref_squeeze %dma_start3A_341 : memref<1x16x85xf32, #tpu.memory_space<hbm>> -> memref<16x85xf32, #tpu.memory_space<hbm>>
            tpu.enqueue_dma source(%arg7 : memref<16x85xf32, #tpu.memory_space<vmem>>) target(%dma_start3A_342 : memref<16x85xf32, #tpu.memory_space<hbm>>) target_semaphore(%arg11 : memref<!tpu.dma_semaphore, #tpu.memory_space<semaphore_mem>>)
          } else {
          }
          %rem3A_157 = arith.constant 2 : i32
          %rem3A_158 = arith.remsi %scan3A_149, %rem3A_157 : i32
          %eq3A_159 = arith.constant 1 : i32
          %eq3A_160 = arith.cmpi eq, %rem3A_158, %eq3A_159 : i32
          %convert_element_type3A_161 = arith.extui %eq3A_160 : i1 to i32
          %cond3A_162 = arith.constant 0 : i32
          %cond3A_163 = arith.cmpi ne, %convert_element_type3A_161, %cond3A_162 : i32
          scf.if %cond3A_163 {
            %ge3A = arith.constant 3 : i32
            %ge3A_164 = arith.cmpi sge, %scan3A_149, %ge3A : i32
            %convert_element_type3A_165 = arith.extui %ge3A_164 : i1 to i32
            %cond3A_166 = arith.constant 0 : i32
            %cond3A_167 = arith.cmpi ne, %convert_element_type3A_165, %cond3A_166 : i32
            scf.if %cond3A_167 {
              %sub3A_343 = arith.constant 2 : i32
              %sub3A_344 = arith.subi %scan3A_149, %sub3A_343 : i32
              %mul3A_345 = arith.constant 16 : i32
              %mul3A_346 = arith.muli %sub3A_344, %mul3A_345 : i32
              %add3A_347 = arith.addi %add3A_58, %mul3A_346 : i32
              %dma_wait3A_348 = arith.constant 0 : i32
              %dma_wait3A_349 = tpu.memref_slice %arg4[%select_n3A, %add3A_347, %dma_wait3A_348] : memref<16x8112x85xf32, #tpu.memory_space<hbm>> -> memref<1x16x85xf32, #tpu.memory_space<hbm>>
              %dma_wait3A_350 = tpu.memref_squeeze %dma_wait3A_349 : memref<1x16x85xf32, #tpu.memory_space<hbm>> -> memref<16x85xf32, #tpu.memory_space<hbm>>
              %dma_wait3A_351 = arith.constant 0 : i32
              %dma_wait3A_352 = tpu.memref_slice %arg4[%select_n3A, %add3A_347, %dma_wait3A_351] : memref<16x8112x85xf32, #tpu.memory_space<hbm>> -> memref<1x16x85xf32, #tpu.memory_space<hbm>>
              %dma_wait3A_353 = tpu.memref_squeeze %dma_wait3A_352 : memref<1x16x85xf32, #tpu.memory_space<hbm>> -> memref<16x85xf32, #tpu.memory_space<hbm>>
              tpu.wait_dma2 semaphore(%arg12 : memref<!tpu.dma_semaphore, #tpu.memory_space<semaphore_mem>>) src(%arg8 : memref<16x85xf32, #tpu.memory_space<vmem>>) dst(%dma_wait3A_353 : memref<16x85xf32, #tpu.memory_space<hbm>>)
            } else {
            }
            %mul3A_168 = arith.constant 16 : i32
            %mul3A_169 = arith.muli %scan3A_149, %mul3A_168 : i32
            %add3A_170 = vector.broadcast %mul3A_169 : i32 to vector<16xi32>
            %add3A_171 = arith.addi %iota3A, %add3A_170 : vector<16xi32>
            %jit3A_172 = arith.constant 52 : i32
            %div3A_173 = vector.broadcast %jit3A_172 : i32 to vector<16xi32>
            %div3A_174 = arith.divsi %add3A_171, %div3A_173 : vector<16xi32>
            %sign3A_175 = arith.constant 0 : i32
            %sign3A_176 = vector.broadcast %sign3A_175 : i32 to vector<16xi32>
            %sign3A_177 = arith.cmpi sgt, %add3A_171, %sign3A_176 : vector<16xi32>
            %sign3A_178 = arith.extui %sign3A_177 : vector<16xi1> to vector<16xi32>
            %sign3A_179 = arith.constant 0 : i32
            %sign3A_180 = vector.broadcast %sign3A_179 : i32 to vector<16xi32>
            %sign3A_181 = arith.cmpi slt, %add3A_171, %sign3A_180 : vector<16xi32>
            %sign3A_182 = arith.extui %sign3A_181 : vector<16xi1> to vector<16xi32>
            %sign3A_183 = arith.subi %sign3A_178, %sign3A_182 : vector<16xi32>
            %sign3A_184 = arith.constant 0 : i32
            %sign3A_185 = arith.cmpi sgt, %jit3A_172, %sign3A_184 : i32
            %sign3A_186 = arith.extui %sign3A_185 : i1 to i32
            %sign3A_187 = arith.constant 0 : i32
            %sign3A_188 = arith.cmpi slt, %jit3A_172, %sign3A_187 : i32
            %sign3A_189 = arith.extui %sign3A_188 : i1 to i32
            %sign3A_190 = arith.subi %sign3A_186, %sign3A_189 : i32
            %ne3A_191 = vector.broadcast %sign3A_190 : i32 to vector<16xi32>
            %ne3A_192 = arith.cmpi ne, %sign3A_183, %ne3A_191 : vector<16xi32>
            %rem3A_193 = vector.broadcast %jit3A_172 : i32 to vector<16xi32>
            %rem3A_194 = arith.remsi %add3A_171, %rem3A_193 : vector<16xi32>
            %ne3A_195 = arith.constant 0 : i32
            %ne3A_196 = vector.broadcast %ne3A_195 : i32 to vector<16xi32>
            %ne3A_197 = arith.cmpi ne, %rem3A_194, %ne3A_196 : vector<16xi32>
            %and3A_198 = arith.andi %ne3A_192, %ne3A_197 : vector<16xi1>
            %sub3A_199 = arith.constant 1 : i32
            %sub3A_200 = vector.broadcast %sub3A_199 : i32 to vector<16xi32>
            %sub3A_201 = arith.subi %div3A_174, %sub3A_200 : vector<16xi32>
            %select_n3A_202 = arith.select %and3A_198, %sub3A_201, %div3A_174 : vector<16xi1>, vector<16xi32>
            %mul3A_203 = arith.constant 52 : i32
            %mul3A_204 = vector.broadcast %mul3A_203 : i32 to vector<16xi32>
            %mul3A_205 = arith.muli %select_n3A_202, %mul3A_204 : vector<16xi32>
            %sub3A_206 = arith.subi %add3A_171, %mul3A_205 : vector<16xi32>
            %broadcast_in_dim3A = arith.constant 0 : i32
            %broadcast_in_dim3A_207 = vector.broadcast %broadcast_in_dim3A : i32 to vector<16xi32>
            %gather3A = tpu.vector_load_idx %arg5[%broadcast_in_dim3A_207, %select_n3A_202, %sub3A_206] : memref<56x8x52xf32, #tpu.memory_space<vmem>>[vector<16xi32>, vector<16xi32>, vector<16xi32>], vector<16xf32>,
            %neg3A = arith.constant 0.000000e+00 : f32
            %neg3A_208 = vector.broadcast %neg3A : f32 to vector<16xf32>
            %neg3A_209 = arith.subf %neg3A_208, %gather3A : vector<16xf32>
            %exp3A = math.exp %neg3A_209 : vector<16xf32>
            %add3A_210 = arith.constant 1.000000e+00 : f32
            %add3A_211 = vector.broadcast %add3A_210 : f32 to vector<16xf32>
            %add3A_212 = arith.addf %add3A_211, %exp3A : vector<16xf32>
            %bitcast3A = vector.bitcast %add3A_212 : vector<16xf32> to vector<16xi32>
            %sub3A_213 = arith.constant 2129859011 : i32
            %sub3A_214 = vector.broadcast %sub3A_213 : i32 to vector<16xi32>
            %sub3A_215 = arith.subi %sub3A_214, %bitcast3A : vector<16xi32>
            %bitcast3A_216 = vector.bitcast %sub3A_215 : vector<16xi32> to vector<16xf32>
            %mul3A_217 = arith.mulf %add3A_212, %bitcast3A_216 : vector<16xf32>
            %sub3A_218 = arith.constant 2.000000e+00 : f32
            %sub3A_219 = vector.broadcast %sub3A_218 : f32 to vector<16xf32>
            %sub3A_220 = arith.subf %sub3A_219, %mul3A_217 : vector<16xf32>
            %mul3A_221 = arith.mulf %bitcast3A_216, %sub3A_220 : vector<16xf32>
            %mul3A_222 = arith.mulf %add3A_212, %mul3A_221 : vector<16xf32>
            %sub3A_223 = arith.constant 2.000000e+00 : f32
            %sub3A_224 = vector.broadcast %sub3A_223 : f32 to vector<16xf32>
            %sub3A_225 = arith.subf %sub3A_224, %mul3A_222 : vector<16xf32>
            %mul3A_226 = arith.mulf %mul3A_221, %sub3A_225 : vector<16xf32>
            %mul3A_227 = arith.mulf %add3A_212, %mul3A_226 : vector<16xf32>
            %sub3A_228 = arith.constant 2.000000e+00 : f32
            %sub3A_229 = vector.broadcast %sub3A_228 : f32 to vector<16xf32>
            %sub3A_230 = arith.subf %sub3A_229, %mul3A_227 : vector<16xf32>
            %mul3A_231 = arith.mulf %mul3A_226, %sub3A_230 : vector<16xf32>
            %add3A_232 = arith.constant 1 : i32
            %add3A_233 = vector.broadcast %add3A_232 : i32 to vector<16xi32>
            %add3A_234 = arith.addi %broadcast_in_dim3A_207, %add3A_233 : vector<16xi32>
            %gather3A_235 = tpu.vector_load_idx %arg5[%add3A_234, %select_n3A_202, %sub3A_206] : memref<56x8x52xf32, #tpu.memory_space<vmem>>[vector<16xi32>, vector<16xi32>, vector<16xi32>], vector<16xf32>,
            %neg3A_236 = arith.constant 0.000000e+00 : f32
            %neg3A_237 = vector.broadcast %neg3A_236 : f32 to vector<16xf32>
            %neg3A_238 = arith.subf %neg3A_237, %gather3A_235 : vector<16xf32>
            %exp3A_239 = math.exp %neg3A_238 : vector<16xf32>
            %add3A_240 = arith.constant 1.000000e+00 : f32
            %add3A_241 = vector.broadcast %add3A_240 : f32 to vector<16xf32>
            %add3A_242 = arith.addf %add3A_241, %exp3A_239 : vector<16xf32>
            %bitcast3A_243 = vector.bitcast %add3A_242 : vector<16xf32> to vector<16xi32>
            %sub3A_244 = arith.constant 2129859011 : i32
            %sub3A_245 = vector.broadcast %sub3A_244 : i32 to vector<16xi32>
            %sub3A_246 = arith.subi %sub3A_245, %bitcast3A_243 : vector<16xi32>
            %bitcast3A_247 = vector.bitcast %sub3A_246 : vector<16xi32> to vector<16xf32>
            %mul3A_248 = arith.mulf %add3A_242, %bitcast3A_247 : vector<16xf32>
            %sub3A_249 = arith.constant 2.000000e+00 : f32
            %sub3A_250 = vector.broadcast %sub3A_249 : f32 to vector<16xf32>
            %sub3A_251 = arith.subf %sub3A_250, %mul3A_248 : vector<16xf32>
            %mul3A_252 = arith.mulf %bitcast3A_247, %sub3A_251 : vector<16xf32>
            %mul3A_253 = arith.mulf %add3A_242, %mul3A_252 : vector<16xf32>
            %sub3A_254 = arith.constant 2.000000e+00 : f32
            %sub3A_255 = vector.broadcast %sub3A_254 : f32 to vector<16xf32>
            %sub3A_256 = arith.subf %sub3A_255, %mul3A_253 : vector<16xf32>
            %mul3A_257 = arith.mulf %mul3A_252, %sub3A_256 : vector<16xf32>
            %mul3A_258 = arith.mulf %add3A_242, %mul3A_257 : vector<16xf32>
            %sub3A_259 = arith.constant 2.000000e+00 : f32
            %sub3A_260 = vector.broadcast %sub3A_259 : f32 to vector<16xf32>
            %sub3A_261 = arith.subf %sub3A_260, %mul3A_258 : vector<16xf32>
            %mul3A_262 = arith.mulf %mul3A_257, %sub3A_261 : vector<16xf32>
            %add3A_263 = arith.constant 2 : i32
            %add3A_264 = vector.broadcast %add3A_263 : i32 to vector<16xi32>
            %add3A_265 = arith.addi %broadcast_in_dim3A_207, %add3A_264 : vector<16xi32>
            %gather3A_266 = tpu.vector_load_idx %arg5[%add3A_265, %select_n3A_202, %sub3A_206] : memref<56x8x52xf32, #tpu.memory_space<vmem>>[vector<16xi32>, vector<16xi32>, vector<16xi32>], vector<16xf32>,
            %exp3A_267 = math.exp %gather3A_266 : vector<16xf32>
            %add3A_268 = arith.constant 3 : i32
            %add3A_269 = vector.broadcast %add3A_268 : i32 to vector<16xi32>
            %add3A_270 = arith.addi %broadcast_in_dim3A_207, %add3A_269 : vector<16xi32>
            %gather3A_271 = tpu.vector_load_idx %arg5[%add3A_270, %select_n3A_202, %sub3A_206] : memref<56x8x52xf32, #tpu.memory_space<vmem>>[vector<16xi32>, vector<16xi32>, vector<16xi32>], vector<16xf32>,
            %exp3A_272 = math.exp %gather3A_271 : vector<16xf32>
            %add3A_273 = arith.constant 32 : i32
            %add3A_274 = vector.broadcast %add3A_273 : i32 to vector<16xi32>
            %add3A_275 = arith.addi %broadcast_in_dim3A_207, %add3A_274 : vector<16xi32>
            %gather3A_276 = tpu.vector_load_idx %arg6[%add3A_275, %select_n3A_202, %sub3A_206] : memref<33x8x52xf32, #tpu.memory_space<vmem>>[vector<16xi32>, vector<16xi32>, vector<16xi32>], vector<16xf32>,
            %neg3A_277 = arith.constant 0.000000e+00 : f32
            %neg3A_278 = vector.broadcast %neg3A_277 : f32 to vector<16xf32>
            %neg3A_279 = arith.subf %neg3A_278, %gather3A_276 : vector<16xf32>
            %exp3A_280 = math.exp %neg3A_279 : vector<16xf32>
            %add3A_281 = arith.constant 1.000000e+00 : f32
            %add3A_282 = vector.broadcast %add3A_281 : f32 to vector<16xf32>
            %add3A_283 = arith.addf %add3A_282, %exp3A_280 : vector<16xf32>
            %bitcast3A_284 = vector.bitcast %add3A_283 : vector<16xf32> to vector<16xi32>
            %sub3A_285 = arith.constant 2129859011 : i32
            %sub3A_286 = vector.broadcast %sub3A_285 : i32 to vector<16xi32>
            %sub3A_287 = arith.subi %sub3A_286, %bitcast3A_284 : vector<16xi32>
            %bitcast3A_288 = vector.bitcast %sub3A_287 : vector<16xi32> to vector<16xf32>
            %mul3A_289 = arith.mulf %add3A_283, %bitcast3A_288 : vector<16xf32>
            %sub3A_290 = arith.constant 2.000000e+00 : f32
            %sub3A_291 = vector.broadcast %sub3A_290 : f32 to vector<16xf32>
            %sub3A_292 = arith.subf %sub3A_291, %mul3A_289 : vector<16xf32>
            %mul3A_293 = arith.mulf %bitcast3A_288, %sub3A_292 : vector<16xf32>
            %mul3A_294 = arith.mulf %add3A_283, %mul3A_293 : vector<16xf32>
            %sub3A_295 = arith.constant 2.000000e+00 : f32
            %sub3A_296 = vector.broadcast %sub3A_295 : f32 to vector<16xf32>
            %sub3A_297 = arith.subf %sub3A_296, %mul3A_294 : vector<16xf32>
            %mul3A_298 = arith.mulf %mul3A_293, %sub3A_297 : vector<16xf32>
            %mul3A_299 = arith.mulf %add3A_283, %mul3A_298 : vector<16xf32>
            %sub3A_300 = arith.constant 2.000000e+00 : f32
            %sub3A_301 = vector.broadcast %sub3A_300 : f32 to vector<16xf32>
            %sub3A_302 = arith.subf %sub3A_301, %mul3A_299 : vector<16xf32>
            %mul3A_303 = arith.mulf %mul3A_298, %sub3A_302 : vector<16xf32>
            %convert_element_type3A_304 = arith.sitofp %sub3A_206 : vector<16xi32> to vector<16xf32>
            %add3A_305 = arith.addf %mul3A_231, %convert_element_type3A_304 : vector<16xf32>
            %mul3A_306 = arith.mulf %add3A_305, %get3A_54 : vector<16xf32>
            tpu.vector_store_idx %arg8[%iota3A, %broadcast_in_dim3A_207], %mul3A_306 : memref<16x85xf32, #tpu.memory_space<vmem>>[vector<16xi32>, vector<16xi32>], vector<16xf32>,
            %add3A_307 = arith.constant 1 : i32
            %add3A_308 = vector.broadcast %add3A_307 : i32 to vector<16xi32>
            %add3A_309 = arith.addi %broadcast_in_dim3A_207, %add3A_308 : vector<16xi32>
            %add3A_310 = arith.constant 48 : i32
            %add3A_311 = vector.broadcast %add3A_310 : i32 to vector<16xi32>
            %add3A_312 = arith.addi %select_n3A_202, %add3A_311 : vector<16xi32>
            %convert_element_type3A_313 = arith.sitofp %add3A_312 : vector<16xi32> to vector<16xf32>
            %add3A_314 = arith.addf %mul3A_262, %convert_element_type3A_313 : vector<16xf32>
            %mul3A_315 = arith.mulf %add3A_314, %get3A_54 : vector<16xf32>
            tpu.vector_store_idx %arg8[%iota3A, %add3A_309], %mul3A_315 : memref<16x85xf32, #tpu.memory_space<vmem>>[vector<16xi32>, vector<16xi32>], vector<16xf32>,
            %add3A_316 = arith.constant 2 : i32
            %add3A_317 = vector.broadcast %add3A_316 : i32 to vector<16xi32>
            %add3A_318 = arith.addi %broadcast_in_dim3A_207, %add3A_317 : vector<16xi32>
            %mul3A_319 = vector.broadcast %select_n3A_44 : f32 to vector<16xf32>
            %mul3A_320 = arith.mulf %exp3A_267, %mul3A_319 : vector<16xf32>
            tpu.vector_store_idx %arg8[%iota3A, %add3A_318], %mul3A_320 : memref<16x85xf32, #tpu.memory_space<vmem>>[vector<16xi32>, vector<16xi32>], vector<16xf32>,
            %add3A_321 = arith.constant 3 : i32
            %add3A_322 = vector.broadcast %add3A_321 : i32 to vector<16xi32>
            %add3A_323 = arith.addi %broadcast_in_dim3A_207, %add3A_322 : vector<16xi32>
            %mul3A_324 = vector.broadcast %select_n3A_53 : f32 to vector<16xf32>
            %mul3A_325 = arith.mulf %exp3A_272, %mul3A_324 : vector<16xf32>
            tpu.vector_store_idx %arg8[%iota3A, %add3A_323], %mul3A_325 : memref<16x85xf32, #tpu.memory_space<vmem>>[vector<16xi32>, vector<16xi32>], vector<16xf32>,
            %add3A_326 = arith.constant 84 : i32
            %add3A_327 = vector.broadcast %add3A_326 : i32 to vector<16xi32>
            %add3A_328 = arith.addi %broadcast_in_dim3A_207, %add3A_327 : vector<16xi32>
            tpu.vector_store_idx %arg8[%iota3A, %add3A_328], %mul3A_303 : memref<16x85xf32, #tpu.memory_space<vmem>>[vector<16xi32>, vector<16xi32>], vector<16xf32>,
            %parallel_loop3A = arith.constant 0 : i32
            %parallel_loop3A_329 = arith.constant 48 : i32
            %parallel_loop3A_330 = arith.constant 1 : i32
            scf.for %parallel_loop3A_343 = %parallel_loop3A to %parallel_loop3A_329 step %parallel_loop3A_330  : i32 {
              %parallel_loop3A_344 = arith.constant 8 : i32
              %parallel_loop3A_345 = arith.addi %parallel_loop3A_343, %parallel_loop3A_344 : i32
              %parallel_loop3A_346 = vector.broadcast %parallel_loop3A_345 : i32 to vector<16xi32>
              %parallel_loop3A_347 = arith.addi %broadcast_in_dim3A_207, %parallel_loop3A_346 : vector<16xi32>
              %parallel_loop3A_348 = tpu.vector_load_idx %arg5[%parallel_loop3A_347, %select_n3A_202, %sub3A_206] : memref<56x8x52xf32, #tpu.memory_space<vmem>>[vector<16xi32>, vector<16xi32>, vector<16xi32>], vector<16xf32>,
              %parallel_loop3A_349 = arith.constant 0.000000e+00 : f32
              %parallel_loop3A_350 = vector.broadcast %parallel_loop3A_349 : f32 to vector<16xf32>
              %parallel_loop3A_351 = arith.subf %parallel_loop3A_350, %parallel_loop3A_348 : vector<16xf32>
              %parallel_loop3A_352 = math.exp %parallel_loop3A_351 : vector<16xf32>
              %parallel_loop3A_353 = arith.constant 1.000000e+00 : f32
              %parallel_loop3A_354 = vector.broadcast %parallel_loop3A_353 : f32 to vector<16xf32>
              %parallel_loop3A_355 = arith.addf %parallel_loop3A_354, %parallel_loop3A_352 : vector<16xf32>
              %parallel_loop3A_356 = vector.bitcast %parallel_loop3A_355 : vector<16xf32> to vector<16xi32>
              %parallel_loop3A_357 = arith.constant 2129859011 : i32
              %parallel_loop3A_358 = vector.broadcast %parallel_loop3A_357 : i32 to vector<16xi32>
              %parallel_loop3A_359 = arith.subi %parallel_loop3A_358, %parallel_loop3A_356 : vector<16xi32>
              %parallel_loop3A_360 = vector.bitcast %parallel_loop3A_359 : vector<16xi32> to vector<16xf32>
              %parallel_loop3A_361 = arith.mulf %parallel_loop3A_355, %parallel_loop3A_360 : vector<16xf32>
              %parallel_loop3A_362 = arith.constant 2.000000e+00 : f32
              %parallel_loop3A_363 = vector.broadcast %parallel_loop3A_362 : f32 to vector<16xf32>
              %parallel_loop3A_364 = arith.subf %parallel_loop3A_363, %parallel_loop3A_361 : vector<16xf32>
              %parallel_loop3A_365 = arith.mulf %parallel_loop3A_360, %parallel_loop3A_364 : vector<16xf32>
              %parallel_loop3A_366 = arith.mulf %parallel_loop3A_355, %parallel_loop3A_365 : vector<16xf32>
              %parallel_loop3A_367 = arith.constant 2.000000e+00 : f32
              %parallel_loop3A_368 = vector.broadcast %parallel_loop3A_367 : f32 to vector<16xf32>
              %parallel_loop3A_369 = arith.subf %parallel_loop3A_368, %parallel_loop3A_366 : vector<16xf32>
              %parallel_loop3A_370 = arith.mulf %parallel_loop3A_365, %parallel_loop3A_369 : vector<16xf32>
              %parallel_loop3A_371 = arith.mulf %parallel_loop3A_355, %parallel_loop3A_370 : vector<16xf32>
              %parallel_loop3A_372 = arith.constant 2.000000e+00 : f32
              %parallel_loop3A_373 = vector.broadcast %parallel_loop3A_372 : f32 to vector<16xf32>
              %parallel_loop3A_374 = arith.subf %parallel_loop3A_373, %parallel_loop3A_371 : vector<16xf32>
              %parallel_loop3A_375 = arith.mulf %parallel_loop3A_370, %parallel_loop3A_374 : vector<16xf32>
              %parallel_loop3A_376 = arith.constant 4 : i32
              %parallel_loop3A_377 = arith.addi %parallel_loop3A_343, %parallel_loop3A_376 : i32
              %parallel_loop3A_378 = vector.broadcast %parallel_loop3A_377 : i32 to vector<16xi32>
              %parallel_loop3A_379 = arith.addi %broadcast_in_dim3A_207, %parallel_loop3A_378 : vector<16xi32>
              tpu.vector_store_idx %arg8[%iota3A, %parallel_loop3A_379], %parallel_loop3A_375 : memref<16x85xf32, #tpu.memory_space<vmem>>[vector<16xi32>, vector<16xi32>], vector<16xf32>,
            } {sc.loop_unroll_factor = 4 : i64, sc.parallel_access}
            %parallel_loop3A_331 = arith.constant 0 : i32
            %parallel_loop3A_332 = arith.constant 32 : i32
            %parallel_loop3A_333 = arith.constant 1 : i32
            scf.for %parallel_loop3A_343 = %parallel_loop3A_331 to %parallel_loop3A_332 step %parallel_loop3A_333  : i32 {
              %parallel_loop3A_344 = vector.broadcast %parallel_loop3A_343 : i32 to vector<16xi32>
              %parallel_loop3A_345 = arith.addi %broadcast_in_dim3A_207, %parallel_loop3A_344 : vector<16xi32>
              %parallel_loop3A_346 = tpu.vector_load_idx %arg6[%parallel_loop3A_345, %select_n3A_202, %sub3A_206] : memref<33x8x52xf32, #tpu.memory_space<vmem>>[vector<16xi32>, vector<16xi32>, vector<16xi32>], vector<16xf32>,
              %parallel_loop3A_347 = arith.constant 0.000000e+00 : f32
              %parallel_loop3A_348 = vector.broadcast %parallel_loop3A_347 : f32 to vector<16xf32>
              %parallel_loop3A_349 = arith.subf %parallel_loop3A_348, %parallel_loop3A_346 : vector<16xf32>
              %parallel_loop3A_350 = math.exp %parallel_loop3A_349 : vector<16xf32>
              %parallel_loop3A_351 = arith.constant 1.000000e+00 : f32
              %parallel_loop3A_352 = vector.broadcast %parallel_loop3A_351 : f32 to vector<16xf32>
              %parallel_loop3A_353 = arith.addf %parallel_loop3A_352, %parallel_loop3A_350 : vector<16xf32>
              %parallel_loop3A_354 = vector.bitcast %parallel_loop3A_353 : vector<16xf32> to vector<16xi32>
              %parallel_loop3A_355 = arith.constant 2129859011 : i32
              %parallel_loop3A_356 = vector.broadcast %parallel_loop3A_355 : i32 to vector<16xi32>
              %parallel_loop3A_357 = arith.subi %parallel_loop3A_356, %parallel_loop3A_354 : vector<16xi32>
              %parallel_loop3A_358 = vector.bitcast %parallel_loop3A_357 : vector<16xi32> to vector<16xf32>
              %parallel_loop3A_359 = arith.mulf %parallel_loop3A_353, %parallel_loop3A_358 : vector<16xf32>
              %parallel_loop3A_360 = arith.constant 2.000000e+00 : f32
              %parallel_loop3A_361 = vector.broadcast %parallel_loop3A_360 : f32 to vector<16xf32>
              %parallel_loop3A_362 = arith.subf %parallel_loop3A_361, %parallel_loop3A_359 : vector<16xf32>
              %parallel_loop3A_363 = arith.mulf %parallel_loop3A_358, %parallel_loop3A_362 : vector<16xf32>
              %parallel_loop3A_364 = arith.mulf %parallel_loop3A_353, %parallel_loop3A_363 : vector<16xf32>
              %parallel_loop3A_365 = arith.constant 2.000000e+00 : f32
              %parallel_loop3A_366 = vector.broadcast %parallel_loop3A_365 : f32 to vector<16xf32>
              %parallel_loop3A_367 = arith.subf %parallel_loop3A_366, %parallel_loop3A_364 : vector<16xf32>
              %parallel_loop3A_368 = arith.mulf %parallel_loop3A_363, %parallel_loop3A_367 : vector<16xf32>
              %parallel_loop3A_369 = arith.mulf %parallel_loop3A_353, %parallel_loop3A_368 : vector<16xf32>
              %parallel_loop3A_370 = arith.constant 2.000000e+00 : f32
              %parallel_loop3A_371 = vector.broadcast %parallel_loop3A_370 : f32 to vector<16xf32>
              %parallel_loop3A_372 = arith.subf %parallel_loop3A_371, %parallel_loop3A_369 : vector<16xf32>
              %parallel_loop3A_373 = arith.mulf %parallel_loop3A_368, %parallel_loop3A_372 : vector<16xf32>
              %parallel_loop3A_374 = arith.constant 52 : i32
              %parallel_loop3A_375 = arith.addi %parallel_loop3A_343, %parallel_loop3A_374 : i32
              %parallel_loop3A_376 = vector.broadcast %parallel_loop3A_375 : i32 to vector<16xi32>
              %parallel_loop3A_377 = arith.addi %broadcast_in_dim3A_207, %parallel_loop3A_376 : vector<16xi32>
              tpu.vector_store_idx %arg8[%iota3A, %parallel_loop3A_377], %parallel_loop3A_373 : memref<16x85xf32, #tpu.memory_space<vmem>>[vector<16xi32>, vector<16xi32>], vector<16xf32>,
            } {sc.loop_unroll_factor = 4 : i64, sc.parallel_access}
            %mul3A_334 = arith.constant 16 : i32
            %mul3A_335 = arith.muli %scan3A_149, %mul3A_334 : i32
            %add3A_336 = arith.addi %add3A_58, %mul3A_335 : i32
            %dma_start3A_337 = arith.constant 0 : i32
            %dma_start3A_338 = tpu.memref_slice %arg4[%select_n3A, %add3A_336, %dma_start3A_337] : memref<16x8112x85xf32, #tpu.memory_space<hbm>> -> memref<1x16x85xf32, #tpu.memory_space<hbm>>
            %dma_start3A_339 = tpu.memref_squeeze %dma_start3A_338 : memref<1x16x85xf32, #tpu.memory_space<hbm>> -> memref<16x85xf32, #tpu.memory_space<hbm>>
            %dma_start3A_340 = arith.constant 0 : i32
            %dma_start3A_341 = tpu.memref_slice %arg4[%select_n3A, %add3A_336, %dma_start3A_340] : memref<16x8112x85xf32, #tpu.memory_space<hbm>> -> memref<1x16x85xf32, #tpu.memory_space<hbm>>
            %dma_start3A_342 = tpu.memref_squeeze %dma_start3A_341 : memref<1x16x85xf32, #tpu.memory_space<hbm>> -> memref<16x85xf32, #tpu.memory_space<hbm>>
            tpu.enqueue_dma source(%arg8 : memref<16x85xf32, #tpu.memory_space<vmem>>) target(%dma_start3A_342 : memref<16x85xf32, #tpu.memory_space<hbm>>) target_semaphore(%arg12 : memref<!tpu.dma_semaphore, #tpu.memory_space<semaphore_mem>>)
          } else {
          }
        }
        %scan3A_132 = arith.constant 13 : i32
        %add3A_133 = arith.constant 176 : i32
        %add3A_134 = arith.addi %add3A_58, %add3A_133 : i32
        %dma_wait3A_135 = arith.constant 0 : i32
        %dma_wait3A_136 = tpu.memref_slice %arg4[%select_n3A, %add3A_134, %dma_wait3A_135] : memref<16x8112x85xf32, #tpu.memory_space<hbm>> -> memref<1x16x85xf32, #tpu.memory_space<hbm>>
        %dma_wait3A_137 = tpu.memref_squeeze %dma_wait3A_136 : memref<1x16x85xf32, #tpu.memory_space<hbm>> -> memref<16x85xf32, #tpu.memory_space<hbm>>
        %dma_wait3A_138 = arith.constant 0 : i32
        %dma_wait3A_139 = tpu.memref_slice %arg4[%select_n3A, %add3A_134, %dma_wait3A_138] : memref<16x8112x85xf32, #tpu.memory_space<hbm>> -> memref<1x16x85xf32, #tpu.memory_space<hbm>>
        %dma_wait3A_140 = tpu.memref_squeeze %dma_wait3A_139 : memref<1x16x85xf32, #tpu.memory_space<hbm>> -> memref<16x85xf32, #tpu.memory_space<hbm>>
        tpu.wait_dma2 semaphore(%arg12 : memref<!tpu.dma_semaphore, #tpu.memory_space<semaphore_mem>>) src(%arg8 : memref<16x85xf32, #tpu.memory_space<vmem>>) dst(%dma_wait3A_140 : memref<16x85xf32, #tpu.memory_space<hbm>>)
        %add3A_141 = arith.constant 192 : i32
        %add3A_142 = arith.addi %add3A_58, %add3A_141 : i32
        %dma_wait3A_143 = arith.constant 0 : i32
        %dma_wait3A_144 = tpu.memref_slice %arg4[%select_n3A, %add3A_142, %dma_wait3A_143] : memref<16x8112x85xf32, #tpu.memory_space<hbm>> -> memref<1x16x85xf32, #tpu.memory_space<hbm>>
        %dma_wait3A_145 = tpu.memref_squeeze %dma_wait3A_144 : memref<1x16x85xf32, #tpu.memory_space<hbm>> -> memref<16x85xf32, #tpu.memory_space<hbm>>
        %dma_wait3A_146 = arith.constant 0 : i32
        %dma_wait3A_147 = tpu.memref_slice %arg4[%select_n3A, %add3A_142, %dma_wait3A_146] : memref<16x8112x85xf32, #tpu.memory_space<hbm>> -> memref<1x16x85xf32, #tpu.memory_space<hbm>>
        %dma_wait3A_148 = tpu.memref_squeeze %dma_wait3A_147 : memref<1x16x85xf32, #tpu.memory_space<hbm>> -> memref<16x85xf32, #tpu.memory_space<hbm>>
        tpu.wait_dma2 semaphore(%arg11 : memref<!tpu.dma_semaphore, #tpu.memory_space<semaphore_mem>>) src(%arg7 : memref<16x85xf32, #tpu.memory_space<vmem>>) dst(%dma_wait3A_148 : memref<16x85xf32, #tpu.memory_space<hbm>>)
      } else {
      }
    }
    %scan3A_11 = arith.constant 2 : i32
    return
  }
}

</mosaic_0001>

<sc_bundles>
// kernel: kernel.3.cloned.1.call-start
scs
__scs_entry_jumppad:
0x0: {  	(pc) =	sbr.rel $0x88, $3  }
0x1: {  	(tag) =	ssettag $0x0;
	lr =	simm.s32 $0x1  }
0x2: {  	[smem:$0x3F9F] =	sst lr;
	_ =	strace $0xD0000000  }
0x3: {  	_ = 	snop  }
0x4: {  	_ = 	snop  }
0x5: {  	_ = 	snop  }
0x6: {  	_ = 	snop  }
0x7: {  	_ = 	snop  }
__scs_overlays_trampoline_lowered:
0x8: {  	[smem:$0x3FAE] =	sst s0  }
0x9: {  	[smem:$0x3FAF] =	sst s1  }
0xa: {  	[smem:$0x3FB0] =	sst s2  }
0xb: {  	[smem:$0x3FB1] =	sst s3  }
0xc: {  	[smem:$0x3FB2] =	sst s4  }
0xd: {  	[smem:$0x3FB3] =	sst s5  }
0xe: {  	[smem:$0x3FB4] =	sst s6  }
0xf: {  	[smem:$0x3FB5] =	sst s7  }
0x10: {  	[smem:$0x3FB6] =	sst s8  }
0x11: {  	[smem:$0x3FB7] =	sst s9;
	s0 =	simm.s32 @!p0 $0x0  }
0x12: {  	s1 =	sld [smem:$0x3F9D];
	s0 =	simm.s32 @p0 $0x1  }
0x13: {  	[smem:$0x3FB8] =	sst s0;
	s0 =	simm.s32 @!p1 $0x0  }
0x14: {  	s2 =	sld [smem:$0x3F9C];
	s0 =	simm.s32 @p1 $0x1  }
0x15: {  	[smem:$0x3FB9] =	sst s0;
	s0 =	simm.s32 @!p2 $0x0  }
0x16: {  	s3 =	sld [smem:$0x3FDB];
	s0 =	simm.s32 @p2 $0x1  }
0x17: {  	s4 =	simm.s32 $0x1BF5;
	[smem:$0x3FBB] =	sst s0  }
0x18: {  	s0 =	sld [smem:$0x3F9E];
	_ =	swait.ge [sflag:s4], $0x0  }
0x19: {  	s7 =	sld [smem:$0x3F9F]  }
0x1a: {  	s8 =	sadd.s32 $0xFFFFE003, lr  }
0x1b: {  	s9 =	sadd.s32 $0xFFFFFEF7, lr;
	s5 =	simm.s32 $0xFFFFFFFF;
	p2 =	slt.u32 s8, $0xFFFFF086  }
0x1c: {  	p1 =	slt.u32 s9, $0xF7A;
	s5 =	simm.s32 @!p2 $0x0  }
0x1d: {  	s5 =	simm.s32 @p1 $0x1;
	p0 =	seq.s32 s7, s2  }
0x1e: {  	s7 =	smul.u32 @!p0 $0xF7A, s2;
	p2 =	seq.s32 @!p0 s5, $0x0  }
0x1f: {  	s9 =	smul.u32 $0xF7A, s1;
	s8 =	simm.s32 @!p0 $0x1BF5;
	p2 =	por !p2, p0  }
0x20: {  	[sflag:s8] =	ssyncset.s32 @!p0 $0xFFFFF086;
	s6 =	sadd.s32 @!p0 s3, s7;
	s7 =	simm.s32 @!p0 $0x108  }
0x21: {  	s3 =	sadd.s32 s3, s9;
	s6 =	sadd.s32 @!p0 $0x88, s6;
	s7 =	simm.s32 @p2 $0x1082  }
0x22: {  	[simem:s7], [sflag:s8] =	dma.local @!p0 [hbm:s6], $0xF7A  }
0x23: {  	s9 =	sor.u32 $0xD0000000, s2;
	s6 =	simm.s32 $0x108;
	_ =	swait.ge @!p0 [sflag:s8], $0x0  }
0x24: {  	s3 =	sadd.s32 $0x88, s3;
	s6 =	simm.s32 @!p1 $0x1082;
	[sflag:s4] =	ssyncset.s32 $0xFFFFF086  }
0x25: {  	[simem:s6], [sflag:s4] =	dma.local [hbm:s3], $0xF7A  }
0x26: {  	[smem:$0x3F9F] =	sst s1;
	(tag) =	ssettag s2;
	_ =	strace s9  }
0x27: {  	s1 =	sld [smem:$0x3FAF]  }
0x28: {  	s2 =	sld [smem:$0x3FB0]  }
0x29: {  	s4 =	sld [smem:$0x3FB2]  }
0x2a: {  	p0 =	seq.s32 s5, $0x0;
	s5 =	sld [smem:$0x3FB3]  }
0x2b: {  	s6 =	sld [smem:$0x3FB4]  }
0x2c: {  	s7 =	sld [smem:$0x3FB5]  }
0x2d: {  	s3 =	simm.s32 $0x108;
	s8 =	sld [smem:$0x3FB6]  }
0x2e: {  	s3 =	simm.s32 @!p0 $0x1082;
	s9 =	sld [smem:$0x3FB7]  }
0x2f: {  	lr =	sadd.s32 s0, s3;
	s0 =	sld [smem:$0x3FAE]  }
0x30: {  	s3 =	sld [smem:$0x3FB1]  }
0x31: {  	[smem:$0x3FBA] =	sst s10  }
0x32: {  	s10 =	sld [smem:$0x3FB8];
	_ =	sdelay $0x3  }
0x33: {  	p0 =	seq.s32 s10, $0x1;
	s10 =	sld [smem:$0x3FBA];
	_ =	sdelay $0x3  }
0x34: {  	[smem:$0x3FBA] =	sst s10  }
0x35: {  	s10 =	sld [smem:$0x3FB9];
	_ =	sdelay $0x3  }
0x36: {  	p1 =	seq.s32 s10, $0x1;
	s10 =	sld [smem:$0x3FBA];
	_ =	sdelay $0x3  }
0x37: {  	[smem:$0x3FBA] =	sst s10  }
0x38: {  	s10 =	sld [smem:$0x3FBB]  }
0x39: {  	_ = 	snop;
	(pc) =	sbr.ind lr, $3  }
0x3a: {  	_ = 	snop  }
0x3b: {  	_ = 	snop  }
0x3c: {  	p2 =	seq.s32 s10, $0x1;
	s10 =	sld [smem:$0x3FBA]  }
0x3d: {  	_ =	shalt  }
0x3e: {  	_ =	shalt  }
0x3f: {  	_ =	shalt  }
0x40: {  	_ =	shalt  }
0x41: {  	_ =	shalt  }
0x42: {  	_ =	shalt  }
0x43: {  	_ =	shalt  }
0x44: {  	_ =	shalt  }
0x45: {  	_ =	shalt  }
0x46: {  	_ =	shalt  }
0x47: {  	_ =	shalt  }
0x48: {  	_ =	shalt  }
0x49: {  	_ =	shalt  }
0x4a: {  	_ =	shalt  }
0x4b: {  	_ =	shalt  }
0x4c: {  	_ =	shalt  }
0x4d: {  	_ =	shalt  }
0x4e: {  	_ =	shalt  }
0x4f: {  	_ =	shalt  }
0x50: {  	_ =	shalt  }
0x51: {  	_ =	shalt  }
0x52: {  	_ =	shalt  }
0x53: {  	_ =	shalt  }
0x54: {  	_ =	shalt  }
0x55: {  	_ =	shalt  }
0x56: {  	_ =	shalt  }
0x57: {  	_ =	shalt  }
0x58: {  	_ =	shalt  }
0x59: {  	_ =	shalt  }
0x5a: {  	_ =	shalt  }
0x5b: {  	_ =	shalt  }
0x5c: {  	_ =	shalt  }
0x5d: {  	_ =	shalt  }
0x5e: {  	_ =	shalt  }
0x5f: {  	_ =	shalt  }
0x60: {  	_ =	shalt  }
0x61: {  	_ =	shalt  }
0x62: {  	_ =	shalt  }
0x63: {  	_ =	shalt  }
0x64: {  	_ =	shalt  }
0x65: {  	_ =	shalt  }
0x66: {  	_ =	shalt  }
0x67: {  	_ =	shalt  }
0x68: {  	_ =	shalt  }
0x69: {  	_ =	shalt  }
0x6a: {  	_ =	shalt  }
0x6b: {  	_ =	shalt  }
0x6c: {  	_ =	shalt  }
0x6d: {  	_ =	shalt  }
0x6e: {  	_ =	shalt  }
0x6f: {  	_ =	shalt  }
0x70: {  	_ =	shalt  }
0x71: {  	_ =	shalt  }
0x72: {  	_ =	shalt  }
0x73: {  	_ =	shalt  }
0x74: {  	_ =	shalt  }
0x75: {  	_ =	shalt  }
0x76: {  	_ =	shalt  }
0x77: {  	_ =	shalt  }
0x78: {  	_ =	shalt  }
0x79: {  	_ =	shalt  }
0x7a: {  	_ =	shalt  }
0x7b: {  	_ =	shalt  }
0x7c: {  	_ =	shalt  }
0x7d: {  	_ =	shalt  }
0x7e: {  	_ =	shalt  }
0x7f: {  	_ =	shalt  }
0x80: {  	_ =	shalt  }
0x81: {  	_ =	shalt  }
0x82: {  	_ =	shalt  }
0x83: {  	_ =	shalt  }
0x84: {  	_ =	shalt  }
0x85: {  	_ =	shalt  }
0x86: {  	_ =	shalt  }
0x87: {  	_ =	shalt  }
.Lfunc_end0:
.L_simem_size_0:
called_computation_lowered:
.L_overlay_start_0:
0x88: {  	s2 =	sld [smem:$0x3FD9]  }
0x89: {  	s3 =	sld [smem:$0x3FFE];
	_ =	sdelay $0x1  }
0x8a: {  	s1 =	srdreg.scid  }
0x8b: {  	s0 =	sand.u32 $0x1, s1  }
0x8c: {  	s14 =	sshll.u32 s0, $0xA;
	s2 =	sadd.s32 s3, s2  }
0x8d: {  	s2 =	sadd.s32 s2, s14  }
0x8e: {  	[smem:$0x3FC6] =	sst s2  }
0x8f: {  	_ = 	snop  }
0x90: {  	s2 =	sld [smem:$0x3FD0];
	_ =	sdelay $0x2  }
0x91: {  	s15 =	simm.s32 $0xA;
	s4 =	simm.s32 $0x10  }
0x92: {  	[smem:s4], [sflag:s15] =	dma.local [hbm:s2], $0x1  }
0x93: {  	_ =	swait.eq [sflag:s15], $0x1  }
0x94: {  	[sflag:s15] =	ssyncset.done $0x0  }
0x95: {  	[sflag:s15] =	ssyncadd.s32 $0xFFFFFFFF  }
0x96: {  	s16 =	sld [smem:$0x11];
	(tm) =	ssettm $0x1  }
0x97: {  	s17 =	sld [smem:$0x3FFB];
	_ =	sdelay $0x3  }
0x98: {  	_ =	strace s17  }
0x99: {  	s3 =	sld [smem:$0x3FFC];
	_ =	sdelay $0x3  }
0x9a: {  	_ =	strace s3  }
0x9b: {  	s3 =	sld [smem:$0x3FFD];
	_ =	sdelay $0x3  }
0x9c: {  	_ =	strace s3  }
0x9d: {  	_ =	strace $0x8FFFFFFF  }
0x9e: {  	s18 =	sld [smem:$0x3FDB];
	_ =	sdelay $0x1  }
0x9f: {  	s19 =	simm.s32 $_scs_section_size  }
0xa0: {  	s5 =	simm.s32 $_size__tile_overlayer_lowered;
	s6 =	simm.s32 $_tile_overlayer_lowered  }
0xa1: {  	s22 =	simm.s32 $0x1BFF;
	s21 =	sshll.u32 s6, $0x1;
	s3 =	sadd.s32 s19, s18  }
0xa2: {  	s7 =	simm.s32 $0x0;
	s20 =	sshll.u32 s5, $0x1;
	s5 =	sadd.s32 s21, s3  }
0xa3: {  	[timem:s7], [sflag:s22] =	dma.local [hbm:s5], s20  }
0xa4: {  	_ =	swait.ge [sflag:s22], s20  }
0xa5: {  	s4 =	ssub.s32 $0x0, s20;
	[sflag:s22] =	ssyncset.done $0x0  }
0xa6: {  	[sflag:s22] =	ssyncadd.s32 s4;
	_ =	sdelay $0x1  }
0xa7: {  	s23 =	simm.s32 $0x1B8B  }
0xa8: {  	_ =	swait.ge [sflag:s23], $0x1  }
0xa9: {  	[sflag:s23] =	ssyncset.done $0x0  }
0xaa: {  	s25 =	simm.s32 $0x1B8E;
	s24 =	sld [smem:$0x3FFE];
	[sflag:s23] =	ssyncadd.s32 $0xFFFFFFFF  }
0xab: {  	s26 =	simm.s32 $execute0_lowered;
	[smem:$0x3FD2] =	sst s25  }
0xac: {  	s5 =	sshll.u32 s26, $0x1;
	_ =	strace $0x80000046;
	[dreg:$0x1] =	wrdreg $0xFFFFFFFF  }
0xad: {  	s28 =	simm.s32 $_size_execute0_lowered;
	s3 =	sadd.s32 s3, s5;
	[dreg:$0x0] =	wrdreg $0x0  }
0xae: {  	s5 =	sshll.u32 s28, $0x1;
	[dreg:$0x2] =	wrdreg s3  }
0xaf: {  	[dreg:$0x3] =	wrdreg s5  }
0xb0: {  	[dreg:$0x4] =	wrdreg $0xC0  }
0xb1: {  	_ =	task [dreg:s7], $0x5FFFF  }
0xb2: {  	[dreg:$0x1] =	wrdreg $0xFFFFFFFF  }
0xb3: {  	[dreg:$0x0] =	wrdreg $0x60  }
0xb4: {  	[dreg:$0x2] =	wrdreg s24  }
0xb5: {  	[dreg:$0x3] =	wrdreg s16  }
0xb6: {  	[dreg:$0x4] =	wrdreg $0x9  }
0xb7: {  	_ =	task.clear_ibuf [dreg:s7], $0x5FFFF;
	_ =	strace $0x90000046  }
0xb8: {  	s29 =	simm.s32 $0x9;
	_ =	strace $0x80000048  }
0xb9: {  	_ =	swait.ge [sflag:s29], $0x1  }
0xba: {  	[sflag:s29] =	ssyncadd.s32 $0xFFFFFFFF  }
0xbb: {  	_ =	strace $0x90000048  }
0xbc: {  	_ =	sfence  }
0xbd: {  	s30 =	sld [smem:$0x0];
	_ =	sdelay $0x2  }
0xbe: {  	s31 =	sshll.u32 s1, $0xD;
	s1 =	sshrl.u32 s1, $0x2  }
0xbf: {  	s3 =	sand.u32 $0x4000, s31;
	s1 =	sadd.s32 s1, s30  }
0xc0: {  	s0 =	sor.u32 s3, s0;
	s1 =	sshll.u32 s1, $0x11  }
0xc1: {  	s0 =	sor.u32 s1, s0  }
0xc2: {  	s0 =	sadd.s32 $0x8F2B, s0  }
0xc3: {  	[sflag:s0] =	ssyncadd.remote.s32 $0x1  }
0xc4: {  	_ =	sfence.sel $0xFFFF  }
0xc5: {  	[dreg:$0x0] =	wrdreg $0xFFFFFFFF;
	(pc) =	sbr.abs _section_cstart, $3  }
0xc6: {  	[dreg:$0x1] =	wrdreg $0xFFFFFFFF  }
0xc7: {  	_ =	task.clear_ibuf [dreg:s7], $0x2FFFF;
	_ =	strace $0x9FFFFFFF  }
0xc8: {  	(tm) =	ssettm $0x7FFFFFFF  }
0xc9: {  	_ =	shalt  }
tec
execute0_lowered:
.L_overlay_start_1:
0x0: {  	(tag) =	ssettag $0x1  }
0x1: {  	s5 =	rddreg [dreg:$0x0]  }
0x2: {  	s1 =	rddreg [dreg:$0x1]  }
0x3: {  	s0 =	rddreg [dreg:$0x2];
	s2 =	simm.s32 $0x0;
	s3 =	srdreg.scid  }
0x4: {  	s10 =	simm.s32 $0x1;
	s11 =	simm.s32 $0x400;
	s12 =	simm.s32 $0x1C00  }
0x5: {  	s13 =	simm.s32 $0xE000;
	s14 =	simm.s32 $0x16C00;
	s15 =	simm.s32 $0x2  }
0x6: {  	s16 =	simm.s32 $0x3;
	s17 =	simm.s32 $0x16400;
	s18 =	simm.s32 $0x0  }
.Ltmp0:
0x7: {  	v0 =	vlaneseq.u32;
	[smem:$0x7FF] =	sst s2;
	s6 =	sand.u32 $0x1, s3;
	(pc) =	sbr.rel .LBB2_1-.Ltmp0, $4  }
0x8: {  	s3 =	stileid.u32;
	s4 =	sadd.s32 $0x400, s5;
	v1 =	vmul.u32 $0x80, v0;
	s7 =	ssub.s32 $0x2, s6  }
0x9: {  	s5 =	sadd.s32 $0x3A6C00, s5;
	s9 =	sshll.u32 s3, $0x1;
	s8 =	sshrl.u32 s7, $0x1  }
0xa: {  	v6 =	vimm.s32 $0x0;
	_ =	strace $0x80000047;
	s6 =	sor.u32 s6, s9;
	v2 =	vor.u32 $0x1, v1;
	s7 =	ssub.s32 s7, s8  }
0xb: {  	s9 =	simm.s32 $0x4;
	v3 =	vor.u32 $0x2, v1;
	v4 =	vor.u32 $0x3, v1;
	v5 =	vor.u32 $0x54, v1;
	s8 =	simm.s32 $0x17400;
	s7 =	smax.u32 s7, $0x1  }
.LBB2_37:
0xc: {  	s18 =	sadd.s32 $0x1, s18  }
0xd: {  	p0 =	sne.s32 s18, s7  }
.Ltmp1:
0xe: {  	_ = 	snop;
	(pc) =	sbr.rel @!p0 .LBB2_38-.Ltmp1, $1  }
0xf: {  	_ =	sdelay $0x3  }
.LBB2_1:
.Ltmp2:
0x10: {  	(pc) =	sbr.rel .LBB2_2-.Ltmp2, $4  }
0x11: {  	[tilespmem:s8], [sflag:$0x4] =	stream.linear.gather [hbm4b:s1+s2], $0x80, $0x38;
	[tilespmem:$0x17480] =	vst v63  }
0x12: {  	_ =	swait.ge [sflag:s9], $0x80  }
0x13: {  	[sflag:s9] =	ssyncset.done $0x0  }
0x14: {  	s19 =	simm.s32 $0x0;
	[sflag:s9] =	ssyncadd.s32 $0xFFFFFF80  }
.LBB2_15:
0x15: {  	s19 =	sadd.s32 $0x1, s19  }
0x16: {  	_ =	swait.ge [sflag:s15], $0x800;
	p0 =	sne.s32 s19, $0x9  }
.Ltmp3:
0x17: {  	[sflag:s15] =	ssyncset.done $0x0;
	(pc) =	sbr.rel @!p0 .LBB2_16-.Ltmp3, $4  }
0x18: {  	[sflag:s15] =	ssyncadd.s32 $0xFFFFF800  }
0x19: {  	_ =	swait.ge [sflag:s16], $0x800  }
0x1a: {  	[sflag:s16] =	ssyncset.done $0x0  }
0x1b: {  	[sflag:s16] =	ssyncadd.s32 $0xFFFFF800  }
.LBB2_2:
0x1c: {  	s20 =	sshll.u32 s19, $0x5  }
0x1d: {  	s20 =	sor.u32 s6, s20  }
0x1e: {  	s21 =	smulhi.u32 $0x2AAAAAAB, s20;
	_ =	sdelay $0x1  }
0x1f: {  	s22 =	smul.u32 $0xAAAAAAAB, s21;
	_ =	sdelay $0x1  }
0x20: {  	p0 =	slt.u32 s20, $0x6;
	p1 =	sgt.u32 s22, $0x55555555  }
0x21: {  	s28 =	smulhi.u32 $0x38E38E39, s20;
	p0 =	por !p0, !p1  }
0x22: {  	s23 =	simm.s32 $0x1;
	p0 =	por !p0, !p0  }
0x23: {  	s22 =	sshrl.u32 s28, $0x2;
	s23 =	simm.s32 @!p0 $0x0  }
0x24: {  	s24 =	smul.u32 $0xFFFFFFFA, s21;
	s22 =	ssub.s32 s22, s23  }
0x25: {  	s23 =	smul.u32 $0xFFFFFFFD, s22;
	_ =	sdelay $0x1  }
0x26: {  	s24 =	sadd.s32 s20, s24;
	s29 =	smul.u32 $0x1D3400, s22;
	s21 =	sadd.s32 s21, s23  }
0x27: {  	s25 =	sshll.u32 s24, $0xA;
	s23 =	smul.u32 $0x9BC00, s21  }
0x28: {  	s20 =	sadd.s32 s25, s29  }
0x29: {  	s23 =	sadd.s32 s23, s20  }
0x2a: {  	s20 =	sshrl.u32 s23, $0x3;
	s23 =	sadd.s32 $0x62000, s23  }
0x2b: {  	s30 =	sadd.s32 s4, s20;
	s20 =	simm.s32 $0x0;
	s23 =	sshrl.u32 s23, $0x3  }
0x2c: {  	v7 =	vld [tilespmem:$0x17400];
	[tilespmem:s20], [sflag:$0x1] =	stream.strided.gather [hbm4b:s30+s11], $0xE000, s12, s11, $0x38  }
0x2d: {  	s26 =	simm.f32 $1.980000000e+02;
	s31 =	sshll.u32 s24, $0x3;
	s23 =	sadd.s32 s4, s23  }
0x2e: {  	[tilespmem:s13], [sflag:$0x1] =	stream.strided.gather [hbm4b:s23+s11], $0x8400, s12, s11, $0x38;
	[tilespmem:$0x17480] =	vst v63  }
0x2f: {  	s24 =	smul.u32 $0x1A0, s24;
	p0 =	seq.s32 s21, $0x1;
	_ =	swait.ge [sflag:s10], $0xE000  }
.Ltmp4:
0x30: {  	p1 =	seq.s32 s21, $0x0;
	[sflag:s10] =	ssyncset.done $0x0;
	(pc) =	sbr.rel .LBB2_3-.Ltmp4, $4  }
0x31: {  	s21 =	smul.u32 $0xA90, s21;
	s23 =	simm.f32 $1.560000000e+02;
	[sflag:s10] =	ssyncadd.s32 $0xFFFF2000  }
0x32: {  	s26 =	simm.s32 @!p0 $0x43A30000;
	s23 =	simm.s32 @!p0 $0x43BA8000;
	_ =	swait.ge [sflag:s10], $0x8400  }
0x33: {  	s26 =	simm.s32 @p1 $0x42B40000;
	s23 =	simm.s32 @p1 $0x42E80000;
	[sflag:s10] =	ssyncset.done $0x0  }
0x34: {  	v8 =	vmov s31;
	s22 =	smul.u32 $0xFD800, s22;
	s21 =	sadd.s32 s24, s21;
	v10 =	vmov s26;
	v9 =	vmov s23;
	[sflag:s10] =	ssyncadd.s32 $0xFFFF7C00  }
.LBB2_13:
0x35: {  	v11 =	vpop (erf)  }
0x36: {  	v29 =	vpop (erf)  }
0x37: {  	v28 =	vsub.f32 $2.000000000e+00, v28;
	v19 =	vmul.f32 v23, v19;
	v11 =	vadd.f32 $1.000000000e+00, v11;
	v30 =	vpop (erf)  }
0x38: {  	v20 =	vmul.f32 v25, v20;
	v24 =	vmul.f32 v27, v24;
	v30 =	vadd.f32 $1.000000000e+00, v30;
	v32 =	vpop (erf)  }
0x39: {  	v22 =	vor.u32 v1, v22;
	v31 =	vsub.s32 $0x7EF311C3, v11;
	v32 =	vadd.f32 $1.000000000e+00, v32  }
0x3a: {  	v29 =	vadd.f32 $1.000000000e+00, v29;
	v33 =	vmul.f32 v31, v11;
	v34 =	vsub.s32 $0x7EF311C3, v30  }
0x3b: {  	v12 =	vor.u32 v1, v12;
	v35 =	vmul.f32 v34, v30;
	v43 =	vsub.s32 $0x7EF311C3, v32  }
0x3c: {  	v46 =	vsub.s32 $0x7EF311C3, v29;
	v42 =	vsub.f32 $2.000000000e+00, v33;
	v45 =	vmul.f32 v43, v32  }
0x3d: {  	v26 =	vmul.f32 v28, v26;
	v47 =	vmul.f32 v46, v29;
	v44 =	vsub.f32 $2.000000000e+00, v35  }
0x3e: {  	v15 =	vbroadcast v15, $0x0;
	v28 =	vmul.f32 v31, v42;
	v35 =	vsub.f32 $2.000000000e+00, v45  }
0x3f: {  	v16 =	vmul.f32 v26, v16;
	v33 =	vmul.f32 v34, v44;
	v34 =	vsub.f32 $2.000000000e+00, v47  }
0x40: {  	v20 =	vsub.f32 $2.000000000e+00, v20;
	v48 =	vmul.f32 v28, v11;
	v27 =	vmul.f32 v43, v35  }
0x41: {  	v19 =	vsub.f32 $2.000000000e+00, v19;
	v49 =	vmul.f32 v33, v30;
	v50 =	vmul.f32 v46, v34  }
0x42: {  	v20 =	vmul.f32 v20, v25;
	v25 =	vsub.f32 $2.000000000e+00, v48;
	v51 =	vmul.f32 v27, v32  }
0x43: {  	v16 =	vsub.f32 $2.000000000e+00, v16;
	v52 =	vsub.f32 $2.000000000e+00, v49;
	v53 =	vmul.f32 v50, v29  }
0x44: {  	v19 =	vmul.f32 v19, v23;
	v25 =	vmul.f32 v25, v28;
	v31 =	vsub.f32 $2.000000000e+00, v51  }
0x45: {  	v16 =	vmul.f32 v16, v26;
	v54 =	vmul.f32 v52, v33;
	v26 =	vsub.f32 $2.000000000e+00, v53  }
0x46: {  	v11 =	vmul.f32 v25, v11;
	v27 =	vmul.f32 v31, v27  }
0x47: {  	v15 =	vor.u32 v1, v15;
	v23 =	vmul.f32 v26, v50;
	v55 =	vmul.f32 v54, v30  }
0x48: {  	v14 =	vor.u32 v1, v14;
	[tilespmem:v22+s14+$0x0] =	vst.idx.msk $0xffff, v24;
	v11 =	vsub.f32 $2.000000000e+00, v11;
	v56 =	vmul.f32 v27, v32  }
0x49: {  	v18 =	vor.u32 v1, v18;
	[tilespmem:v21+s14+$0x0] =	vst.idx.msk $0xffff, v20;
	v57 =	vsub.f32 $2.000000000e+00, v55;
	v58 =	vmul.f32 v23, v29  }
0x4a: {  	v59 =	vor.u32 v1, v13;
	[tilespmem:v12+s14+$0x0] =	vst.idx.msk $0xffff, v19;
	v11 =	vmul.f32 v11, v25;
	v60 =	vsub.f32 $2.000000000e+00, v56  }
0x4b: {  	s23 =	sadd.s32 s21, s23;
	[tilespmem:v17+s14+$0x0] =	vst.idx.msk $0xffff, v16;
	v61 =	vmul.f32 v57, v54;
	v62 =	vsub.f32 $2.000000000e+00, v58  }
0x4c: {  	s23 =	sshll.u32 s23, $0x7;
	[tilespmem:v15+s14+$0x0] =	vst.idx.msk $0xffff, v11;
	v11 =	vmul.f32 v60, v27  }
0x4d: {  	s23 =	sadd.s32 s22, s23;
	[tilespmem:v14+s14+$0x0] =	vst.idx.msk $0xffff, v61;
	v63 =	vmul.f32 v62, v23  }
0x4e: {  	s23 =	sshrl.u32 s23, $0x3;
	[tilespmem:v18+s14+$0x0] =	vst.idx.msk $0xffff, v11  }
0x4f: {  	s23 =	sadd.s32 s5, s23;
	[tilespmem:v59+s14+$0x0] =	vst.idx.msk $0xffff, v63  }
0x50: {  	[hbm4b:s23+s2] =	stream.linear.scatter [tilespmem:s14], [sflag:$0x3], $0x800, $0x38;
	[tilespmem:$0x17480] =	vst v63  }
.LBB2_14:
0x51: {  	s20 =	sadd.s32 $0x1, s20  }
0x52: {  	p0 =	sne.s32 s20, $0x1A  }
.Ltmp5:
0x53: {  	_ = 	snop;
	(pc) =	sbr.rel @!p0 .LBB2_15-.Ltmp5, $1  }
0x54: {  	_ =	sdelay $0x3  }
.LBB2_3:
0x55: {  	s23 =	sand.u32 $0x1, s20  }
0x56: {  	p0 =	seq.s32 s23, $0x1  }
.Ltmp6:
0x57: {  	_ = 	snop;
	(pc) =	sbr.rel @!p0 .LBB2_4-.Ltmp6, $1  }
0x58: {  	_ =	sdelay $0x3  }
0x59: {  	s23 =	sshll.u32 s20, $0x4  }
0x5a: {  	v11 =	vor.u32 s23, v0  }
0x5b: {  	v12 =	vmulhi.u32 $0x4EC4EC4F, v11;
	_ =	sdelay $0x1  }
0x5c: {  	v12 =	vshrl.u32 v12, $0x4  }
0x5d: {  	v13 =	vmul.u32 $0xFFFFFFCC, v12;
	_ =	sdelay $0x1  }
0x5e: {  	v13 =	vadd.s32 v11, v13  }
0x5f: {  	v14 =	vshll.u32 v12, $0x7;
	v11 =	vand.u32 $0xFFFFFF80, v13  }
0x60: {  	v15 =	vand.u32 $0x7F, v13;
	v11 =	vadd.s32 v14, v11  }
0x61: {  	p0 =	slt.u32 s20, $0x3;
	v11 =	vor.u32 v15, v11  }
0x62: {  	s24 =	simm.s32 @!p0 $0x3;
	v14 =	vadd.s32 $0x400, v11  }
0x63: {  	_ =	swait.ge @!p0 [sflag:s24], $0x800  }
0x64: {  	[sflag:s24] =	ssyncset.done @!p0 $0x0  }
0x65: {  	[sflag:s24] =	ssyncadd.s32 @!p0 $0xFFFFF800  }
0x66: {  	v15 =	vld.idx.msk [tilespmem:v11+s2+$0x0], $0xffff  }
0x67: {  	v14 =	vld.idx.msk [tilespmem:v14+s2+$0x0], $0xffff;
	_ =	sdelay $0x2  }
0x68: {  	v17 =	vadd.s32 $0x8000, v11  }
0x69: {  	v16 =	vadd.s32 $0x800, v11;
	v15 =	vsub.f32 $0.0e+00, v15  }
0x6a: {  	v18 =	vadd.s32 $0xC00, v11;
	v14 =	vsub.f32 $0.0e+00, v14  }
0x6b: {  	v15 =	vmul.f32 $1.442695020e+00, v15  }
0x6c: {  	v14 =	vmul.f32 $1.442695020e+00, v14  }
0x6d: {  	(erf) = vpow2.f32 v15;
	v15 =	vld.idx.msk [tilespmem:v17+s13+$0x0], $0xffff  }
0x6e: {  	v16 =	vld.idx.msk [tilespmem:v16+s2+$0x0], $0xffff;
	(erf) = vpow2.f32 v14  }
0x6f: {  	v17 =	vld.idx.msk [tilespmem:v18+s2+$0x0], $0xffff;
	_ =	sdelay $0x2  }
0x70: {  	v15 =	vsub.f32 $0.0e+00, v15  }
0x71: {  	v14 =	vmul.f32 $1.442695020e+00, v16  }
0x72: {  	v16 =	vmul.f32 $1.442695020e+00, v17  }
0x73: {  	(erf) = vpow2.f32 v14;
	v14 =	vmul.f32 $1.442695020e+00, v15  }
0x74: {  	(erf) = vpow2.f32 v16;
	v15 =	vpop (erf)  }
0x75: {  	(erf) = vpow2.f32 v14;
	v14 =	vadd.f32 $1.000000000e+00, v15;
	v15 =	vpop (erf)  }
0x76: {  	v15 =	vadd.f32 $1.000000000e+00, v15;
	_ =	sdelay $0x1  }
0x77: {  	v16 =	vsub.s32 $0x7EF311C3, v14;
	v18 =	vsub.s32 $0x7EF311C3, v15  }
0x78: {  	v17 =	vmul.f32 v16, v14;
	v19 =	vmul.f32 v18, v15;
	_ =	sdelay $0x1  }
0x79: {  	v17 =	vsub.f32 $2.000000000e+00, v17  }
0x7a: {  	v20 =	vpop (erf)  }
0x7b: {  	v16 =	vmul.f32 v16, v17;
	v17 =	vsub.f32 $2.000000000e+00, v19;
	v19 =	vpop (erf)  }
0x7c: {  	v21 =	vpop (erf)  }
0x7d: {  	v22 =	vmul.f32 v16, v14;
	v17 =	vmul.f32 v18, v17;
	v18 =	vadd.f32 $1.000000000e+00, v21;
	_ =	sdelay $0x1  }
0x7e: {  	v21 =	vsub.f32 $2.000000000e+00, v22;
	v22 =	vmul.f32 v17, v15;
	v23 =	vsub.s32 $0x7EF311C3, v18  }
0x7f: {  	v24 =	vmul.f32 v23, v18  }
0x80: {  	v16 =	vmul.f32 v21, v16;
	v21 =	vsub.f32 $2.000000000e+00, v22  }
0x81: {  	v22 =	vsub.f32 $2.000000000e+00, v24  }
0x82: {  	v17 =	vmul.f32 v21, v17  }
0x83: {  	v14 =	vmul.f32 v16, v14;
	v21 =	vmul.f32 v23, v22  }
0x84: {  	v15 =	vmul.f32 v17, v15  }
0x85: {  	v14 =	vsub.f32 $2.000000000e+00, v14;
	v22 =	vmul.f32 v21, v18  }
0x86: {  	v12 =	vadd.s32 v8, v12;
	v15 =	vsub.f32 $2.000000000e+00, v15  }
0x87: {  	v13 =	vcvt.s32.f32 v13;
	v14 =	vmul.f32 v14, v16;
	v16 =	vsub.f32 $2.000000000e+00, v22  }
0x88: {  	v12 =	vcvt.s32.f32 v12;
	v15 =	vmul.f32 v15, v17  }
0x89: {  	v13 =	vadd.f32 v13, v14;
	v16 =	vmul.f32 v16, v21  }
0x8a: {  	v12 =	vadd.f32 v12, v15  }
0x8b: {  	v13 =	vmul.f32 v13, v7;
	v14 =	vmul.f32 v16, v18  }
0x8c: {  	s25 =	simm.s32 $0x2C00;
	v12 =	vmul.f32 v12, v7  }
0x8d: {  	v15 =	vadd.s32 s25, v11;
	[tilespmem:v1+s14+$0x0] =	vst.idx.msk $0xffff, v13;
	v13 =	vmul.f32 v20, v9;
	v14 =	vsub.f32 $2.000000000e+00, v14  }
0x8e: {  	s26 =	simm.s32 $0x2000;
	[tilespmem:v2+s14+$0x0] =	vst.idx.msk $0xffff, v12;
	v12 =	vmul.f32 v19, v10  }
0x8f: {  	s28 =	simm.s32 $0x2400;
	[tilespmem:v3+s14+$0x0] =	vst.idx.msk $0xffff, v13;
	v13 =	vadd.s32 s26, v11;
	v14 =	vmul.f32 v14, v16  }
0x90: {  	[tilespmem:v4+s14+$0x0] =	vst.idx.msk $0xffff, v12;
	v12 =	vadd.s32 s28, v11  }
0x91: {  	s24 =	simm.s32 $0x0;
	[tilespmem:v5+s14+$0x0] =	vst.idx.msk $0xffff, v14  }
0x92: {  	v15 =	vld.idx.msk [tilespmem:v15+s24+$0x0], $0xffff;
	_ =	sdelay $0x1  }
0x93: {  	s25 =	simm.s32 $0x2800;
	v13 =	vld.idx.msk [tilespmem:v13+s24+$0x0], $0xffff  }
0x94: {  	v14 =	vadd.s32 s25, v11;
	v12 =	vld.idx.msk [tilespmem:v12+s24+$0x0], $0xffff;
	_ =	sdelay $0x1  }
0x95: {  	v15 =	vsub.f32 $0.0e+00, v15;
	_ =	sdelay $0x1  }
0x96: {  	v13 =	vsub.f32 $0.0e+00, v13;
	v15 =	vmul.f32 $1.442695020e+00, v15  }
0x97: {  	v14 =	vld.idx.msk [tilespmem:v14+s24+$0x0], $0xffff;
	v12 =	vsub.f32 $0.0e+00, v12  }
0x98: {  	v13 =	vmul.f32 $1.442695020e+00, v13;
	(erf) = vpow2.f32 v15  }
0x99: {  	v12 =	vmul.f32 $1.442695020e+00, v12  }
0x9a: {  	s30 =	simm.s32 $0x3400;
	(erf) = vpow2.f32 v13  }
0x9b: {  	v19 =	vadd.s32 s30, v11;
	s26 =	simm.s32 $0x3C00;
	(erf) = vpow2.f32 v12  }
0x9c: {  	v14 =	vsub.f32 $0.0e+00, v14;
	v15 =	vadd.s32 s26, v11  }
0x9d: {  	s31 =	simm.s32 $0x3800  }
0x9e: {  	v20 =	vadd.s32 s31, v11;
	v14 =	vmul.f32 $1.442695020e+00, v14;
	_ =	sdelay $0x1  }
0x9f: {  	s29 =	simm.s32 $0x3000;
	v19 =	vld.idx.msk [tilespmem:v19+s24+$0x0], $0xffff;
	(erf) = vpow2.f32 v14  }
0xa0: {  	v14 =	vadd.s32 s29, v11;
	v15 =	vld.idx.msk [tilespmem:v15+s24+$0x0], $0xffff;
	v12 =	vpop (erf)  }
0xa1: {  	v13 =	vadd.f32 $1.000000000e+00, v12  }
0xa2: {  	v20 =	vld.idx.msk [tilespmem:v20+s24+$0x0], $0xffff;
	v12 =	vpop (erf)  }
0xa3: {  	v16 =	vpop (erf);
	v17 =	vsub.s32 $0x7EF311C3, v13  }
0xa4: {  	s31 =	simm.s32 $0x7;
	v21 =	vadd.f32 $1.000000000e+00, v16;
	v16 =	vmul.f32 v17, v13  }
0xa5: {  	v29 =	vmov s31;
	v19 =	vsub.f32 $0.0e+00, v19;
	v14 =	vld.idx.msk [tilespmem:v14+s24+$0x0], $0xffff;
	v15 =	vsub.f32 $0.0e+00, v15  }
0xa6: {  	s30 =	simm.s32 $0x6;
	v63 =	vand.u32 $0x7F, v29;
	v18 =	vadd.f32 $1.000000000e+00, v12;
	v16 =	vsub.f32 $2.000000000e+00, v16  }
0xa7: {  	v60 =	vmov s30;
	v20 =	vsub.f32 $0.0e+00, v20;
	v19 =	vmul.f32 $1.442695020e+00, v19  }
0xa8: {  	v15 =	vmul.f32 $1.442695020e+00, v15;
	v12 =	vpop (erf);
	v22 =	vsub.s32 $0x7EF311C3, v18;
	v16 =	vmul.f32 v17, v16  }
0xa9: {  	v12 =	vadd.f32 $1.000000000e+00, v12;
	v23 =	vsub.s32 $0x7EF311C3, v21;
	v25 =	vmul.f32 v22, v18  }
0xaa: {  	v14 =	vsub.f32 $0.0e+00, v14;
	(erf) = vpow2.f32 v15;
	v28 =	vmul.f32 v16, v13  }
0xab: {  	v15 =	vmul.f32 $1.442695020e+00, v20;
	v26 =	vmul.f32 v23, v21;
	v17 =	vsub.f32 $2.000000000e+00, v25  }
0xac: {  	s28 =	simm.s32 $0x4;
	v57 =	vsub.s32 $0x7EF311C3, v12;
	v14 =	vmul.f32 $1.442695020e+00, v14;
	v61 =	vsub.f32 $2.000000000e+00, v28  }
0xad: {  	v59 =	vmov s28;
	v27 =	vmul.f32 v57, v12;
	v17 =	vmul.f32 v22, v17  }
0xae: {  	v20 =	vand.u32 $0x7C, v59;
	v58 =	vsub.f32 $2.000000000e+00, v26;
	v16 =	vmul.f32 v61, v16  }
0xaf: {  	s29 =	simm.s32 $0x5;
	(erf) = vpow2.f32 v14;
	v27 =	vsub.f32 $2.000000000e+00, v27;
	v62 =	vmul.f32 v17, v18  }
0xb0: {  	v22 =	vmul.f32 v23, v58;
	v23 =	vmov s29;
	v13 =	vmul.f32 v16, v13  }
0xb1: {  	v24 =	vmul.f32 v57, v27;
	v27 =	vbroadcast v63, $0x0;
	v14 =	vsub.f32 $2.000000000e+00, v62  }
0xb2: {  	(erf) = vpow2.f32 v19;
	v19 =	vmul.f32 v22, v21;
	v13 =	vsub.f32 $2.000000000e+00, v13  }
0xb3: {  	(erf) = vpow2.f32 v15;
	v27 =	vor.u32 v1, v27;
	v15 =	vmul.f32 v14, v17  }
0xb4: {  	v14 =	vmul.f32 v24, v12;
	v16 =	vmul.f32 v13, v16;
	v13 =	vsub.f32 $2.000000000e+00, v19  }
0xb5: {  	v17 =	vbroadcast v20, $0x0;
	v20 =	vand.u32 $0x7E, v60;
	v18 =	vmul.f32 v15, v18  }
0xb6: {  	v14 =	vsub.f32 $2.000000000e+00, v14;
	v19 =	vand.u32 $0x7D, v23;
	v13 =	vmul.f32 v13, v22  }
0xb7: {  	v20 =	vbroadcast v20, $0x0;
	v19 =	vbroadcast v19, $0x0  }
0xb8: {  	s25 =	simm.s32 $0x0;
	s26 =	simm.s32 $0x4;
	v14 =	vmul.f32 v14, v24;
	[tilespmem:v27+s14+$0x0] =	vst.idx.msk $0xffff, v16;
	v16 =	vsub.f32 $2.000000000e+00, v18;
	v18 =	vmul.f32 v13, v21  }
.LBB2_10:
0xb9: {  	s29 =	sshll.u32 s26, $0xA;
	v21 =	vpop (erf);
	v17 =	vor.u32 v1, v17;
	v19 =	vor.u32 v1, v19;
	v20 =	vor.u32 v1, v20;
	s28 =	smov.u32 s26;
	s26 =	sadd.s32 $0x4, s26  }
0xba: {  	s30 =	sadd.s32 $0x3000, s29;
	s31 =	sadd.s32 $0x3C00, s29;
	p0 =	slt.u32 s26, $0x2C;
	v21 =	vadd.f32 $1.000000000e+00, v21;
	v22 =	vpop (erf);
	v18 =	vsub.f32 $2.000000000e+00, v18;
	v23 =	vmul.f32 v14, v12  }
0xbb: {  	v24 =	vadd.s32 s30, v11;
	s30 =	sadd.s32 $0x3400, s29;
	s29 =	sadd.s32 $0x3800, s29;
	v25 =	vadd.s32 s31, v11;
	v22 =	vadd.f32 $1.000000000e+00, v22;
	v12 =	vpop (erf)  }
0xbc: {  	v26 =	vadd.s32 s30, v11;
	v27 =	vadd.s32 s29, v11;
	v28 =	vsub.s32 $0x7EF311C3, v21;
	v29 =	vpop (erf)  }
0xbd: {  	v30 =	vadd.f32 $1.000000000e+00, v12;
	v12 =	vadd.f32 $1.000000000e+00, v29;
	v29 =	vmul.f32 v28, v21  }
0xbe: {  	v15 =	vmul.f32 v16, v15;
	v16 =	vsub.f32 $2.000000000e+00, v23;
	v31 =	vsub.s32 $0x7EF311C3, v22  }
0xbf: {  	v23 =	vsub.s32 $0x7EF311C3, v30;
	v32 =	vsub.s32 $0x7EF311C3, v12;
	v29 =	vsub.f32 $2.000000000e+00, v29  }
0xc0: {  	s29 =	sadd.s32 $0x8, s25;
	v33 =	vmul.f32 v31, v22;
	v34 =	vmul.f32 v23, v30;
	v25 =	vld.idx.msk [tilespmem:v25+s24+$0x0], $0xffff;
	[tilespmem:v17+s14+$0x0] =	vst.idx.msk $0xffff, v15  }
0xc1: {  	v17 =	vmov s29;
	v15 =	vld.idx.msk [tilespmem:v24+s24+$0x0], $0xffff;
	v24 =	vmul.f32 v32, v12;
	v28 =	vmul.f32 v28, v29  }
0xc2: {  	v13 =	vmul.f32 v18, v13;
	v29 =	vsub.f32 $2.000000000e+00, v33;
	v33 =	vsub.f32 $2.000000000e+00, v34;
	v26 =	vld.idx.msk [tilespmem:v26+s24+$0x0], $0xffff  }
0xc3: {  	v14 =	vmul.f32 v16, v14;
	s29 =	sadd.s32 $0x9, s25;
	v18 =	vld.idx.msk [tilespmem:v27+s24+$0x0], $0xffff;
	v24 =	vsub.f32 $2.000000000e+00, v24;
	v27 =	vmul.f32 v28, v21  }
0xc4: {  	v16 =	vmul.f32 v31, v29;
	v23 =	vmul.f32 v23, v33;
	v29 =	vmov s29;
	s29 =	sadd.s32 $0xA, s25;
	[tilespmem:v19+s14+$0x0] =	vst.idx.msk $0xffff, v13  }
0xc5: {  	v13 =	vmov s29;
	s29 =	sadd.s32 $0xB, s25;
	s25 =	smov.u32 s28;
	v24 =	vmul.f32 v32, v24;
	v19 =	vsub.f32 $2.000000000e+00, v27;
	[tilespmem:v20+s14+$0x0] =	vst.idx.msk $0xffff, v14  }
0xc6: {  	v14 =	vsub.f32 $0.0e+00, v25;
	v20 =	vmul.f32 v16, v22;
	v25 =	vmov s29  }
0xc7: {  	v15 =	vsub.f32 $0.0e+00, v15;
	v25 =	vand.u32 $0x7F, v25;
	v19 =	vmul.f32 v19, v28  }
0xc8: {  	v26 =	vsub.f32 $0.0e+00, v26;
	v14 =	vmul.f32 $1.442695020e+00, v14;
	v25 =	vbroadcast v25, $0x0  }
0xc9: {  	v15 =	vmul.f32 $1.442695020e+00, v15;
	v18 =	vsub.f32 $0.0e+00, v18;
	v21 =	vmul.f32 v19, v21  }
0xca: {  	v26 =	vmul.f32 $1.442695020e+00, v26;
	(erf) = vpow2.f32 v14;
	v14 =	vor.u32 v1, v25  }
0xcb: {  	v18 =	vmul.f32 $1.442695020e+00, v18;
	(erf) = vpow2.f32 v15;
	v15 =	vsub.f32 $2.000000000e+00, v21  }
0xcc: {  	v20 =	vsub.f32 $2.000000000e+00, v20;
	v21 =	vmul.f32 v23, v30;
	(erf) = vpow2.f32 v26  }
0xcd: {  	v17 =	vand.u32 $0x7C, v17;
	(erf) = vpow2.f32 v18;
	v18 =	vmul.f32 v15, v19  }
.Ltmp7:
0xce: {  	v15 =	vmul.f32 v20, v16;
	v16 =	vsub.f32 $2.000000000e+00, v21;
	v19 =	vmul.f32 v24, v12;
	(pc) =	sbr.rel @p0 .LBB2_10-.Ltmp7, $4  }
0xcf: {  	v17 =	vbroadcast v17, $0x0;
	v20 =	vand.u32 $0x7D, v29;
	v21 =	vand.u32 $0x7E, v13;
	[tilespmem:v14+s14+$0x0] =	vst.idx.msk $0xffff, v18  }
0xd0: {  	v14 =	vmul.f32 v15, v22;
	v13 =	vmul.f32 v16, v23;
	v22 =	vsub.f32 $2.000000000e+00, v19  }
0xd1: {  	v19 =	vbroadcast v20, $0x0;
	v20 =	vbroadcast v21, $0x0  }
0xd2: {  	v16 =	vsub.f32 $2.000000000e+00, v14;
	v18 =	vmul.f32 v13, v30;
	v14 =	vmul.f32 v22, v24  }
0xd3: {  	v21 =	vpop (erf)  }
0xd4: {  	v17 =	vor.u32 v1, v17;
	v21 =	vadd.f32 $1.000000000e+00, v21  }
0xd5: {  	v19 =	vor.u32 v1, v19;
	v20 =	vor.u32 v1, v20;
	v22 =	vpop (erf);
	v18 =	vsub.f32 $2.000000000e+00, v18  }
0xd6: {  	v12 =	vmul.f32 v14, v12;
	v23 =	vpop (erf);
	v22 =	vadd.f32 $1.000000000e+00, v22;
	v24 =	vsub.s32 $0x7EF311C3, v21  }
0xd7: {  	v15 =	vmul.f32 v16, v15;
	v25 =	vpop (erf);
	v23 =	vadd.f32 $1.000000000e+00, v23;
	v26 =	vmul.f32 v24, v21  }
0xd8: {  	v12 =	vsub.f32 $2.000000000e+00, v12;
	v25 =	vadd.f32 $1.000000000e+00, v25;
	v27 =	vsub.s32 $0x7EF311C3, v22  }
0xd9: {  	v28 =	vmul.f32 v27, v22;
	v16 =	vsub.f32 $2.000000000e+00, v26;
	v26 =	vsub.s32 $0x7EF311C3, v23  }
0xda: {  	v13 =	vmul.f32 v18, v13;
	v29 =	vsub.s32 $0x7EF311C3, v25;
	v30 =	vmul.f32 v26, v23  }
0xdb: {  	s24 =	sadd.s32 $0x8, s25;
	v12 =	vmul.f32 v12, v14;
	v31 =	vmul.f32 v29, v25;
	v28 =	vsub.f32 $2.000000000e+00, v28  }
0xdc: {  	s29 =	sadd.s32 $0xB, s25;
	v16 =	vmul.f32 v24, v16;
	v24 =	vmov s24;
	v30 =	vsub.f32 $2.000000000e+00, v30  }
0xdd: {  	v31 =	vsub.f32 $2.000000000e+00, v31;
	v14 =	vmul.f32 v27, v28;
	v27 =	vmov s29  }
0xde: {  	v24 =	vand.u32 $0x7C, v24;
	v18 =	vmul.f32 v16, v21;
	v26 =	vmul.f32 v26, v30  }
0xdf: {  	s30 =	sadd.s32 $0x9, s25;
	v27 =	vand.u32 $0x7F, v27;
	v28 =	vmul.f32 v29, v31;
	v29 =	vmul.f32 v14, v22  }
0xe0: {  	v24 =	vbroadcast v24, $0x0;
	v30 =	vmov s30;
	v18 =	vsub.f32 $2.000000000e+00, v18  }
0xe1: {  	v30 =	vand.u32 $0x7D, v30;
	v29 =	vsub.f32 $2.000000000e+00, v29;
	v31 =	vmul.f32 v26, v23  }
0xe2: {  	v24 =	vor.u32 v1, v24;
	v32 =	vmul.f32 v28, v25;
	v16 =	vmul.f32 v18, v16  }
0xe3: {  	s31 =	sadd.s32 $0xA, s25;
	v18 =	vbroadcast v27, $0x0;
	v14 =	vmul.f32 v29, v14;
	v29 =	vsub.f32 $2.000000000e+00, v31  }
0xe4: {  	v27 =	vmov s31;
	v31 =	vsub.f32 $2.000000000e+00, v32;
	v21 =	vmul.f32 v16, v21  }
0xe5: {  	v27 =	vand.u32 $0x7E, v27;
	v22 =	vmul.f32 v14, v22;
	v26 =	vmul.f32 v29, v26  }
0xe6: {  	v18 =	vor.u32 v1, v18;
	v29 =	vbroadcast v30, $0x0;
	v28 =	vmul.f32 v31, v28  }
0xe7: {  	v27 =	vbroadcast v27, $0x0;
	v21 =	vsub.f32 $2.000000000e+00, v21;
	v23 =	vmul.f32 v26, v23  }
0xe8: {  	[tilespmem:v17+s14+$0x0] =	vst.idx.msk $0xffff, v15;
	v15 =	vsub.f32 $2.000000000e+00, v22;
	v17 =	vor.u32 v1, v29;
	v22 =	vmul.f32 v28, v25  }
0xe9: {  	s25 =	simm.s32 $0xC00;
	[tilespmem:v19+s14+$0x0] =	vst.idx.msk $0xffff, v13;
	v13 =	vmul.f32 v21, v16;
	v16 =	vor.u32 v1, v27;
	v19 =	vsub.f32 $2.000000000e+00, v23  }
0xea: {  	[tilespmem:v20+s14+$0x0] =	vst.idx.msk $0xffff, v12;
	v12 =	vmul.f32 v15, v14;
	v14 =	vsub.f32 $2.000000000e+00, v22;
	v15 =	vadd.s32 s25, v11  }
0xeb: {  	s26 =	simm.s32 $0x400;
	[tilespmem:v18+s14+$0x0] =	vst.idx.msk $0xffff, v13;
	v13 =	vmul.f32 v19, v26  }
0xec: {  	s28 =	simm.s32 $0x800;
	v18 =	vadd.s32 s26, v11;
	[tilespmem:v24+s14+$0x0] =	vst.idx.msk $0xffff, v12;
	v12 =	vmul.f32 v14, v28  }
0xed: {  	s29 =	simm.s32 $0x0;
	v14 =	vadd.s32 s28, v11;
	[tilespmem:v17+s14+$0x0] =	vst.idx.msk $0xffff, v13  }
0xee: {  	v13 =	vadd.s32 s29, v11;
	[tilespmem:v16+s14+$0x0] =	vst.idx.msk $0xffff, v12  }
0xef: {  	v12 =	vld.idx.msk [tilespmem:v15+s13+$0x0], $0xffff;
	_ =	sdelay $0x1  }
0xf0: {  	v15 =	vld.idx.msk [tilespmem:v18+s13+$0x0], $0xffff  }
0xf1: {  	s29 =	simm.s32 $0x1C00;
	v14 =	vld.idx.msk [tilespmem:v14+s13+$0x0], $0xffff  }
0xf2: {  	v16 =	vadd.s32 s29, v11;
	s29 =	simm.s32 $0x1800;
	v13 =	vld.idx.msk [tilespmem:v13+s13+$0x0], $0xffff  }
0xf3: {  	v25 =	vadd.s32 s29, v11;
	v12 =	vsub.f32 $0.0e+00, v12;
	_ =	sdelay $0x1  }
0xf4: {  	v15 =	vsub.f32 $0.0e+00, v15;
	v12 =	vmul.f32 $1.442695020e+00, v12  }
0xf5: {  	v14 =	vsub.f32 $0.0e+00, v14  }
0xf6: {  	v15 =	vmul.f32 $1.442695020e+00, v15;
	v13 =	vsub.f32 $0.0e+00, v13;
	(erf) = vpow2.f32 v12  }
0xf7: {  	v25 =	vld.idx.msk [tilespmem:v25+s13+$0x0], $0xffff;
	v14 =	vmul.f32 $1.442695020e+00, v14  }
0xf8: {  	(erf) = vpow2.f32 v15;
	v12 =	vmul.f32 $1.442695020e+00, v13  }
0xf9: {  	s31 =	simm.s32 $0x35;
	s28 =	simm.s32 $0x37;
	(erf) = vpow2.f32 v14  }
0xfa: {  	s26 =	simm.s32 $0x34;
	v13 =	vmov s31;
	v14 =	vmov s28;
	s28 =	simm.s32 $0x1400;
	(erf) = vpow2.f32 v12  }
0xfb: {  	v15 =	vand.u32 $0x7F, v14;
	v14 =	vmov s26;
	s26 =	simm.s32 $0x1000;
	v20 =	vadd.s32 s28, v11  }
0xfc: {  	s30 =	simm.s32 $0x36;
	v25 =	vsub.f32 $0.0e+00, v25;
	v13 =	vand.u32 $0x7D, v13;
	v24 =	vadd.s32 s26, v11  }
0xfd: {  	v12 =	vmov s30  }
0xfe: {  	v17 =	vbroadcast v13, $0x0;
	s30 =	simm.s32 $0x39;
	v25 =	vmul.f32 $1.442695020e+00, v25;
	v12 =	vand.u32 $0x7E, v12  }
0xff: {  	s31 =	simm.s32 $0x3A;
	v21 =	vbroadcast v12, $0x0;
	v12 =	vand.u32 $0x7C, v14;
	v14 =	vmov s30;
	v13 =	vpop (erf)  }
0x100: {  	s30 =	simm.s32 $0x3B;
	v12 =	vbroadcast v12, $0x0;
	v31 =	vld.idx.msk [tilespmem:v20+s13+$0x0], $0xffff;
	v23 =	vadd.f32 $1.000000000e+00, v13;
	v13 =	vmov s31  }
0x101: {  	v14 =	vand.u32 $0x7D, v14;
	v28 =	vmov s30;
	v24 =	vld.idx.msk [tilespmem:v24+s13+$0x0], $0xffff;
	v18 =	vpop (erf);
	v29 =	vand.u32 $0x7E, v13  }
0x102: {  	s31 =	simm.s32 $0x38;
	v22 =	vpop (erf);
	v13 =	vbroadcast v14, $0x0;
	v26 =	vsub.s32 $0x7EF311C3, v23;
	v14 =	vbroadcast v29, $0x0  }
0x103: {  	v29 =	vld.idx.msk [tilespmem:v16+s13+$0x0], $0xffff;
	v20 =	vadd.f32 $1.000000000e+00, v22;
	v22 =	vmov s31;
	v19 =	vpop (erf);
	v27 =	vmul.f32 v26, v23  }
0x104: {  	v16 =	vadd.f32 $1.000000000e+00, v18;
	v18 =	vand.u32 $0x7C, v22;
	v19 =	vadd.f32 $1.000000000e+00, v19  }
0x105: {  	v31 =	vsub.f32 $0.0e+00, v31;
	v18 =	vbroadcast v18, $0x0;
	v27 =	vsub.f32 $2.000000000e+00, v27  }
0x106: {  	v61 =	vsub.s32 $0x7EF311C3, v16;
	v24 =	vsub.f32 $0.0e+00, v24;
	v30 =	vsub.s32 $0x7EF311C3, v19  }
0x107: {  	v60 =	vmul.f32 v30, v19;
	v26 =	vmul.f32 v26, v27;
	v27 =	vsub.s32 $0x7EF311C3, v20  }
0x108: {  	v35 =	vmul.f32 v61, v16;
	v29 =	vsub.f32 $0.0e+00, v29;
	v33 =	vmul.f32 v27, v20  }
0x109: {  	v31 =	vmul.f32 $1.442695020e+00, v31;
	v22 =	vsub.f32 $2.000000000e+00, v60;
	v34 =	vmul.f32 v26, v23  }
0x10a: {  	v62 =	vmul.f32 $1.442695020e+00, v24;
	v29 =	vmul.f32 $1.442695020e+00, v29;
	v33 =	vsub.f32 $2.000000000e+00, v33  }
0x10b: {  	v30 =	vmul.f32 v30, v22;
	v22 =	vbroadcast v15, $0x0;
	v34 =	vsub.f32 $2.000000000e+00, v34  }
0x10c: {  	v15 =	vand.u32 $0x7F, v28;
	(erf) = vpow2.f32 v29;
	v27 =	vmul.f32 v27, v33  }
0x10d: {  	v28 =	vsub.f32 $2.000000000e+00, v35;
	(erf) = vpow2.f32 v31;
	v36 =	vmul.f32 v30, v19  }
0x10e: {  	v24 =	vmul.f32 v34, v26;
	v29 =	vmul.f32 v27, v20  }
0x10f: {  	v17 =	vor.u32 v1, v17;
	v26 =	vmul.f32 v61, v28;
	(erf) = vpow2.f32 v25  }
0x110: {  	v63 =	vsub.f32 $2.000000000e+00, v36;
	v25 =	vsub.f32 $2.000000000e+00, v29;
	v29 =	vmul.f32 v24, v23  }
0x111: {  	v21 =	vor.u32 v1, v21;
	(erf) = vpow2.f32 v62;
	v28 =	vmul.f32 v26, v16  }
0x112: {  	s24 =	simm.s32 $0x8;
	v23 =	vmul.f32 v63, v30;
	v25 =	vmul.f32 v25, v27;
	v27 =	vsub.f32 $2.000000000e+00, v29  }
.LBB2_12:
0x113: {  	s25 =	sadd.s32 $0x34, s24;
	s26 =	sadd.s32 $0x35, s24;
	s28 =	sadd.s32 $0x36, s24;
	v29 =	vor.u32 v1, v12;
	v28 =	vsub.f32 $2.000000000e+00, v28;
	v22 =	vor.u32 v1, v22;
	v12 =	vmovc v18  }
0x114: {  	s30 =	sadd.s32 $0x37, s24;
	v19 =	vmul.f32 v23, v19;
	v20 =	vmul.f32 v25, v20;
	s29 =	sshll.u32 s25, $0xA;
	v18 =	vmov s28;
	s28 =	sshll.u32 s28, $0xA  }
0x115: {  	v30 =	vmov s26;
	s26 =	sshll.u32 s26, $0xA;
	v31 =	vmov s30;
	s29 =	sadd.s32 $0xFFFF3400, s29;
	s28 =	sadd.s32 $0xFFFF3400, s28;
	v26 =	vmul.f32 v28, v26  }
0x116: {  	p0 =	slt.u32 s24, $0x1C;
	s30 =	sshll.u32 s24, $0xA;
	s24 =	sadd.s32 $0x4, s24;
	v18 =	vand.u32 $0x7E, v18;
	v20 =	vsub.f32 $2.000000000e+00, v20;
	v28 =	vadd.s32 s29, v11  }
0x117: {  	v24 =	vmul.f32 v27, v24;
	v32 =	vadd.s32 s30, v11;
	s26 =	sadd.s32 $0xFFFF3400, s26;
	v33 =	vadd.s32 s28, v11;
	v34 =	vpop (erf)  }
0x118: {  	v36 =	vsub.f32 $2.000000000e+00, v19;
	v27 =	vadd.s32 s26, v11;
	v34 =	vadd.f32 $1.000000000e+00, v34;
	v35 =	vpop (erf)  }
0x119: {  	v38 =	vand.u32 $0x7D, v30;
	v30 =	vand.u32 $0x7F, v31;
	v16 =	vmul.f32 v26, v16;
	v31 =	vpop (erf);
	[tilespmem:v22+s14+$0x0] =	vst.idx.msk $0xffff, v24  }
0x11a: {  	v37 =	vbroadcast v38, $0x0;
	v24 =	vmul.f32 v20, v25;
	v22 =	vsub.s32 $0x7EF311C3, v34;
	v19 =	vpop (erf)  }
0x11b: {  	v16 =	vsub.f32 $2.000000000e+00, v16;
	v25 =	vld.idx.msk [tilespmem:v28+s13+$0x0], $0xffff;
	v19 =	vadd.f32 $1.000000000e+00, v19;
	v28 =	vmul.f32 v22, v34  }
0x11c: {  	v38 =	vbroadcast v18, $0x0;
	v18 =	vmul.f32 v36, v23;
	v20 =	vadd.f32 $1.000000000e+00, v31;
	v33 =	vld.idx.msk [tilespmem:v33+s13+$0x0], $0xffff;
	[tilespmem:v21+s14+$0x0] =	vst.idx.msk $0xffff, v24  }
0x11d: {  	v24 =	vmul.f32 v16, v26;
	v21 =	vsub.s32 $0x7EF311C3, v19;
	v23 =	vsub.f32 $2.000000000e+00, v28  }
0x11e: {  	v26 =	vmov s25;
	v16 =	vadd.f32 $1.000000000e+00, v35;
	v27 =	vld.idx.msk [tilespmem:v27+s13+$0x0], $0xffff;
	v28 =	vmul.f32 v21, v19;
	[tilespmem:v29+s14+$0x0] =	vst.idx.msk $0xffff, v18  }
0x11f: {  	v18 =	vand.u32 $0x7C, v26;
	v26 =	vsub.s32 $0x7EF311C3, v20;
	v29 =	vld.idx.msk [tilespmem:v32+s13+$0x0], $0xffff;
	v23 =	vmul.f32 v22, v23;
	[tilespmem:v17+s14+$0x0] =	vst.idx.msk $0xffff, v24  }
0x120: {  	v18 =	vbroadcast v18, $0x0;
	v17 =	vsub.f32 $2.000000000e+00, v28;
	v28 =	vsub.s32 $0x7EF311C3, v16  }
0x121: {  	v22 =	vmul.f32 v26, v20;
	v24 =	vmul.f32 v23, v34  }
0x122: {  	v31 =	vsub.f32 $0.0e+00, v33;
	v32 =	vmul.f32 v21, v17;
	v17 =	vmul.f32 v28, v16  }
0x123: {  	v21 =	vsub.f32 $0.0e+00, v25;
	v25 =	vsub.f32 $2.000000000e+00, v22;
	v22 =	vbroadcast v15, $0x0;
	v15 =	vmovc v30  }
0x124: {  	v27 =	vsub.f32 $0.0e+00, v27;
	v30 =	vmul.f32 $1.442695020e+00, v31;
	v24 =	vsub.f32 $2.000000000e+00, v24  }
0x125: {  	v29 =	vsub.f32 $0.0e+00, v29;
	v21 =	vmul.f32 $1.442695020e+00, v21;
	v31 =	vmul.f32 v32, v19  }
0x126: {  	v17 =	vsub.f32 $2.000000000e+00, v17;
	v25 =	vmul.f32 v26, v25;
	v27 =	vmul.f32 $1.442695020e+00, v27  }
0x127: {  	v24 =	vmul.f32 v24, v23;
	v29 =	vmul.f32 $1.442695020e+00, v29;
	v31 =	vsub.f32 $2.000000000e+00, v31  }
.Ltmp8:
0x128: {  	v23 =	vmul.f32 v25, v20;
	(erf) = vpow2.f32 v30;
	(pc) =	sbr.rel @p0 .LBB2_12-.Ltmp8, $4  }
0x129: {  	v26 =	vmul.f32 v28, v17;
	v17 =	vor.u32 v1, v13;
	v13 =	vmovc v37;
	(erf) = vpow2.f32 v21  }
0x12a: {  	v30 =	vmul.f32 v24, v34;
	(erf) = vpow2.f32 v27;
	v27 =	vsub.f32 $2.000000000e+00, v23  }
0x12b: {  	v28 =	vmul.f32 v26, v16;
	v21 =	vor.u32 v1, v14;
	v14 =	vmovc v38;
	(erf) = vpow2.f32 v29  }
0x12c: {  	v23 =	vmul.f32 v31, v32;
	v25 =	vmul.f32 v27, v25;
	v27 =	vsub.f32 $2.000000000e+00, v30  }
.Ltmp9:
0x12d: {  	_ = 	snop;
	(pc) =	sbr.rel .LBB2_13-.Ltmp9, $1  }
0x12e: {  	_ =	sdelay $0x3  }
.LBB2_4:
0x12f: {  	s23 =	sshll.u32 s20, $0x4  }
0x130: {  	v11 =	vmov s23  }
0x131: {  	v11 =	vbroadcast v11, $0x0;
	_ =	sdelay $0x1  }
0x132: {  	v12 =	vor.u32 v0, v11  }
0x133: {  	v13 =	vmulhi.u32 $0x4EC4EC4F, v12;
	_ =	sdelay $0x1  }
0x134: {  	v13 =	vshrl.u32 v13, $0x4  }
0x135: {  	v14 =	vmul.u32 $0xFFFFFFCC, v13  }
0x136: {  	v15 =	vsub.s32 $0x0, v12  }
0x137: {  	vm0 =	veq.s32 v11, v0;
	vm1 =	vne.s32 v14, v15  }
0x138: {  	vm0 =	vmand vm0, vm1  }
0x139: {  	v11 =	vsel vm0, $0xFFFFFFFF, v6  }
0x13a: {  	v13 =	vadd.s32 v11, v13  }
0x13b: {  	v11 =	vmul.u32 $0xFFFFFFCC, v13;
	_ =	sdelay $0x1  }
0x13c: {  	v12 =	vadd.s32 v12, v11  }
0x13d: {  	v14 =	vshll.u32 v13, $0x7;
	v11 =	vand.u32 $0xFFFFFF80, v12  }
0x13e: {  	v15 =	vand.u32 $0x7F, v12;
	v11 =	vadd.s32 v14, v11  }
0x13f: {  	p0 =	slt.u32 s20, $0x2;
	v11 =	vor.u32 v15, v11  }
0x140: {  	s24 =	simm.s32 @!p0 $0x2;
	v14 =	vadd.s32 $0x400, v11  }
0x141: {  	_ =	swait.ge @!p0 [sflag:s24], $0x800  }
0x142: {  	[sflag:s24] =	ssyncset.done @!p0 $0x0  }
0x143: {  	[sflag:s24] =	ssyncadd.s32 @!p0 $0xFFFFF800  }
0x144: {  	v15 =	vld.idx.msk [tilespmem:v11+s2+$0x0], $0xffff  }
0x145: {  	v14 =	vld.idx.msk [tilespmem:v14+s2+$0x0], $0xffff;
	_ =	sdelay $0x2  }
0x146: {  	v17 =	vadd.s32 $0x8000, v11  }
0x147: {  	v16 =	vadd.s32 $0x800, v11;
	v15 =	vsub.f32 $0.0e+00, v15  }
0x148: {  	v18 =	vadd.s32 $0xC00, v11;
	v14 =	vsub.f32 $0.0e+00, v14  }
0x149: {  	v15 =	vmul.f32 $1.442695020e+00, v15  }
0x14a: {  	v14 =	vmul.f32 $1.442695020e+00, v14  }
0x14b: {  	(erf) = vpow2.f32 v15;
	v15 =	vld.idx.msk [tilespmem:v17+s13+$0x0], $0xffff  }
0x14c: {  	v16 =	vld.idx.msk [tilespmem:v16+s2+$0x0], $0xffff;
	(erf) = vpow2.f32 v14  }
0x14d: {  	v17 =	vld.idx.msk [tilespmem:v18+s2+$0x0], $0xffff;
	_ =	sdelay $0x2  }
0x14e: {  	v15 =	vsub.f32 $0.0e+00, v15  }
0x14f: {  	v14 =	vmul.f32 $1.442695020e+00, v16  }
0x150: {  	v16 =	vmul.f32 $1.442695020e+00, v17  }
0x151: {  	(erf) = vpow2.f32 v14;
	v14 =	vmul.f32 $1.442695020e+00, v15  }
0x152: {  	(erf) = vpow2.f32 v16;
	v15 =	vpop (erf)  }
0x153: {  	(erf) = vpow2.f32 v14;
	v14 =	vadd.f32 $1.000000000e+00, v15;
	v15 =	vpop (erf)  }
0x154: {  	v15 =	vadd.f32 $1.000000000e+00, v15;
	_ =	sdelay $0x1  }
0x155: {  	v16 =	vsub.s32 $0x7EF311C3, v14;
	v18 =	vsub.s32 $0x7EF311C3, v15  }
0x156: {  	v17 =	vmul.f32 v16, v14;
	v19 =	vmul.f32 v18, v15;
	_ =	sdelay $0x1  }
0x157: {  	v17 =	vsub.f32 $2.000000000e+00, v17  }
0x158: {  	v20 =	vpop (erf)  }
0x159: {  	v16 =	vmul.f32 v16, v17;
	v17 =	vsub.f32 $2.000000000e+00, v19;
	v19 =	vpop (erf)  }
0x15a: {  	v21 =	vpop (erf)  }
0x15b: {  	v22 =	vmul.f32 v16, v14;
	v17 =	vmul.f32 v18, v17;
	v18 =	vadd.f32 $1.000000000e+00, v21;
	_ =	sdelay $0x1  }
0x15c: {  	v21 =	vsub.f32 $2.000000000e+00, v22;
	v22 =	vmul.f32 v17, v15;
	v23 =	vsub.s32 $0x7EF311C3, v18  }
0x15d: {  	v24 =	vmul.f32 v23, v18  }
0x15e: {  	v16 =	vmul.f32 v21, v16;
	v21 =	vsub.f32 $2.000000000e+00, v22  }
0x15f: {  	v22 =	vsub.f32 $2.000000000e+00, v24  }
0x160: {  	v17 =	vmul.f32 v21, v17  }
0x161: {  	v14 =	vmul.f32 v16, v14;
	v21 =	vmul.f32 v23, v22  }
0x162: {  	v15 =	vmul.f32 v17, v15  }
0x163: {  	v14 =	vsub.f32 $2.000000000e+00, v14;
	v22 =	vmul.f32 v21, v18  }
0x164: {  	v13 =	vadd.s32 v8, v13;
	v15 =	vsub.f32 $2.000000000e+00, v15  }
0x165: {  	v12 =	vcvt.s32.f32 v12;
	v14 =	vmul.f32 v14, v16;
	v16 =	vsub.f32 $2.000000000e+00, v22  }
0x166: {  	v13 =	vcvt.s32.f32 v13;
	v15 =	vmul.f32 v15, v17  }
0x167: {  	v12 =	vadd.f32 v12, v14;
	v16 =	vmul.f32 v16, v21  }
0x168: {  	v13 =	vadd.f32 v13, v15  }
0x169: {  	v12 =	vmul.f32 v12, v7;
	v14 =	vmul.f32 v16, v18  }
0x16a: {  	s25 =	simm.s32 $0x2C00;
	v13 =	vmul.f32 v13, v7  }
0x16b: {  	v15 =	vadd.s32 s25, v11;
	[tilespmem:v1+s17+$0x0] =	vst.idx.msk $0xffff, v12;
	v12 =	vmul.f32 v20, v9;
	v14 =	vsub.f32 $2.000000000e+00, v14  }
0x16c: {  	s26 =	simm.s32 $0x2000;
	[tilespmem:v2+s17+$0x0] =	vst.idx.msk $0xffff, v13;
	v13 =	vmul.f32 v19, v10  }
0x16d: {  	s28 =	simm.s32 $0x2400;
	[tilespmem:v3+s17+$0x0] =	vst.idx.msk $0xffff, v12;
	v12 =	vadd.s32 s26, v11;
	v14 =	vmul.f32 v14, v16  }
0x16e: {  	[tilespmem:v4+s17+$0x0] =	vst.idx.msk $0xffff, v13;
	v13 =	vadd.s32 s28, v11  }
0x16f: {  	s24 =	simm.s32 $0x0;
	[tilespmem:v5+s17+$0x0] =	vst.idx.msk $0xffff, v14  }
0x170: {  	v15 =	vld.idx.msk [tilespmem:v15+s24+$0x0], $0xffff;
	_ =	sdelay $0x1  }
0x171: {  	s25 =	simm.s32 $0x2800;
	v12 =	vld.idx.msk [tilespmem:v12+s24+$0x0], $0xffff  }
0x172: {  	v14 =	vadd.s32 s25, v11;
	v13 =	vld.idx.msk [tilespmem:v13+s24+$0x0], $0xffff;
	_ =	sdelay $0x1  }
0x173: {  	v15 =	vsub.f32 $0.0e+00, v15;
	_ =	sdelay $0x1  }
0x174: {  	v12 =	vsub.f32 $0.0e+00, v12;
	v15 =	vmul.f32 $1.442695020e+00, v15  }
0x175: {  	v14 =	vld.idx.msk [tilespmem:v14+s24+$0x0], $0xffff;
	v13 =	vsub.f32 $0.0e+00, v13  }
0x176: {  	v12 =	vmul.f32 $1.442695020e+00, v12;
	(erf) = vpow2.f32 v15  }
0x177: {  	v13 =	vmul.f32 $1.442695020e+00, v13  }
0x178: {  	s30 =	simm.s32 $0x3400;
	(erf) = vpow2.f32 v12  }
0x179: {  	v19 =	vadd.s32 s30, v11;
	s26 =	simm.s32 $0x3C00;
	(erf) = vpow2.f32 v13  }
0x17a: {  	v14 =	vsub.f32 $0.0e+00, v14;
	v15 =	vadd.s32 s26, v11  }
0x17b: {  	s31 =	simm.s32 $0x3800  }
0x17c: {  	v20 =	vadd.s32 s31, v11;
	v14 =	vmul.f32 $1.442695020e+00, v14;
	_ =	sdelay $0x1  }
0x17d: {  	s29 =	simm.s32 $0x3000;
	v19 =	vld.idx.msk [tilespmem:v19+s24+$0x0], $0xffff;
	(erf) = vpow2.f32 v14  }
0x17e: {  	v14 =	vadd.s32 s29, v11;
	v15 =	vld.idx.msk [tilespmem:v15+s24+$0x0], $0xffff;
	v12 =	vpop (erf)  }
0x17f: {  	v13 =	vadd.f32 $1.000000000e+00, v12  }
0x180: {  	v20 =	vld.idx.msk [tilespmem:v20+s24+$0x0], $0xffff;
	v12 =	vpop (erf)  }
0x181: {  	v16 =	vpop (erf);
	v17 =	vsub.s32 $0x7EF311C3, v13  }
0x182: {  	s31 =	simm.s32 $0x7;
	v21 =	vadd.f32 $1.000000000e+00, v16;
	v16 =	vmul.f32 v17, v13  }
0x183: {  	v29 =	vmov s31;
	v19 =	vsub.f32 $0.0e+00, v19;
	v14 =	vld.idx.msk [tilespmem:v14+s24+$0x0], $0xffff;
	v15 =	vsub.f32 $0.0e+00, v15  }
0x184: {  	s30 =	simm.s32 $0x6;
	v63 =	vand.u32 $0x7F, v29;
	v18 =	vadd.f32 $1.000000000e+00, v12;
	v16 =	vsub.f32 $2.000000000e+00, v16  }
0x185: {  	v60 =	vmov s30;
	v20 =	vsub.f32 $0.0e+00, v20;
	v19 =	vmul.f32 $1.442695020e+00, v19  }
0x186: {  	v15 =	vmul.f32 $1.442695020e+00, v15;
	v12 =	vpop (erf);
	v22 =	vsub.s32 $0x7EF311C3, v18;
	v16 =	vmul.f32 v17, v16  }
0x187: {  	v12 =	vadd.f32 $1.000000000e+00, v12;
	v23 =	vsub.s32 $0x7EF311C3, v21;
	v25 =	vmul.f32 v22, v18  }
0x188: {  	v14 =	vsub.f32 $0.0e+00, v14;
	(erf) = vpow2.f32 v15;
	v28 =	vmul.f32 v16, v13  }
0x189: {  	v15 =	vmul.f32 $1.442695020e+00, v20;
	v26 =	vmul.f32 v23, v21;
	v17 =	vsub.f32 $2.000000000e+00, v25  }
0x18a: {  	s28 =	simm.s32 $0x4;
	v57 =	vsub.s32 $0x7EF311C3, v12;
	v14 =	vmul.f32 $1.442695020e+00, v14;
	v61 =	vsub.f32 $2.000000000e+00, v28  }
0x18b: {  	v59 =	vmov s28;
	v27 =	vmul.f32 v57, v12;
	v17 =	vmul.f32 v22, v17  }
0x18c: {  	v20 =	vand.u32 $0x7C, v59;
	v58 =	vsub.f32 $2.000000000e+00, v26;
	v16 =	vmul.f32 v61, v16  }
0x18d: {  	s29 =	simm.s32 $0x5;
	(erf) = vpow2.f32 v14;
	v27 =	vsub.f32 $2.000000000e+00, v27;
	v62 =	vmul.f32 v17, v18  }
0x18e: {  	v22 =	vmul.f32 v23, v58;
	v23 =	vmov s29;
	v13 =	vmul.f32 v16, v13  }
0x18f: {  	v24 =	vmul.f32 v57, v27;
	v27 =	vbroadcast v63, $0x0;
	v14 =	vsub.f32 $2.000000000e+00, v62  }
0x190: {  	(erf) = vpow2.f32 v19;
	v19 =	vmul.f32 v22, v21;
	v13 =	vsub.f32 $2.000000000e+00, v13  }
0x191: {  	(erf) = vpow2.f32 v15;
	v27 =	vor.u32 v1, v27;
	v15 =	vmul.f32 v14, v17  }
0x192: {  	v14 =	vmul.f32 v24, v12;
	v16 =	vmul.f32 v13, v16;
	v13 =	vsub.f32 $2.000000000e+00, v19  }
0x193: {  	v17 =	vbroadcast v20, $0x0;
	v20 =	vand.u32 $0x7E, v60;
	v18 =	vmul.f32 v15, v18  }
0x194: {  	v14 =	vsub.f32 $2.000000000e+00, v14;
	v19 =	vand.u32 $0x7D, v23;
	v13 =	vmul.f32 v13, v22  }
0x195: {  	v20 =	vbroadcast v20, $0x0;
	v19 =	vbroadcast v19, $0x0  }
0x196: {  	s25 =	simm.s32 $0x0;
	s26 =	simm.s32 $0x4;
	v14 =	vmul.f32 v14, v24;
	[tilespmem:v27+s17+$0x0] =	vst.idx.msk $0xffff, v16;
	v16 =	vsub.f32 $2.000000000e+00, v18;
	v18 =	vmul.f32 v13, v21  }
.LBB2_5:
0x197: {  	s29 =	sshll.u32 s26, $0xA;
	v21 =	vpop (erf);
	v17 =	vor.u32 v1, v17;
	v19 =	vor.u32 v1, v19;
	v20 =	vor.u32 v1, v20;
	s28 =	smov.u32 s26;
	s26 =	sadd.s32 $0x4, s26  }
0x198: {  	s30 =	sadd.s32 $0x3000, s29;
	s31 =	sadd.s32 $0x3C00, s29;
	p0 =	slt.u32 s26, $0x2C;
	v21 =	vadd.f32 $1.000000000e+00, v21;
	v22 =	vpop (erf);
	v18 =	vsub.f32 $2.000000000e+00, v18;
	v23 =	vmul.f32 v14, v12  }
0x199: {  	v24 =	vadd.s32 s30, v11;
	s30 =	sadd.s32 $0x3400, s29;
	s29 =	sadd.s32 $0x3800, s29;
	v25 =	vadd.s32 s31, v11;
	v22 =	vadd.f32 $1.000000000e+00, v22;
	v12 =	vpop (erf)  }
0x19a: {  	v26 =	vadd.s32 s30, v11;
	v27 =	vadd.s32 s29, v11;
	v28 =	vsub.s32 $0x7EF311C3, v21;
	v29 =	vpop (erf)  }
0x19b: {  	v30 =	vadd.f32 $1.000000000e+00, v12;
	v12 =	vadd.f32 $1.000000000e+00, v29;
	v29 =	vmul.f32 v28, v21  }
0x19c: {  	v15 =	vmul.f32 v16, v15;
	v16 =	vsub.f32 $2.000000000e+00, v23;
	v31 =	vsub.s32 $0x7EF311C3, v22  }
0x19d: {  	v23 =	vsub.s32 $0x7EF311C3, v30;
	v32 =	vsub.s32 $0x7EF311C3, v12;
	v29 =	vsub.f32 $2.000000000e+00, v29  }
0x19e: {  	s29 =	sadd.s32 $0x8, s25;
	v33 =	vmul.f32 v31, v22;
	v34 =	vmul.f32 v23, v30;
	v25 =	vld.idx.msk [tilespmem:v25+s24+$0x0], $0xffff;
	[tilespmem:v17+s17+$0x0] =	vst.idx.msk $0xffff, v15  }
0x19f: {  	v17 =	vmov s29;
	v15 =	vld.idx.msk [tilespmem:v24+s24+$0x0], $0xffff;
	v24 =	vmul.f32 v32, v12;
	v28 =	vmul.f32 v28, v29  }
0x1a0: {  	v13 =	vmul.f32 v18, v13;
	v29 =	vsub.f32 $2.000000000e+00, v33;
	v33 =	vsub.f32 $2.000000000e+00, v34;
	v26 =	vld.idx.msk [tilespmem:v26+s24+$0x0], $0xffff  }
0x1a1: {  	v14 =	vmul.f32 v16, v14;
	s29 =	sadd.s32 $0x9, s25;
	v18 =	vld.idx.msk [tilespmem:v27+s24+$0x0], $0xffff;
	v24 =	vsub.f32 $2.000000000e+00, v24;
	v27 =	vmul.f32 v28, v21  }
0x1a2: {  	v16 =	vmul.f32 v31, v29;
	v23 =	vmul.f32 v23, v33;
	v29 =	vmov s29;
	s29 =	sadd.s32 $0xA, s25;
	[tilespmem:v19+s17+$0x0] =	vst.idx.msk $0xffff, v13  }
0x1a3: {  	v13 =	vmov s29;
	s29 =	sadd.s32 $0xB, s25;
	s25 =	smov.u32 s28;
	v24 =	vmul.f32 v32, v24;
	v19 =	vsub.f32 $2.000000000e+00, v27;
	[tilespmem:v20+s17+$0x0] =	vst.idx.msk $0xffff, v14  }
0x1a4: {  	v14 =	vsub.f32 $0.0e+00, v25;
	v20 =	vmul.f32 v16, v22;
	v25 =	vmov s29  }
0x1a5: {  	v15 =	vsub.f32 $0.0e+00, v15;
	v25 =	vand.u32 $0x7F, v25;
	v19 =	vmul.f32 v19, v28  }
0x1a6: {  	v26 =	vsub.f32 $0.0e+00, v26;
	v14 =	vmul.f32 $1.442695020e+00, v14;
	v25 =	vbroadcast v25, $0x0  }
0x1a7: {  	v15 =	vmul.f32 $1.442695020e+00, v15;
	v18 =	vsub.f32 $0.0e+00, v18;
	v21 =	vmul.f32 v19, v21  }
0x1a8: {  	v26 =	vmul.f32 $1.442695020e+00, v26;
	(erf) = vpow2.f32 v14;
	v14 =	vor.u32 v1, v25  }
0x1a9: {  	v18 =	vmul.f32 $1.442695020e+00, v18;
	(erf) = vpow2.f32 v15;
	v15 =	vsub.f32 $2.000000000e+00, v21  }
0x1aa: {  	v20 =	vsub.f32 $2.000000000e+00, v20;
	v21 =	vmul.f32 v23, v30;
	(erf) = vpow2.f32 v26  }
0x1ab: {  	v17 =	vand.u32 $0x7C, v17;
	(erf) = vpow2.f32 v18;
	v18 =	vmul.f32 v15, v19  }
.Ltmp10:
0x1ac: {  	v15 =	vmul.f32 v20, v16;
	v16 =	vsub.f32 $2.000000000e+00, v21;
	v19 =	vmul.f32 v24, v12;
	(pc) =	sbr.rel @p0 .LBB2_5-.Ltmp10, $4  }
0x1ad: {  	v17 =	vbroadcast v17, $0x0;
	v20 =	vand.u32 $0x7D, v29;
	v21 =	vand.u32 $0x7E, v13;
	[tilespmem:v14+s17+$0x0] =	vst.idx.msk $0xffff, v18  }
0x1ae: {  	v14 =	vmul.f32 v15, v22;
	v13 =	vmul.f32 v16, v23;
	v22 =	vsub.f32 $2.000000000e+00, v19  }
0x1af: {  	v19 =	vbroadcast v20, $0x0;
	v20 =	vbroadcast v21, $0x0  }
0x1b0: {  	v16 =	vsub.f32 $2.000000000e+00, v14;
	v18 =	vmul.f32 v13, v30;
	v14 =	vmul.f32 v22, v24  }
0x1b1: {  	v21 =	vpop (erf)  }
0x1b2: {  	v17 =	vor.u32 v1, v17;
	v21 =	vadd.f32 $1.000000000e+00, v21  }
0x1b3: {  	v19 =	vor.u32 v1, v19;
	v20 =	vor.u32 v1, v20;
	v22 =	vpop (erf);
	v18 =	vsub.f32 $2.000000000e+00, v18  }
0x1b4: {  	v12 =	vmul.f32 v14, v12;
	v23 =	vpop (erf);
	v22 =	vadd.f32 $1.000000000e+00, v22;
	v24 =	vsub.s32 $0x7EF311C3, v21  }
0x1b5: {  	v15 =	vmul.f32 v16, v15;
	v25 =	vpop (erf);
	v23 =	vadd.f32 $1.000000000e+00, v23;
	v26 =	vmul.f32 v24, v21  }
0x1b6: {  	v12 =	vsub.f32 $2.000000000e+00, v12;
	v25 =	vadd.f32 $1.000000000e+00, v25;
	v27 =	vsub.s32 $0x7EF311C3, v22  }
0x1b7: {  	v28 =	vmul.f32 v27, v22;
	v16 =	vsub.f32 $2.000000000e+00, v26;
	v26 =	vsub.s32 $0x7EF311C3, v23  }
0x1b8: {  	v13 =	vmul.f32 v18, v13;
	v29 =	vsub.s32 $0x7EF311C3, v25;
	v30 =	vmul.f32 v26, v23  }
0x1b9: {  	s24 =	sadd.s32 $0x8, s25;
	v12 =	vmul.f32 v12, v14;
	v31 =	vmul.f32 v29, v25;
	v28 =	vsub.f32 $2.000000000e+00, v28  }
0x1ba: {  	s29 =	sadd.s32 $0xB, s25;
	v16 =	vmul.f32 v24, v16;
	v24 =	vmov s24;
	v30 =	vsub.f32 $2.000000000e+00, v30  }
0x1bb: {  	v31 =	vsub.f32 $2.000000000e+00, v31;
	v14 =	vmul.f32 v27, v28;
	v27 =	vmov s29  }
0x1bc: {  	v24 =	vand.u32 $0x7C, v24;
	v18 =	vmul.f32 v16, v21;
	v26 =	vmul.f32 v26, v30  }
0x1bd: {  	s30 =	sadd.s32 $0x9, s25;
	v27 =	vand.u32 $0x7F, v27;
	v28 =	vmul.f32 v29, v31;
	v29 =	vmul.f32 v14, v22  }
0x1be: {  	v24 =	vbroadcast v24, $0x0;
	v30 =	vmov s30;
	v18 =	vsub.f32 $2.000000000e+00, v18  }
0x1bf: {  	v30 =	vand.u32 $0x7D, v30;
	v29 =	vsub.f32 $2.000000000e+00, v29;
	v31 =	vmul.f32 v26, v23  }
0x1c0: {  	v24 =	vor.u32 v1, v24;
	v32 =	vmul.f32 v28, v25;
	v16 =	vmul.f32 v18, v16  }
0x1c1: {  	s31 =	sadd.s32 $0xA, s25;
	v18 =	vbroadcast v27, $0x0;
	v14 =	vmul.f32 v29, v14;
	v29 =	vsub.f32 $2.000000000e+00, v31  }
0x1c2: {  	v27 =	vmov s31;
	v31 =	vsub.f32 $2.000000000e+00, v32;
	v21 =	vmul.f32 v16, v21  }
0x1c3: {  	v27 =	vand.u32 $0x7E, v27;
	v22 =	vmul.f32 v14, v22;
	v26 =	vmul.f32 v29, v26  }
0x1c4: {  	v18 =	vor.u32 v1, v18;
	v29 =	vbroadcast v30, $0x0;
	v28 =	vmul.f32 v31, v28  }
0x1c5: {  	v27 =	vbroadcast v27, $0x0;
	v21 =	vsub.f32 $2.000000000e+00, v21;
	v23 =	vmul.f32 v26, v23  }
0x1c6: {  	[tilespmem:v17+s17+$0x0] =	vst.idx.msk $0xffff, v15;
	v15 =	vsub.f32 $2.000000000e+00, v22;
	v17 =	vor.u32 v1, v29;
	v22 =	vmul.f32 v28, v25  }
0x1c7: {  	s25 =	simm.s32 $0xC00;
	[tilespmem:v19+s17+$0x0] =	vst.idx.msk $0xffff, v13;
	v13 =	vmul.f32 v21, v16;
	v16 =	vor.u32 v1, v27;
	v19 =	vsub.f32 $2.000000000e+00, v23  }
0x1c8: {  	[tilespmem:v20+s17+$0x0] =	vst.idx.msk $0xffff, v12;
	v12 =	vmul.f32 v15, v14;
	v14 =	vsub.f32 $2.000000000e+00, v22;
	v15 =	vadd.s32 s25, v11  }
0x1c9: {  	s26 =	simm.s32 $0x400;
	[tilespmem:v18+s17+$0x0] =	vst.idx.msk $0xffff, v13;
	v13 =	vmul.f32 v19, v26  }
0x1ca: {  	s28 =	simm.s32 $0x800;
	v18 =	vadd.s32 s26, v11;
	[tilespmem:v24+s17+$0x0] =	vst.idx.msk $0xffff, v12;
	v12 =	vmul.f32 v14, v28  }
0x1cb: {  	s29 =	simm.s32 $0x0;
	v14 =	vadd.s32 s28, v11;
	[tilespmem:v17+s17+$0x0] =	vst.idx.msk $0xffff, v13  }
0x1cc: {  	v13 =	vadd.s32 s29, v11;
	[tilespmem:v16+s17+$0x0] =	vst.idx.msk $0xffff, v12  }
0x1cd: {  	v12 =	vld.idx.msk [tilespmem:v15+s13+$0x0], $0xffff;
	_ =	sdelay $0x1  }
0x1ce: {  	v15 =	vld.idx.msk [tilespmem:v18+s13+$0x0], $0xffff  }
0x1cf: {  	s29 =	simm.s32 $0x1C00;
	v14 =	vld.idx.msk [tilespmem:v14+s13+$0x0], $0xffff  }
0x1d0: {  	v16 =	vadd.s32 s29, v11;
	s29 =	simm.s32 $0x1800;
	v13 =	vld.idx.msk [tilespmem:v13+s13+$0x0], $0xffff  }
0x1d1: {  	v25 =	vadd.s32 s29, v11;
	v12 =	vsub.f32 $0.0e+00, v12;
	_ =	sdelay $0x1  }
0x1d2: {  	v15 =	vsub.f32 $0.0e+00, v15;
	v12 =	vmul.f32 $1.442695020e+00, v12  }
0x1d3: {  	v14 =	vsub.f32 $0.0e+00, v14  }
0x1d4: {  	v15 =	vmul.f32 $1.442695020e+00, v15;
	v13 =	vsub.f32 $0.0e+00, v13;
	(erf) = vpow2.f32 v12  }
0x1d5: {  	v25 =	vld.idx.msk [tilespmem:v25+s13+$0x0], $0xffff;
	v14 =	vmul.f32 $1.442695020e+00, v14  }
0x1d6: {  	(erf) = vpow2.f32 v15;
	v12 =	vmul.f32 $1.442695020e+00, v13  }
0x1d7: {  	s31 =	simm.s32 $0x35;
	s28 =	simm.s32 $0x37;
	(erf) = vpow2.f32 v14  }
0x1d8: {  	s26 =	simm.s32 $0x34;
	v13 =	vmov s31;
	v14 =	vmov s28;
	s28 =	simm.s32 $0x1400;
	(erf) = vpow2.f32 v12  }
0x1d9: {  	v15 =	vand.u32 $0x7F, v14;
	v14 =	vmov s26;
	s26 =	simm.s32 $0x1000;
	v20 =	vadd.s32 s28, v11  }
0x1da: {  	s30 =	simm.s32 $0x36;
	v25 =	vsub.f32 $0.0e+00, v25;
	v13 =	vand.u32 $0x7D, v13;
	v24 =	vadd.s32 s26, v11  }
0x1db: {  	v12 =	vmov s30  }
0x1dc: {  	v17 =	vbroadcast v13, $0x0;
	s30 =	simm.s32 $0x39;
	v25 =	vmul.f32 $1.442695020e+00, v25;
	v12 =	vand.u32 $0x7E, v12  }
0x1dd: {  	s31 =	simm.s32 $0x3A;
	v21 =	vbroadcast v12, $0x0;
	v12 =	vand.u32 $0x7C, v14;
	v14 =	vmov s30;
	v13 =	vpop (erf)  }
0x1de: {  	s30 =	simm.s32 $0x3B;
	v12 =	vbroadcast v12, $0x0;
	v31 =	vld.idx.msk [tilespmem:v20+s13+$0x0], $0xffff;
	v23 =	vadd.f32 $1.000000000e+00, v13;
	v13 =	vmov s31  }
0x1df: {  	v14 =	vand.u32 $0x7D, v14;
	v28 =	vmov s30;
	v24 =	vld.idx.msk [tilespmem:v24+s13+$0x0], $0xffff;
	v18 =	vpop (erf);
	v29 =	vand.u32 $0x7E, v13  }
0x1e0: {  	s31 =	simm.s32 $0x38;
	v22 =	vpop (erf);
	v13 =	vbroadcast v14, $0x0;
	v26 =	vsub.s32 $0x7EF311C3, v23;
	v14 =	vbroadcast v29, $0x0  }
0x1e1: {  	v29 =	vld.idx.msk [tilespmem:v16+s13+$0x0], $0xffff;
	v20 =	vadd.f32 $1.000000000e+00, v22;
	v22 =	vmov s31;
	v19 =	vpop (erf);
	v27 =	vmul.f32 v26, v23  }
0x1e2: {  	v16 =	vadd.f32 $1.000000000e+00, v18;
	v18 =	vand.u32 $0x7C, v22;
	v19 =	vadd.f32 $1.000000000e+00, v19  }
0x1e3: {  	v31 =	vsub.f32 $0.0e+00, v31;
	v18 =	vbroadcast v18, $0x0;
	v27 =	vsub.f32 $2.000000000e+00, v27  }
0x1e4: {  	v61 =	vsub.s32 $0x7EF311C3, v16;
	v24 =	vsub.f32 $0.0e+00, v24;
	v30 =	vsub.s32 $0x7EF311C3, v19  }
0x1e5: {  	v60 =	vmul.f32 v30, v19;
	v26 =	vmul.f32 v26, v27;
	v27 =	vsub.s32 $0x7EF311C3, v20  }
0x1e6: {  	v35 =	vmul.f32 v61, v16;
	v29 =	vsub.f32 $0.0e+00, v29;
	v33 =	vmul.f32 v27, v20  }
0x1e7: {  	v31 =	vmul.f32 $1.442695020e+00, v31;
	v22 =	vsub.f32 $2.000000000e+00, v60;
	v34 =	vmul.f32 v26, v23  }
0x1e8: {  	v62 =	vmul.f32 $1.442695020e+00, v24;
	v29 =	vmul.f32 $1.442695020e+00, v29;
	v33 =	vsub.f32 $2.000000000e+00, v33  }
0x1e9: {  	v30 =	vmul.f32 v30, v22;
	v22 =	vbroadcast v15, $0x0;
	v34 =	vsub.f32 $2.000000000e+00, v34  }
0x1ea: {  	v15 =	vand.u32 $0x7F, v28;
	(erf) = vpow2.f32 v29;
	v27 =	vmul.f32 v27, v33  }
0x1eb: {  	v28 =	vsub.f32 $2.000000000e+00, v35;
	(erf) = vpow2.f32 v31;
	v36 =	vmul.f32 v30, v19  }
0x1ec: {  	v24 =	vmul.f32 v34, v26;
	v29 =	vmul.f32 v27, v20  }
0x1ed: {  	v17 =	vor.u32 v1, v17;
	v26 =	vmul.f32 v61, v28;
	(erf) = vpow2.f32 v25  }
0x1ee: {  	v63 =	vsub.f32 $2.000000000e+00, v36;
	v25 =	vsub.f32 $2.000000000e+00, v29;
	v29 =	vmul.f32 v24, v23  }
0x1ef: {  	v21 =	vor.u32 v1, v21;
	(erf) = vpow2.f32 v62;
	v28 =	vmul.f32 v26, v16  }
0x1f0: {  	s24 =	simm.s32 $0x8;
	v23 =	vmul.f32 v63, v30;
	v25 =	vmul.f32 v25, v27;
	v27 =	vsub.f32 $2.000000000e+00, v29  }
.LBB2_7:
0x1f1: {  	s25 =	sadd.s32 $0x34, s24;
	s26 =	sadd.s32 $0x35, s24;
	s28 =	sadd.s32 $0x36, s24;
	v29 =	vor.u32 v1, v12;
	v28 =	vsub.f32 $2.000000000e+00, v28;
	v22 =	vor.u32 v1, v22;
	v12 =	vmovc v18  }
0x1f2: {  	s30 =	sadd.s32 $0x37, s24;
	s29 =	sshll.u32 s25, $0xA;
	v18 =	vmov s28;
	s28 =	sshll.u32 s28, $0xA;
	v19 =	vmul.f32 v23, v19;
	v20 =	vmul.f32 v25, v20  }
0x1f3: {  	v30 =	vmov s26;
	s26 =	sshll.u32 s26, $0xA;
	v31 =	vmov s30;
	s29 =	sadd.s32 $0xFFFF3400, s29;
	s28 =	sadd.s32 $0xFFFF3400, s28;
	v26 =	vmul.f32 v28, v26  }
0x1f4: {  	p0 =	slt.u32 s24, $0x1C;
	s30 =	sshll.u32 s24, $0xA;
	s24 =	sadd.s32 $0x4, s24;
	v18 =	vand.u32 $0x7E, v18;
	v28 =	vadd.s32 s29, v11;
	v20 =	vsub.f32 $2.000000000e+00, v20  }
0x1f5: {  	v24 =	vmul.f32 v27, v24;
	v32 =	vadd.s32 s30, v11;
	s26 =	sadd.s32 $0xFFFF3400, s26;
	v33 =	vadd.s32 s28, v11;
	v34 =	vpop (erf)  }
0x1f6: {  	v27 =	vadd.s32 s26, v11;
	v36 =	vsub.f32 $2.000000000e+00, v19;
	v34 =	vadd.f32 $1.000000000e+00, v34;
	v35 =	vpop (erf)  }
0x1f7: {  	v38 =	vand.u32 $0x7D, v30;
	v30 =	vand.u32 $0x7F, v31;
	v16 =	vmul.f32 v26, v16;
	v31 =	vpop (erf);
	[tilespmem:v22+s17+$0x0] =	vst.idx.msk $0xffff, v24  }
0x1f8: {  	v37 =	vbroadcast v38, $0x0;
	v24 =	vmul.f32 v20, v25;
	v22 =	vsub.s32 $0x7EF311C3, v34;
	v19 =	vpop (erf)  }
0x1f9: {  	v16 =	vsub.f32 $2.000000000e+00, v16;
	v25 =	vld.idx.msk [tilespmem:v28+s13+$0x0], $0xffff;
	v19 =	vadd.f32 $1.000000000e+00, v19;
	v28 =	vmul.f32 v22, v34  }
0x1fa: {  	v38 =	vbroadcast v18, $0x0;
	v18 =	vmul.f32 v36, v23;
	v20 =	vadd.f32 $1.000000000e+00, v31;
	v33 =	vld.idx.msk [tilespmem:v33+s13+$0x0], $0xffff;
	[tilespmem:v21+s17+$0x0] =	vst.idx.msk $0xffff, v24  }
0x1fb: {  	v24 =	vmul.f32 v16, v26;
	v21 =	vsub.s32 $0x7EF311C3, v19;
	v23 =	vsub.f32 $2.000000000e+00, v28  }
0x1fc: {  	v26 =	vmov s25;
	v16 =	vadd.f32 $1.000000000e+00, v35;
	v27 =	vld.idx.msk [tilespmem:v27+s13+$0x0], $0xffff;
	v28 =	vmul.f32 v21, v19;
	[tilespmem:v29+s17+$0x0] =	vst.idx.msk $0xffff, v18  }
0x1fd: {  	v18 =	vand.u32 $0x7C, v26;
	v26 =	vsub.s32 $0x7EF311C3, v20;
	v29 =	vld.idx.msk [tilespmem:v32+s13+$0x0], $0xffff;
	v23 =	vmul.f32 v22, v23;
	[tilespmem:v17+s17+$0x0] =	vst.idx.msk $0xffff, v24  }
0x1fe: {  	v18 =	vbroadcast v18, $0x0;
	v17 =	vsub.f32 $2.000000000e+00, v28;
	v28 =	vsub.s32 $0x7EF311C3, v16  }
0x1ff: {  	v22 =	vmul.f32 v26, v20;
	v24 =	vmul.f32 v23, v34  }
0x200: {  	v31 =	vsub.f32 $0.0e+00, v33;
	v32 =	vmul.f32 v21, v17;
	v17 =	vmul.f32 v28, v16  }
0x201: {  	v21 =	vsub.f32 $0.0e+00, v25;
	v25 =	vsub.f32 $2.000000000e+00, v22;
	v22 =	vbroadcast v15, $0x0;
	v15 =	vmovc v30  }
0x202: {  	v27 =	vsub.f32 $0.0e+00, v27;
	v30 =	vmul.f32 $1.442695020e+00, v31;
	v24 =	vsub.f32 $2.000000000e+00, v24  }
0x203: {  	v29 =	vsub.f32 $0.0e+00, v29;
	v21 =	vmul.f32 $1.442695020e+00, v21;
	v31 =	vmul.f32 v32, v19  }
0x204: {  	v17 =	vsub.f32 $2.000000000e+00, v17;
	v25 =	vmul.f32 v26, v25;
	v27 =	vmul.f32 $1.442695020e+00, v27  }
0x205: {  	v24 =	vmul.f32 v24, v23;
	v29 =	vmul.f32 $1.442695020e+00, v29;
	v31 =	vsub.f32 $2.000000000e+00, v31  }
.Ltmp11:
0x206: {  	v23 =	vmul.f32 v25, v20;
	(erf) = vpow2.f32 v30;
	(pc) =	sbr.rel @p0 .LBB2_7-.Ltmp11, $4  }
0x207: {  	v26 =	vmul.f32 v28, v17;
	v17 =	vor.u32 v1, v13;
	v13 =	vmovc v37;
	(erf) = vpow2.f32 v21  }
0x208: {  	v30 =	vmul.f32 v24, v34;
	(erf) = vpow2.f32 v27;
	v27 =	vsub.f32 $2.000000000e+00, v23  }
0x209: {  	v28 =	vmul.f32 v26, v16;
	v21 =	vor.u32 v1, v14;
	v14 =	vmovc v38;
	(erf) = vpow2.f32 v29  }
0x20a: {  	v23 =	vmul.f32 v31, v32;
	v25 =	vmul.f32 v27, v25;
	v27 =	vsub.f32 $2.000000000e+00, v30  }
0x20b: {  	_ =	sdelay $0x3  }
0x20c: {  	v11 =	vpop (erf)  }
0x20d: {  	v29 =	vpop (erf)  }
0x20e: {  	v28 =	vsub.f32 $2.000000000e+00, v28;
	v22 =	vor.u32 v1, v22;
	v11 =	vadd.f32 $1.000000000e+00, v11;
	v30 =	vpop (erf)  }
0x20f: {  	v12 =	vor.u32 v1, v12;
	v15 =	vbroadcast v15, $0x0;
	v30 =	vadd.f32 $1.000000000e+00, v30;
	v32 =	vpop (erf)  }
0x210: {  	v19 =	vmul.f32 v23, v19;
	v31 =	vsub.s32 $0x7EF311C3, v11;
	v32 =	vadd.f32 $1.000000000e+00, v32  }
0x211: {  	v29 =	vadd.f32 $1.000000000e+00, v29;
	v33 =	vmul.f32 v31, v11;
	v34 =	vsub.s32 $0x7EF311C3, v30  }
0x212: {  	v20 =	vmul.f32 v25, v20;
	v35 =	vmul.f32 v34, v30;
	v43 =	vsub.s32 $0x7EF311C3, v32  }
0x213: {  	v46 =	vsub.s32 $0x7EF311C3, v29;
	v42 =	vsub.f32 $2.000000000e+00, v33;
	v45 =	vmul.f32 v43, v32  }
0x214: {  	v26 =	vmul.f32 v28, v26;
	v47 =	vmul.f32 v46, v29;
	v44 =	vsub.f32 $2.000000000e+00, v35  }
0x215: {  	v24 =	vmul.f32 v27, v24;
	v28 =	vmul.f32 v31, v42;
	v35 =	vsub.f32 $2.000000000e+00, v45  }
0x216: {  	v16 =	vmul.f32 v26, v16;
	v33 =	vmul.f32 v34, v44;
	v34 =	vsub.f32 $2.000000000e+00, v47  }
0x217: {  	v20 =	vsub.f32 $2.000000000e+00, v20;
	v48 =	vmul.f32 v28, v11;
	v27 =	vmul.f32 v43, v35  }
0x218: {  	v19 =	vsub.f32 $2.000000000e+00, v19;
	v49 =	vmul.f32 v33, v30;
	v50 =	vmul.f32 v46, v34  }
0x219: {  	v20 =	vmul.f32 v20, v25;
	v25 =	vsub.f32 $2.000000000e+00, v48;
	v51 =	vmul.f32 v27, v32  }
0x21a: {  	v16 =	vsub.f32 $2.000000000e+00, v16;
	v52 =	vsub.f32 $2.000000000e+00, v49;
	v53 =	vmul.f32 v50, v29  }
0x21b: {  	v19 =	vmul.f32 v19, v23;
	v25 =	vmul.f32 v25, v28;
	v31 =	vsub.f32 $2.000000000e+00, v51  }
0x21c: {  	v16 =	vmul.f32 v16, v26;
	v54 =	vmul.f32 v52, v33;
	v26 =	vsub.f32 $2.000000000e+00, v53  }
0x21d: {  	v11 =	vmul.f32 v25, v11;
	v27 =	vmul.f32 v31, v27  }
0x21e: {  	v15 =	vor.u32 v1, v15;
	v23 =	vmul.f32 v26, v50;
	v55 =	vmul.f32 v54, v30  }
0x21f: {  	v14 =	vor.u32 v1, v14;
	[tilespmem:v22+s17+$0x0] =	vst.idx.msk $0xffff, v24;
	v11 =	vsub.f32 $2.000000000e+00, v11;
	v56 =	vmul.f32 v27, v32  }
0x220: {  	v18 =	vor.u32 v1, v18;
	[tilespmem:v21+s17+$0x0] =	vst.idx.msk $0xffff, v20;
	v57 =	vsub.f32 $2.000000000e+00, v55;
	v58 =	vmul.f32 v23, v29  }
0x221: {  	v59 =	vor.u32 v1, v13;
	[tilespmem:v12+s17+$0x0] =	vst.idx.msk $0xffff, v19;
	v11 =	vmul.f32 v11, v25;
	v60 =	vsub.f32 $2.000000000e+00, v56  }
0x222: {  	s23 =	sadd.s32 s21, s23;
	[tilespmem:v17+s17+$0x0] =	vst.idx.msk $0xffff, v16;
	v61 =	vmul.f32 v57, v54;
	v62 =	vsub.f32 $2.000000000e+00, v58  }
.Ltmp12:
0x223: {  	s23 =	sshll.u32 s23, $0x7;
	[tilespmem:v15+s17+$0x0] =	vst.idx.msk $0xffff, v11;
	v11 =	vmul.f32 v60, v27;
	(pc) =	sbr.rel .LBB2_14-.Ltmp12, $4  }
0x224: {  	s23 =	sadd.s32 s22, s23;
	[tilespmem:v14+s17+$0x0] =	vst.idx.msk $0xffff, v61;
	v63 =	vmul.f32 v62, v23  }
0x225: {  	s23 =	sshrl.u32 s23, $0x3;
	[tilespmem:v18+s17+$0x0] =	vst.idx.msk $0xffff, v11  }
0x226: {  	s23 =	sadd.s32 s5, s23;
	[tilespmem:v59+s17+$0x0] =	vst.idx.msk $0xffff, v63  }
0x227: {  	[hbm4b:s23+s2] =	stream.linear.scatter [tilespmem:s17], [sflag:$0x2], $0x800, $0x38;
	[tilespmem:$0x17480] =	vst v63  }
.LBB2_16:
.Ltmp13:
0x228: {  	(pc) =	sbr.rel .LBB2_17-.Ltmp13, $2  }
0x229: {  	_ =	sdelay $0x2  }
0x22a: {  	s19 =	simm.s32 $0x0;
	p1 =	por $0x1, $0x1  }
.LBB2_35:
0x22b: {  	_ =	swait.ge [sflag:s16], $0x800  }
0x22c: {  	[sflag:s16] =	ssyncset.done $0x0  }
0x22d: {  	[sflag:s16] =	ssyncadd.s32 $0xFFFFF800  }
0x22e: {  	_ =	swait.ge [sflag:s15], $0x800  }
0x22f: {  	[sflag:s15] =	ssyncset.done $0x0  }
0x230: {  	[sflag:s15] =	ssyncadd.s32 $0xFFFFF800  }
.LBB2_36:
.Ltmp14:
0x231: {  	(pc) =	sbr.rel @!p0 .LBB2_37-.Ltmp14, $2  }
0x232: {  	_ =	sdelay $0x2  }
0x233: {  	s19 =	simm.s32 $0x20;
	p1 =	por $0x0, $0x0  }
.LBB2_17:
0x234: {  	s19 =	sor.u32 s6, s19  }
0x235: {  	p2 =	sgt.u32 s19, $0x2F  }
.Ltmp15:
0x236: {  	_ = 	snop;
	(pc) =	sbr.rel @p2 .LBB2_36-.Ltmp15, $2  }
0x237: {  	_ =	sdelay $0x2  }
0x238: {  	p0 =	por p1, p1  }
0x239: {  	s20 =	smul.u32 $0xAB, s19;
	_ =	sdelay $0x1  }
0x23a: {  	s20 =	sshrl.u32 s20, $0x9  }
0x23b: {  	s20 =	sand.u32 $0x7F, s20  }
0x23c: {  	s21 =	smul.u32 $0xFFFFFFFD, s20;
	_ =	sdelay $0x1  }
0x23d: {  	s19 =	sadd.s32 s19, s21;
	s21 =	smul.u32 $0x1D3400, s20  }
0x23e: {  	s22 =	smul.u32 $0x9BC00, s19;
	_ =	sdelay $0x1  }
0x23f: {  	s23 =	sadd.s32 s22, s21  }
0x240: {  	s23 =	sadd.s32 $0x1800, s23  }
0x241: {  	s23 =	sshrl.u32 s23, $0x3  }
0x242: {  	s24 =	simm.s32 $0x0;
	s23 =	sadd.s32 s4, s23  }
0x243: {  	v7 =	vld [tilespmem:$0x17400];
	s25 =	simm.s32 $0x380;
	s26 =	simm.s32 $0x400;
	s28 =	sadd.s32 $0x0, s23  }
.LBB2_19:
0x244: {  	[tilespmem:s24], [sflag:$0x1] =	stream.linear.gather [hbm4b:s28+s2], $0x200, $0x38;
	[tilespmem:$0x17480] =	vst v63  }
0x245: {  	s28 =	smov.u32 s25;
	s24 =	smov.u32 s26;
	p1 =	sne.s32 s25, $0xC080  }
.Ltmp16:
0x246: {  	s25 =	sadd.s32 $0x380, s25;
	(pc) =	sbr.rel @p1 .LBB2_19-.Ltmp16, $2  }
0x247: {  	_ =	sdelay $0x2  }
0x248: {  	s26 =	sadd.s32 $0x400, s26;
	s28 =	sadd.s32 s28, s23  }
0x249: {  	[tilespmem:s24], [sflag:$0x1] =	stream.linear.gather [hbm4b:s28+s2], $0x200, $0x38;
	[tilespmem:$0x17480] =	vst v63  }
0x24a: {  	s21 =	sadd.s32 s21, s22  }
0x24b: {  	s21 =	sadd.s32 $0x63800, s21  }
0x24c: {  	s21 =	sshrl.u32 s21, $0x3  }
0x24d: {  	s22 =	simm.s32 $0xE000;
	s21 =	sadd.s32 s4, s21  }
0x24e: {  	s23 =	simm.s32 $0x380;
	s24 =	simm.s32 $0xE400;
	s25 =	sadd.s32 $0x0, s21  }
.LBB2_21:
0x24f: {  	[tilespmem:s22], [sflag:$0x1] =	stream.linear.gather [hbm4b:s25+s2], $0x200, $0x38;
	[tilespmem:$0x17480] =	vst v63  }
0x250: {  	s25 =	smov.u32 s23;
	s22 =	smov.u32 s24;
	p1 =	sne.s32 s23, $0x7000  }
.Ltmp17:
0x251: {  	s23 =	sadd.s32 $0x380, s23;
	(pc) =	sbr.rel @p1 .LBB2_21-.Ltmp17, $2  }
0x252: {  	_ =	sdelay $0x2  }
0x253: {  	s24 =	sadd.s32 $0x400, s24;
	s25 =	sadd.s32 s25, s21  }
0x254: {  	[tilespmem:s22], [sflag:$0x1] =	stream.linear.gather [hbm4b:s25+s2], $0x200, $0x38;
	[tilespmem:$0x17480] =	vst v63  }
0x255: {  	p1 =	seq.s32 s19, $0x1  }
0x256: {  	s21 =	simm.f32 $1.560000000e+02;
	s31 =	smul.u32 $0xA90, s19;
	_ =	swait.ge [sflag:s10], $0x7000  }
.Ltmp18:
0x257: {  	p2 =	seq.s32 s19, $0x0;
	[sflag:s10] =	ssyncset.done $0x0;
	(pc) =	sbr.rel .LBB2_23-.Ltmp18, $4  }
0x258: {  	s22 =	simm.f32 $1.980000000e+02;
	s20 =	smul.u32 $0xFD800, s20;
	[sflag:s10] =	ssyncadd.s32 $0xFFFF9000  }
0x259: {  	s21 =	simm.s32 @!p1 $0x43BA8000;
	s22 =	simm.s32 @!p1 $0x43A30000;
	_ =	swait.ge [sflag:s10], $0x4200  }
0x25a: {  	s21 =	simm.s32 @p2 $0x42E80000;
	s22 =	simm.s32 @p2 $0x42B40000;
	[sflag:s10] =	ssyncset.done $0x0  }
0x25b: {  	s19 =	sadd.s32 $0x9C0, s31;
	v8 =	vmov s21;
	v9 =	vmov s22;
	s21 =	simm.s32 $0x0;
	[sflag:s10] =	ssyncadd.s32 $0xFFFFBE00  }
.LBB2_33:
0x25c: {  	v10 =	vpop (erf)  }
0x25d: {  	v28 =	vpop (erf)  }
0x25e: {  	v27 =	vsub.f32 $2.000000000e+00, v27;
	v18 =	vmul.f32 v22, v18;
	v10 =	vadd.f32 $1.000000000e+00, v10;
	v29 =	vpop (erf)  }
0x25f: {  	v19 =	vmul.f32 v24, v19;
	v23 =	vmul.f32 v26, v23;
	v29 =	vadd.f32 $1.000000000e+00, v29;
	v31 =	vpop (erf)  }
0x260: {  	v21 =	vor.u32 v1, v21;
	v30 =	vsub.s32 $0x7EF311C3, v10;
	v31 =	vadd.f32 $1.000000000e+00, v31  }
0x261: {  	v28 =	vadd.f32 $1.000000000e+00, v28;
	v32 =	vmul.f32 v30, v10;
	v33 =	vsub.s32 $0x7EF311C3, v29  }
0x262: {  	v11 =	vor.u32 v1, v11;
	v34 =	vmul.f32 v33, v29;
	v44 =	vsub.s32 $0x7EF311C3, v31  }
0x263: {  	v47 =	vsub.s32 $0x7EF311C3, v28;
	v43 =	vsub.f32 $2.000000000e+00, v32;
	v46 =	vmul.f32 v44, v31  }
0x264: {  	v25 =	vmul.f32 v27, v25;
	v48 =	vmul.f32 v47, v28;
	v45 =	vsub.f32 $2.000000000e+00, v34  }
0x265: {  	v14 =	vbroadcast v14, $0x0;
	v27 =	vmul.f32 v30, v43;
	v34 =	vsub.f32 $2.000000000e+00, v46  }
0x266: {  	v15 =	vmul.f32 v25, v15;
	v32 =	vmul.f32 v33, v45;
	v33 =	vsub.f32 $2.000000000e+00, v48  }
0x267: {  	v19 =	vsub.f32 $2.000000000e+00, v19;
	v49 =	vmul.f32 v27, v10;
	v26 =	vmul.f32 v44, v34  }
0x268: {  	v18 =	vsub.f32 $2.000000000e+00, v18;
	v50 =	vmul.f32 v32, v29;
	v51 =	vmul.f32 v47, v33  }
0x269: {  	v19 =	vmul.f32 v19, v24;
	v24 =	vsub.f32 $2.000000000e+00, v49;
	v52 =	vmul.f32 v26, v31  }
0x26a: {  	v15 =	vsub.f32 $2.000000000e+00, v15;
	v53 =	vsub.f32 $2.000000000e+00, v50;
	v54 =	vmul.f32 v51, v28  }
0x26b: {  	v18 =	vmul.f32 v18, v22;
	v24 =	vmul.f32 v24, v27;
	v30 =	vsub.f32 $2.000000000e+00, v52  }
0x26c: {  	v15 =	vmul.f32 v15, v25;
	v55 =	vmul.f32 v53, v32;
	v25 =	vsub.f32 $2.000000000e+00, v54  }
0x26d: {  	v10 =	vmul.f32 v24, v10;
	v26 =	vmul.f32 v30, v26  }
0x26e: {  	v14 =	vor.u32 v1, v14;
	v22 =	vmul.f32 v25, v51;
	v56 =	vmul.f32 v55, v29  }
0x26f: {  	v13 =	vor.u32 v1, v13;
	[tilespmem:v21+s14+$0x0] =	vst.idx.msk $0xffff, v23;
	v10 =	vsub.f32 $2.000000000e+00, v10;
	v57 =	vmul.f32 v26, v31  }
0x270: {  	v17 =	vor.u32 v1, v17;
	[tilespmem:v20+s14+$0x0] =	vst.idx.msk $0xffff, v19;
	v58 =	vsub.f32 $2.000000000e+00, v56;
	v59 =	vmul.f32 v22, v28  }
0x271: {  	[tilespmem:v11+s14+$0x0] =	vst.idx.msk $0xffff, v18;
	v11 =	vor.u32 v1, v12;
	v10 =	vmul.f32 v10, v24;
	v60 =	vsub.f32 $2.000000000e+00, v57  }
0x272: {  	s22 =	sadd.s32 s19, s22;
	[tilespmem:v16+s14+$0x0] =	vst.idx.msk $0xffff, v15;
	v61 =	vmul.f32 v58, v55;
	v62 =	vsub.f32 $2.000000000e+00, v59  }
0x273: {  	s22 =	sshll.u32 s22, $0x7;
	[tilespmem:v14+s14+$0x0] =	vst.idx.msk $0xffff, v10;
	v10 =	vmul.f32 v60, v26  }
0x274: {  	s22 =	sadd.s32 s20, s22;
	[tilespmem:v13+s14+$0x0] =	vst.idx.msk $0xffff, v61;
	v63 =	vmul.f32 v62, v22  }
0x275: {  	s22 =	sshrl.u32 s22, $0x3;
	[tilespmem:v17+s14+$0x0] =	vst.idx.msk $0xffff, v10  }
0x276: {  	s22 =	sadd.s32 s5, s22;
	[tilespmem:v11+s14+$0x0] =	vst.idx.msk $0xffff, v63  }
0x277: {  	[hbm4b:s22+s2] =	stream.linear.scatter [tilespmem:s14], [sflag:$0x3], $0x800, $0x38;
	[tilespmem:$0x17480] =	vst v63  }
.LBB2_34:
0x278: {  	s21 =	sadd.s32 $0x1, s21  }
0x279: {  	p1 =	sne.s32 s21, $0xD  }
.Ltmp19:
0x27a: {  	_ = 	snop;
	(pc) =	sbr.rel @!p1 .LBB2_35-.Ltmp19, $1  }
0x27b: {  	_ =	sdelay $0x3  }
.LBB2_23:
0x27c: {  	s22 =	sand.u32 $0x1, s21  }
0x27d: {  	p1 =	seq.s32 s22, $0x1  }
.Ltmp20:
0x27e: {  	_ = 	snop;
	(pc) =	sbr.rel @!p1 .LBB2_24-.Ltmp20, $1  }
0x27f: {  	_ =	sdelay $0x3  }
0x280: {  	s22 =	sshll.u32 s21, $0x4  }
0x281: {  	v10 =	vor.u32 s22, v0  }
0x282: {  	v11 =	vmulhi.u32 $0x4EC4EC4F, v10;
	_ =	sdelay $0x1  }
0x283: {  	v11 =	vshrl.u32 v11, $0x4  }
0x284: {  	v12 =	vmul.u32 $0xFFFFFFCC, v11;
	_ =	sdelay $0x1  }
0x285: {  	v12 =	vadd.s32 v10, v12  }
0x286: {  	v13 =	vshll.u32 v11, $0x7;
	v10 =	vand.u32 $0xFFFFFF80, v12  }
0x287: {  	v14 =	vand.u32 $0x7F, v12;
	v10 =	vadd.s32 v13, v10  }
0x288: {  	p1 =	slt.u32 s21, $0x3;
	v10 =	vor.u32 v14, v10  }
0x289: {  	s23 =	simm.s32 @!p1 $0x3;
	v13 =	vadd.s32 $0x400, v10  }
0x28a: {  	_ =	swait.ge @!p1 [sflag:s23], $0x800  }
0x28b: {  	[sflag:s23] =	ssyncset.done @!p1 $0x0  }
0x28c: {  	[sflag:s23] =	ssyncadd.s32 @!p1 $0xFFFFF800  }
0x28d: {  	v14 =	vld.idx.msk [tilespmem:v10+s2+$0x0], $0xffff  }
0x28e: {  	v13 =	vld.idx.msk [tilespmem:v13+s2+$0x0], $0xffff;
	_ =	sdelay $0x2  }
0x28f: {  	v16 =	vadd.s32 $0x8000, v10  }
0x290: {  	v15 =	vadd.s32 $0x800, v10;
	v14 =	vsub.f32 $0.0e+00, v14  }
0x291: {  	v17 =	vadd.s32 $0xC00, v10;
	v13 =	vsub.f32 $0.0e+00, v13  }
0x292: {  	v14 =	vmul.f32 $1.442695020e+00, v14  }
0x293: {  	v13 =	vmul.f32 $1.442695020e+00, v13  }
0x294: {  	(erf) = vpow2.f32 v14;
	v14 =	vld.idx.msk [tilespmem:v16+s13+$0x0], $0xffff  }
0x295: {  	v15 =	vld.idx.msk [tilespmem:v15+s2+$0x0], $0xffff;
	(erf) = vpow2.f32 v13  }
0x296: {  	v16 =	vld.idx.msk [tilespmem:v17+s2+$0x0], $0xffff;
	_ =	sdelay $0x2  }
0x297: {  	v14 =	vsub.f32 $0.0e+00, v14  }
0x298: {  	v13 =	vmul.f32 $1.442695020e+00, v15  }
0x299: {  	v15 =	vmul.f32 $1.442695020e+00, v16  }
0x29a: {  	(erf) = vpow2.f32 v13;
	v13 =	vmul.f32 $1.442695020e+00, v14  }
0x29b: {  	(erf) = vpow2.f32 v15;
	v14 =	vpop (erf)  }
0x29c: {  	(erf) = vpow2.f32 v13;
	v13 =	vadd.f32 $1.000000000e+00, v14;
	v14 =	vpop (erf)  }
0x29d: {  	v14 =	vadd.f32 $1.000000000e+00, v14;
	_ =	sdelay $0x1  }
0x29e: {  	v15 =	vsub.s32 $0x7EF311C3, v13;
	v17 =	vsub.s32 $0x7EF311C3, v14  }
0x29f: {  	v16 =	vmul.f32 v15, v13;
	v18 =	vmul.f32 v17, v14;
	_ =	sdelay $0x1  }
0x2a0: {  	v16 =	vsub.f32 $2.000000000e+00, v16  }
0x2a1: {  	v19 =	vpop (erf)  }
0x2a2: {  	v15 =	vmul.f32 v15, v16;
	v16 =	vsub.f32 $2.000000000e+00, v18;
	v18 =	vpop (erf)  }
0x2a3: {  	v20 =	vpop (erf)  }
0x2a4: {  	v21 =	vmul.f32 v15, v13;
	v16 =	vmul.f32 v17, v16;
	v17 =	vadd.f32 $1.000000000e+00, v20;
	_ =	sdelay $0x1  }
0x2a5: {  	v20 =	vsub.f32 $2.000000000e+00, v21;
	v51 =	vmul.f32 v16, v14;
	v22 =	vsub.s32 $0x7EF311C3, v17  }
0x2a6: {  	v23 =	vmul.f32 v22, v17  }
0x2a7: {  	v15 =	vmul.f32 v20, v15;
	v20 =	vsub.f32 $2.000000000e+00, v51  }
0x2a8: {  	v52 =	vsub.f32 $2.000000000e+00, v23  }
0x2a9: {  	v16 =	vmul.f32 v20, v16  }
0x2aa: {  	v13 =	vmul.f32 v15, v13;
	v20 =	vmul.f32 v22, v52  }
0x2ab: {  	v14 =	vmul.f32 v16, v14  }
0x2ac: {  	v13 =	vsub.f32 $2.000000000e+00, v13;
	v21 =	vmul.f32 v20, v17  }
0x2ad: {  	v11 =	vor.u32 $0x30, v11;
	v14 =	vsub.f32 $2.000000000e+00, v14  }
0x2ae: {  	v12 =	vcvt.s32.f32 v12;
	v13 =	vmul.f32 v13, v15;
	v15 =	vsub.f32 $2.000000000e+00, v21  }
0x2af: {  	v11 =	vcvt.s32.f32 v11;
	v14 =	vmul.f32 v14, v16  }
0x2b0: {  	v12 =	vadd.f32 v12, v13;
	v15 =	vmul.f32 v15, v20  }
0x2b1: {  	v11 =	vadd.f32 v11, v14  }
0x2b2: {  	v12 =	vmul.f32 v12, v7;
	v13 =	vmul.f32 v15, v17  }
0x2b3: {  	s28 =	simm.s32 $0x2C00;
	v11 =	vmul.f32 v11, v7  }
0x2b4: {  	v14 =	vadd.s32 s28, v10;
	[tilespmem:v1+s14+$0x0] =	vst.idx.msk $0xffff, v12;
	v12 =	vmul.f32 v19, v8;
	v13 =	vsub.f32 $2.000000000e+00, v13  }
0x2b5: {  	s29 =	simm.s32 $0x2000;
	[tilespmem:v2+s14+$0x0] =	vst.idx.msk $0xffff, v11;
	v11 =	vmul.f32 v18, v9  }
0x2b6: {  	s30 =	simm.s32 $0x2400;
	[tilespmem:v3+s14+$0x0] =	vst.idx.msk $0xffff, v12;
	v12 =	vadd.s32 s29, v10;
	v13 =	vmul.f32 v13, v15  }
0x2b7: {  	[tilespmem:v4+s14+$0x0] =	vst.idx.msk $0xffff, v11;
	v11 =	vadd.s32 s30, v10  }
0x2b8: {  	s23 =	simm.s32 $0x0;
	[tilespmem:v5+s14+$0x0] =	vst.idx.msk $0xffff, v13  }
0x2b9: {  	v14 =	vld.idx.msk [tilespmem:v14+s23+$0x0], $0xffff;
	_ =	sdelay $0x1  }
0x2ba: {  	s24 =	simm.s32 $0x2800;
	v12 =	vld.idx.msk [tilespmem:v12+s23+$0x0], $0xffff  }
0x2bb: {  	v13 =	vadd.s32 s24, v10;
	v11 =	vld.idx.msk [tilespmem:v11+s23+$0x0], $0xffff;
	_ =	sdelay $0x1  }
0x2bc: {  	v14 =	vsub.f32 $0.0e+00, v14;
	_ =	sdelay $0x1  }
0x2bd: {  	v12 =	vsub.f32 $0.0e+00, v12;
	v14 =	vmul.f32 $1.442695020e+00, v14  }
0x2be: {  	v13 =	vld.idx.msk [tilespmem:v13+s23+$0x0], $0xffff;
	v11 =	vsub.f32 $0.0e+00, v11  }
0x2bf: {  	v12 =	vmul.f32 $1.442695020e+00, v12;
	(erf) = vpow2.f32 v14  }
0x2c0: {  	v11 =	vmul.f32 $1.442695020e+00, v11  }
0x2c1: {  	(erf) = vpow2.f32 v12  }
0x2c2: {  	s25 =	simm.s32 $0x3C00;
	(erf) = vpow2.f32 v11  }
0x2c3: {  	s26 =	simm.s32 $0x3800;
	v13 =	vsub.f32 $0.0e+00, v13;
	v14 =	vadd.s32 s25, v10  }
0x2c4: {  	v19 =	vadd.s32 s26, v10;
	s25 =	simm.s32 $0x3400  }
0x2c5: {  	v18 =	vadd.s32 s25, v10;
	v13 =	vmul.f32 $1.442695020e+00, v13;
	_ =	sdelay $0x1  }
0x2c6: {  	s31 =	simm.s32 $0x3000;
	(erf) = vpow2.f32 v13  }
0x2c7: {  	v13 =	vadd.s32 s31, v10;
	v14 =	vld.idx.msk [tilespmem:v14+s23+$0x0], $0xffff;
	v11 =	vpop (erf)  }
0x2c8: {  	v19 =	vld.idx.msk [tilespmem:v19+s23+$0x0], $0xffff;
	v12 =	vadd.f32 $1.000000000e+00, v11  }
0x2c9: {  	v18 =	vld.idx.msk [tilespmem:v18+s23+$0x0], $0xffff;
	v11 =	vpop (erf)  }
0x2ca: {  	v15 =	vpop (erf);
	v16 =	vsub.s32 $0x7EF311C3, v12  }
0x2cb: {  	s28 =	simm.s32 $0x4;
	s29 =	simm.s32 $0x5;
	v20 =	vadd.f32 $1.000000000e+00, v15;
	v15 =	vmul.f32 v16, v12  }
0x2cc: {  	v57 =	vmov s28;
	v59 =	vmov s29;
	s30 =	simm.s32 $0x6;
	v13 =	vld.idx.msk [tilespmem:v13+s23+$0x0], $0xffff;
	v14 =	vsub.f32 $0.0e+00, v14  }
0x2cd: {  	v60 =	vmov s30;
	s31 =	simm.s32 $0x7;
	v17 =	vadd.f32 $1.000000000e+00, v11;
	v15 =	vsub.f32 $2.000000000e+00, v15  }
0x2ce: {  	v19 =	vsub.f32 $0.0e+00, v19;
	v28 =	vmov s31;
	v18 =	vsub.f32 $0.0e+00, v18  }
0x2cf: {  	v14 =	vmul.f32 $1.442695020e+00, v14;
	v11 =	vpop (erf);
	v53 =	vsub.s32 $0x7EF311C3, v17;
	v15 =	vmul.f32 v16, v15  }
0x2d0: {  	v18 =	vmul.f32 $1.442695020e+00, v18;
	v11 =	vadd.f32 $1.000000000e+00, v11;
	v24 =	vmul.f32 v53, v17  }
0x2d1: {  	v54 =	vsub.s32 $0x7EF311C3, v20;
	v13 =	vsub.f32 $0.0e+00, v13;
	v27 =	vmul.f32 v15, v12  }
0x2d2: {  	(erf) = vpow2.f32 v14;
	v25 =	vmul.f32 v54, v20;
	v16 =	vsub.f32 $2.000000000e+00, v24  }
0x2d3: {  	v55 =	vsub.s32 $0x7EF311C3, v11;
	v13 =	vmul.f32 $1.442695020e+00, v13;
	v61 =	vsub.f32 $2.000000000e+00, v27  }
0x2d4: {  	v63 =	vand.u32 $0x7F, v28;
	v26 =	vmul.f32 v55, v11;
	v16 =	vmul.f32 v53, v16  }
0x2d5: {  	v14 =	vmul.f32 $1.442695020e+00, v19;
	v56 =	vsub.f32 $2.000000000e+00, v25;
	v15 =	vmul.f32 v61, v15  }
0x2d6: {  	(erf) = vpow2.f32 v13;
	v26 =	vsub.f32 $2.000000000e+00, v26;
	v62 =	vmul.f32 v16, v17  }
0x2d7: {  	v19 =	vand.u32 $0x7C, v57;
	v58 =	vmul.f32 v54, v56;
	v12 =	vmul.f32 v15, v12  }
0x2d8: {  	v23 =	vmul.f32 v55, v26;
	v26 =	vbroadcast v63, $0x0;
	v13 =	vsub.f32 $2.000000000e+00, v62  }
0x2d9: {  	(erf) = vpow2.f32 v18;
	v18 =	vmul.f32 v58, v20;
	v12 =	vsub.f32 $2.000000000e+00, v12  }
0x2da: {  	(erf) = vpow2.f32 v14;
	v26 =	vor.u32 v1, v26;
	v14 =	vmul.f32 v13, v16  }
0x2db: {  	v13 =	vmul.f32 v23, v11;
	v15 =	vmul.f32 v12, v15;
	v12 =	vsub.f32 $2.000000000e+00, v18  }
0x2dc: {  	v16 =	vbroadcast v19, $0x0;
	v19 =	vand.u32 $0x7E, v60;
	v17 =	vmul.f32 v14, v17  }
0x2dd: {  	v13 =	vsub.f32 $2.000000000e+00, v13;
	v18 =	vand.u32 $0x7D, v59;
	v12 =	vmul.f32 v12, v58  }
0x2de: {  	v19 =	vbroadcast v19, $0x0;
	v18 =	vbroadcast v18, $0x0  }
0x2df: {  	s24 =	simm.s32 $0x0;
	s25 =	simm.s32 $0x4;
	v13 =	vmul.f32 v13, v23;
	[tilespmem:v26+s14+$0x0] =	vst.idx.msk $0xffff, v15;
	v15 =	vsub.f32 $2.000000000e+00, v17;
	v17 =	vmul.f32 v12, v20  }
.LBB2_30:
0x2e0: {  	s28 =	sshll.u32 s25, $0xA;
	v20 =	vpop (erf);
	v16 =	vor.u32 v1, v16;
	v18 =	vor.u32 v1, v18;
	v19 =	vor.u32 v1, v19;
	s26 =	smov.u32 s25;
	s25 =	sadd.s32 $0x4, s25  }
0x2e1: {  	s29 =	sadd.s32 $0x3000, s28;
	s30 =	sadd.s32 $0x3C00, s28;
	p1 =	slt.u32 s25, $0x2C;
	v20 =	vadd.f32 $1.000000000e+00, v20;
	v21 =	vpop (erf);
	v17 =	vsub.f32 $2.000000000e+00, v17;
	v22 =	vmul.f32 v13, v11  }
0x2e2: {  	v23 =	vadd.s32 s29, v10;
	s29 =	sadd.s32 $0x3400, s28;
	s28 =	sadd.s32 $0x3800, s28;
	v24 =	vadd.s32 s30, v10;
	v21 =	vadd.f32 $1.000000000e+00, v21;
	v11 =	vpop (erf)  }
0x2e3: {  	v25 =	vadd.s32 s29, v10;
	v26 =	vadd.s32 s28, v10;
	v27 =	vsub.s32 $0x7EF311C3, v20;
	v28 =	vpop (erf)  }
0x2e4: {  	v29 =	vadd.f32 $1.000000000e+00, v11;
	v11 =	vadd.f32 $1.000000000e+00, v28;
	v28 =	vmul.f32 v27, v20  }
0x2e5: {  	v14 =	vmul.f32 v15, v14;
	v15 =	vsub.f32 $2.000000000e+00, v22;
	v30 =	vsub.s32 $0x7EF311C3, v21  }
0x2e6: {  	v22 =	vsub.s32 $0x7EF311C3, v29;
	v31 =	vsub.s32 $0x7EF311C3, v11;
	v28 =	vsub.f32 $2.000000000e+00, v28  }
0x2e7: {  	s28 =	sadd.s32 $0x8, s24;
	v32 =	vmul.f32 v30, v21;
	v33 =	vmul.f32 v22, v29;
	v24 =	vld.idx.msk [tilespmem:v24+s23+$0x0], $0xffff;
	[tilespmem:v16+s14+$0x0] =	vst.idx.msk $0xffff, v14  }
0x2e8: {  	v16 =	vmov s28;
	v14 =	vld.idx.msk [tilespmem:v23+s23+$0x0], $0xffff;
	v23 =	vmul.f32 v31, v11;
	v27 =	vmul.f32 v27, v28  }
0x2e9: {  	v12 =	vmul.f32 v17, v12;
	v28 =	vsub.f32 $2.000000000e+00, v32;
	v32 =	vsub.f32 $2.000000000e+00, v33;
	v25 =	vld.idx.msk [tilespmem:v25+s23+$0x0], $0xffff  }
0x2ea: {  	v13 =	vmul.f32 v15, v13;
	s28 =	sadd.s32 $0x9, s24;
	v17 =	vld.idx.msk [tilespmem:v26+s23+$0x0], $0xffff;
	v23 =	vsub.f32 $2.000000000e+00, v23;
	v26 =	vmul.f32 v27, v20  }
0x2eb: {  	v15 =	vmul.f32 v30, v28;
	v22 =	vmul.f32 v22, v32;
	v28 =	vmov s28;
	s28 =	sadd.s32 $0xA, s24;
	[tilespmem:v18+s14+$0x0] =	vst.idx.msk $0xffff, v12  }
0x2ec: {  	v12 =	vmov s28;
	s28 =	sadd.s32 $0xB, s24;
	s24 =	smov.u32 s26;
	v23 =	vmul.f32 v31, v23;
	v18 =	vsub.f32 $2.000000000e+00, v26;
	[tilespmem:v19+s14+$0x0] =	vst.idx.msk $0xffff, v13  }
0x2ed: {  	v13 =	vsub.f32 $0.0e+00, v24;
	v19 =	vmul.f32 v15, v21;
	v24 =	vmov s28  }
0x2ee: {  	v14 =	vsub.f32 $0.0e+00, v14;
	v24 =	vand.u32 $0x7F, v24;
	v18 =	vmul.f32 v18, v27  }
0x2ef: {  	v25 =	vsub.f32 $0.0e+00, v25;
	v13 =	vmul.f32 $1.442695020e+00, v13;
	v24 =	vbroadcast v24, $0x0  }
0x2f0: {  	v14 =	vmul.f32 $1.442695020e+00, v14;
	v17 =	vsub.f32 $0.0e+00, v17;
	v20 =	vmul.f32 v18, v20  }
0x2f1: {  	v25 =	vmul.f32 $1.442695020e+00, v25;
	(erf) = vpow2.f32 v13;
	v13 =	vor.u32 v1, v24  }
0x2f2: {  	v17 =	vmul.f32 $1.442695020e+00, v17;
	(erf) = vpow2.f32 v14;
	v14 =	vsub.f32 $2.000000000e+00, v20  }
0x2f3: {  	v19 =	vsub.f32 $2.000000000e+00, v19;
	v20 =	vmul.f32 v22, v29;
	(erf) = vpow2.f32 v25  }
0x2f4: {  	v16 =	vand.u32 $0x7C, v16;
	(erf) = vpow2.f32 v17;
	v17 =	vmul.f32 v14, v18  }
.Ltmp21:
0x2f5: {  	v14 =	vmul.f32 v19, v15;
	v15 =	vsub.f32 $2.000000000e+00, v20;
	v18 =	vmul.f32 v23, v11;
	(pc) =	sbr.rel @p1 .LBB2_30-.Ltmp21, $4  }
0x2f6: {  	v16 =	vbroadcast v16, $0x0;
	v19 =	vand.u32 $0x7D, v28;
	v20 =	vand.u32 $0x7E, v12;
	[tilespmem:v13+s14+$0x0] =	vst.idx.msk $0xffff, v17  }
0x2f7: {  	v13 =	vmul.f32 v14, v21;
	v12 =	vmul.f32 v15, v22;
	v21 =	vsub.f32 $2.000000000e+00, v18  }
0x2f8: {  	v18 =	vbroadcast v19, $0x0;
	v19 =	vbroadcast v20, $0x0  }
0x2f9: {  	v15 =	vsub.f32 $2.000000000e+00, v13;
	v17 =	vmul.f32 v12, v29;
	v13 =	vmul.f32 v21, v23  }
0x2fa: {  	v20 =	vpop (erf)  }
0x2fb: {  	v16 =	vor.u32 v1, v16;
	v20 =	vadd.f32 $1.000000000e+00, v20  }
0x2fc: {  	v18 =	vor.u32 v1, v18;
	v19 =	vor.u32 v1, v19;
	v21 =	vpop (erf);
	v17 =	vsub.f32 $2.000000000e+00, v17  }
0x2fd: {  	v11 =	vmul.f32 v13, v11;
	v22 =	vpop (erf);
	v21 =	vadd.f32 $1.000000000e+00, v21;
	v23 =	vsub.s32 $0x7EF311C3, v20  }
0x2fe: {  	v14 =	vmul.f32 v15, v14;
	v24 =	vpop (erf);
	v22 =	vadd.f32 $1.000000000e+00, v22;
	v25 =	vmul.f32 v23, v20  }
0x2ff: {  	v11 =	vsub.f32 $2.000000000e+00, v11;
	v24 =	vadd.f32 $1.000000000e+00, v24;
	v26 =	vsub.s32 $0x7EF311C3, v21  }
0x300: {  	v27 =	vmul.f32 v26, v21;
	v15 =	vsub.f32 $2.000000000e+00, v25;
	v25 =	vsub.s32 $0x7EF311C3, v22  }
0x301: {  	v12 =	vmul.f32 v17, v12;
	v28 =	vsub.s32 $0x7EF311C3, v24;
	v29 =	vmul.f32 v25, v22  }
0x302: {  	s23 =	sadd.s32 $0x8, s24;
	v11 =	vmul.f32 v11, v13;
	v30 =	vmul.f32 v28, v24;
	v27 =	vsub.f32 $2.000000000e+00, v27  }
0x303: {  	s31 =	sadd.s32 $0xB, s24;
	v15 =	vmul.f32 v23, v15;
	v23 =	vmov s23;
	v29 =	vsub.f32 $2.000000000e+00, v29  }
0x304: {  	v30 =	vsub.f32 $2.000000000e+00, v30;
	v13 =	vmul.f32 v26, v27;
	v26 =	vmov s31  }
0x305: {  	v23 =	vand.u32 $0x7C, v23;
	v17 =	vmul.f32 v15, v20;
	v25 =	vmul.f32 v25, v29  }
0x306: {  	s25 =	sadd.s32 $0x9, s24;
	v26 =	vand.u32 $0x7F, v26;
	v27 =	vmul.f32 v28, v30;
	v28 =	vmul.f32 v13, v21  }
0x307: {  	v23 =	vbroadcast v23, $0x0;
	v29 =	vmov s25;
	v17 =	vsub.f32 $2.000000000e+00, v17  }
0x308: {  	v29 =	vand.u32 $0x7D, v29;
	v28 =	vsub.f32 $2.000000000e+00, v28;
	v57 =	vmul.f32 v25, v22  }
0x309: {  	v23 =	vor.u32 v1, v23;
	v31 =	vmul.f32 v27, v24;
	v15 =	vmul.f32 v17, v15  }
0x30a: {  	s26 =	sadd.s32 $0xA, s24;
	v17 =	vbroadcast v26, $0x0;
	v13 =	vmul.f32 v28, v13;
	v28 =	vsub.f32 $2.000000000e+00, v57  }
0x30b: {  	v26 =	vmov s26;
	v58 =	vsub.f32 $2.000000000e+00, v31;
	v20 =	vmul.f32 v15, v20  }
0x30c: {  	v26 =	vand.u32 $0x7E, v26;
	v21 =	vmul.f32 v13, v21;
	v25 =	vmul.f32 v28, v25  }
0x30d: {  	v17 =	vor.u32 v1, v17;
	v28 =	vbroadcast v29, $0x0;
	v27 =	vmul.f32 v58, v27  }
0x30e: {  	v26 =	vbroadcast v26, $0x0;
	v20 =	vsub.f32 $2.000000000e+00, v20;
	v22 =	vmul.f32 v25, v22  }
0x30f: {  	[tilespmem:v16+s14+$0x0] =	vst.idx.msk $0xffff, v14;
	v14 =	vsub.f32 $2.000000000e+00, v21;
	v16 =	vor.u32 v1, v28;
	v21 =	vmul.f32 v27, v24  }
0x310: {  	s28 =	simm.s32 $0xC00;
	[tilespmem:v18+s14+$0x0] =	vst.idx.msk $0xffff, v12;
	v12 =	vmul.f32 v20, v15;
	v15 =	vor.u32 v1, v26;
	v18 =	vsub.f32 $2.000000000e+00, v22  }
0x311: {  	[tilespmem:v19+s14+$0x0] =	vst.idx.msk $0xffff, v11;
	v11 =	vmul.f32 v14, v13;
	v13 =	vsub.f32 $2.000000000e+00, v21;
	v14 =	vadd.s32 s28, v10  }
0x312: {  	s29 =	simm.s32 $0x400;
	[tilespmem:v17+s14+$0x0] =	vst.idx.msk $0xffff, v12;
	v12 =	vmul.f32 v18, v25  }
0x313: {  	s30 =	simm.s32 $0x800;
	v17 =	vadd.s32 s29, v10;
	[tilespmem:v23+s14+$0x0] =	vst.idx.msk $0xffff, v11;
	v11 =	vmul.f32 v13, v27  }
0x314: {  	s31 =	simm.s32 $0x0;
	v13 =	vadd.s32 s30, v10;
	[tilespmem:v16+s14+$0x0] =	vst.idx.msk $0xffff, v12  }
0x315: {  	v12 =	vadd.s32 s31, v10;
	[tilespmem:v15+s14+$0x0] =	vst.idx.msk $0xffff, v11  }
0x316: {  	v11 =	vld.idx.msk [tilespmem:v14+s13+$0x0], $0xffff;
	_ =	sdelay $0x1  }
0x317: {  	s29 =	simm.s32 $0x1C00;
	v14 =	vld.idx.msk [tilespmem:v17+s13+$0x0], $0xffff  }
0x318: {  	v15 =	vadd.s32 s29, v10;
	s29 =	simm.s32 $0x1800;
	v13 =	vld.idx.msk [tilespmem:v13+s13+$0x0], $0xffff  }
0x319: {  	v24 =	vadd.s32 s29, v10;
	v12 =	vld.idx.msk [tilespmem:v12+s13+$0x0], $0xffff  }
0x31a: {  	v11 =	vsub.f32 $0.0e+00, v11;
	_ =	sdelay $0x1  }
0x31b: {  	v14 =	vsub.f32 $0.0e+00, v14;
	v11 =	vmul.f32 $1.442695020e+00, v11  }
0x31c: {  	v13 =	vsub.f32 $0.0e+00, v13  }
0x31d: {  	v24 =	vld.idx.msk [tilespmem:v24+s13+$0x0], $0xffff;
	v14 =	vmul.f32 $1.442695020e+00, v14;
	v12 =	vsub.f32 $0.0e+00, v12;
	(erf) = vpow2.f32 v11  }
0x31e: {  	v13 =	vmul.f32 $1.442695020e+00, v13  }
0x31f: {  	s26 =	simm.s32 $0x35;
	(erf) = vpow2.f32 v14;
	v11 =	vmul.f32 $1.442695020e+00, v12  }
0x320: {  	s28 =	simm.s32 $0x37;
	(erf) = vpow2.f32 v13;
	v12 =	vmov s26;
	s26 =	simm.s32 $0x1400  }
0x321: {  	v13 =	vmov s28;
	s28 =	simm.s32 $0x1000;
	v19 =	vadd.s32 s26, v10;
	(erf) = vpow2.f32 v11  }
0x322: {  	v24 =	vsub.f32 $0.0e+00, v24;
	v23 =	vadd.s32 s28, v10  }
0x323: {  	s25 =	simm.s32 $0x36;
	v12 =	vand.u32 $0x7D, v12  }
0x324: {  	v14 =	vand.u32 $0x7F, v13;
	v24 =	vmul.f32 $1.442695020e+00, v24;
	v11 =	vmov s25;
	s25 =	simm.s32 $0x34  }
0x325: {  	s30 =	simm.s32 $0x39;
	v16 =	vbroadcast v12, $0x0;
	v11 =	vand.u32 $0x7E, v11;
	v13 =	vmov s25  }
0x326: {  	s31 =	simm.s32 $0x3A;
	v20 =	vbroadcast v11, $0x0;
	v11 =	vand.u32 $0x7C, v13;
	v13 =	vmov s30;
	v59 =	vld.idx.msk [tilespmem:v19+s13+$0x0], $0xffff;
	v12 =	vpop (erf)  }
0x327: {  	s30 =	simm.s32 $0x3B;
	v11 =	vbroadcast v11, $0x0;
	v23 =	vld.idx.msk [tilespmem:v23+s13+$0x0], $0xffff;
	v22 =	vadd.f32 $1.000000000e+00, v12;
	v12 =	vmov s31  }
0x328: {  	v13 =	vand.u32 $0x7D, v13;
	v27 =	vmov s30;
	v17 =	vpop (erf);
	v28 =	vand.u32 $0x7E, v12  }
0x329: {  	v21 =	vpop (erf);
	v12 =	vbroadcast v13, $0x0;
	v25 =	vsub.s32 $0x7EF311C3, v22;
	v13 =	vbroadcast v28, $0x0  }
0x32a: {  	s31 =	simm.s32 $0x38;
	v28 =	vld.idx.msk [tilespmem:v15+s13+$0x0], $0xffff;
	v19 =	vadd.f32 $1.000000000e+00, v21;
	v15 =	vadd.f32 $1.000000000e+00, v17;
	v18 =	vpop (erf);
	v26 =	vmul.f32 v25, v22  }
0x32b: {  	v21 =	vmov s31;
	v30 =	vsub.f32 $0.0e+00, v59;
	v18 =	vadd.f32 $1.000000000e+00, v18  }
0x32c: {  	v17 =	vand.u32 $0x7C, v21;
	v23 =	vsub.f32 $0.0e+00, v23;
	v26 =	vsub.f32 $2.000000000e+00, v26  }
0x32d: {  	v17 =	vbroadcast v17, $0x0;
	v61 =	vsub.s32 $0x7EF311C3, v15;
	v29 =	vsub.s32 $0x7EF311C3, v18  }
0x32e: {  	v60 =	vmul.f32 v29, v18;
	v25 =	vmul.f32 v25, v26;
	v26 =	vsub.s32 $0x7EF311C3, v19  }
0x32f: {  	v34 =	vmul.f32 v61, v15;
	v28 =	vsub.f32 $0.0e+00, v28;
	v32 =	vmul.f32 v26, v19  }
0x330: {  	v30 =	vmul.f32 $1.442695020e+00, v30;
	v21 =	vsub.f32 $2.000000000e+00, v60;
	v33 =	vmul.f32 v25, v22  }
0x331: {  	v62 =	vmul.f32 $1.442695020e+00, v23;
	v28 =	vmul.f32 $1.442695020e+00, v28;
	v32 =	vsub.f32 $2.000000000e+00, v32  }
0x332: {  	v29 =	vmul.f32 v29, v21;
	v21 =	vbroadcast v14, $0x0;
	v33 =	vsub.f32 $2.000000000e+00, v33  }
0x333: {  	v14 =	vand.u32 $0x7F, v27;
	(erf) = vpow2.f32 v28;
	v26 =	vmul.f32 v26, v32  }
0x334: {  	v27 =	vsub.f32 $2.000000000e+00, v34;
	(erf) = vpow2.f32 v30;
	v35 =	vmul.f32 v29, v18  }
0x335: {  	v23 =	vmul.f32 v33, v25;
	v28 =	vmul.f32 v26, v19  }
0x336: {  	v16 =	vor.u32 v1, v16;
	v25 =	vmul.f32 v61, v27;
	(erf) = vpow2.f32 v24  }
0x337: {  	v63 =	vsub.f32 $2.000000000e+00, v35;
	v24 =	vsub.f32 $2.000000000e+00, v28;
	v28 =	vmul.f32 v23, v22  }
0x338: {  	v20 =	vor.u32 v1, v20;
	(erf) = vpow2.f32 v62;
	v27 =	vmul.f32 v25, v15  }
0x339: {  	s23 =	simm.s32 $0x8;
	v22 =	vmul.f32 v63, v29;
	v24 =	vmul.f32 v24, v26;
	v26 =	vsub.f32 $2.000000000e+00, v28  }
.LBB2_32:
0x33a: {  	s24 =	sadd.s32 $0x34, s23;
	s25 =	sadd.s32 $0x35, s23;
	s26 =	sadd.s32 $0x36, s23;
	v28 =	vor.u32 v1, v11;
	v27 =	vsub.f32 $2.000000000e+00, v27;
	v21 =	vor.u32 v1, v21;
	v11 =	vmovc v17  }
0x33b: {  	s29 =	sadd.s32 $0x37, s23;
	v18 =	vmul.f32 v22, v18;
	v19 =	vmul.f32 v24, v19;
	s28 =	sshll.u32 s24, $0xA;
	v17 =	vmov s26;
	s26 =	sshll.u32 s26, $0xA  }
0x33c: {  	v29 =	vmov s25;
	s25 =	sshll.u32 s25, $0xA;
	v30 =	vmov s29;
	s28 =	sadd.s32 $0xFFFF3400, s28;
	s26 =	sadd.s32 $0xFFFF3400, s26;
	v25 =	vmul.f32 v27, v25  }
0x33d: {  	p1 =	slt.u32 s23, $0x1C;
	s29 =	sshll.u32 s23, $0xA;
	s23 =	sadd.s32 $0x4, s23;
	v17 =	vand.u32 $0x7E, v17;
	v19 =	vsub.f32 $2.000000000e+00, v19;
	v27 =	vadd.s32 s28, v10  }
0x33e: {  	v23 =	vmul.f32 v26, v23;
	v31 =	vadd.s32 s29, v10;
	s25 =	sadd.s32 $0xFFFF3400, s25;
	v32 =	vadd.s32 s26, v10;
	v33 =	vpop (erf)  }
0x33f: {  	v35 =	vsub.f32 $2.000000000e+00, v18;
	v26 =	vadd.s32 s25, v10;
	v33 =	vadd.f32 $1.000000000e+00, v33;
	v34 =	vpop (erf)  }
0x340: {  	v37 =	vand.u32 $0x7D, v29;
	v29 =	vand.u32 $0x7F, v30;
	v15 =	vmul.f32 v25, v15;
	v30 =	vpop (erf);
	[tilespmem:v21+s14+$0x0] =	vst.idx.msk $0xffff, v23  }
0x341: {  	v36 =	vbroadcast v37, $0x0;
	v23 =	vmul.f32 v19, v24;
	v21 =	vsub.s32 $0x7EF311C3, v33;
	v18 =	vpop (erf)  }
0x342: {  	v15 =	vsub.f32 $2.000000000e+00, v15;
	v24 =	vld.idx.msk [tilespmem:v27+s13+$0x0], $0xffff;
	v18 =	vadd.f32 $1.000000000e+00, v18;
	v27 =	vmul.f32 v21, v33  }
0x343: {  	v37 =	vbroadcast v17, $0x0;
	v17 =	vmul.f32 v35, v22;
	v19 =	vadd.f32 $1.000000000e+00, v30;
	v32 =	vld.idx.msk [tilespmem:v32+s13+$0x0], $0xffff;
	[tilespmem:v20+s14+$0x0] =	vst.idx.msk $0xffff, v23  }
0x344: {  	v23 =	vmul.f32 v15, v25;
	v20 =	vsub.s32 $0x7EF311C3, v18;
	v22 =	vsub.f32 $2.000000000e+00, v27  }
0x345: {  	v25 =	vmov s24;
	v15 =	vadd.f32 $1.000000000e+00, v34;
	v26 =	vld.idx.msk [tilespmem:v26+s13+$0x0], $0xffff;
	v27 =	vmul.f32 v20, v18;
	[tilespmem:v28+s14+$0x0] =	vst.idx.msk $0xffff, v17  }
0x346: {  	v17 =	vand.u32 $0x7C, v25;
	v25 =	vsub.s32 $0x7EF311C3, v19;
	v28 =	vld.idx.msk [tilespmem:v31+s13+$0x0], $0xffff;
	v22 =	vmul.f32 v21, v22;
	[tilespmem:v16+s14+$0x0] =	vst.idx.msk $0xffff, v23  }
0x347: {  	v17 =	vbroadcast v17, $0x0;
	v16 =	vsub.f32 $2.000000000e+00, v27;
	v27 =	vsub.s32 $0x7EF311C3, v15  }
0x348: {  	v21 =	vmul.f32 v25, v19;
	v23 =	vmul.f32 v22, v33  }
0x349: {  	v30 =	vsub.f32 $0.0e+00, v32;
	v31 =	vmul.f32 v20, v16;
	v16 =	vmul.f32 v27, v15  }
0x34a: {  	v20 =	vsub.f32 $0.0e+00, v24;
	v24 =	vsub.f32 $2.000000000e+00, v21;
	v21 =	vbroadcast v14, $0x0;
	v14 =	vmovc v29  }
0x34b: {  	v26 =	vsub.f32 $0.0e+00, v26;
	v29 =	vmul.f32 $1.442695020e+00, v30;
	v23 =	vsub.f32 $2.000000000e+00, v23  }
0x34c: {  	v28 =	vsub.f32 $0.0e+00, v28;
	v20 =	vmul.f32 $1.442695020e+00, v20;
	v30 =	vmul.f32 v31, v18  }
0x34d: {  	v16 =	vsub.f32 $2.000000000e+00, v16;
	v24 =	vmul.f32 v25, v24;
	v26 =	vmul.f32 $1.442695020e+00, v26  }
0x34e: {  	v23 =	vmul.f32 v23, v22;
	v28 =	vmul.f32 $1.442695020e+00, v28;
	v30 =	vsub.f32 $2.000000000e+00, v30  }
.Ltmp22:
0x34f: {  	v22 =	vmul.f32 v24, v19;
	(erf) = vpow2.f32 v29;
	(pc) =	sbr.rel @p1 .LBB2_32-.Ltmp22, $4  }
0x350: {  	v25 =	vmul.f32 v27, v16;
	v16 =	vor.u32 v1, v12;
	v12 =	vmovc v36;
	(erf) = vpow2.f32 v20  }
0x351: {  	v29 =	vmul.f32 v23, v33;
	(erf) = vpow2.f32 v26;
	v26 =	vsub.f32 $2.000000000e+00, v22  }
0x352: {  	v27 =	vmul.f32 v25, v15;
	v20 =	vor.u32 v1, v13;
	v13 =	vmovc v37;
	(erf) = vpow2.f32 v28  }
0x353: {  	v22 =	vmul.f32 v30, v31;
	v24 =	vmul.f32 v26, v24;
	v26 =	vsub.f32 $2.000000000e+00, v29  }
.Ltmp23:
0x354: {  	_ = 	snop;
	(pc) =	sbr.rel .LBB2_33-.Ltmp23, $1  }
0x355: {  	_ =	sdelay $0x3  }
.LBB2_24:
0x356: {  	s22 =	sshll.u32 s21, $0x4  }
0x357: {  	v10 =	vmov s22  }
0x358: {  	v10 =	vbroadcast v10, $0x0;
	_ =	sdelay $0x1  }
0x359: {  	v11 =	vor.u32 v0, v10  }
0x35a: {  	v12 =	vmulhi.u32 $0x4EC4EC4F, v11;
	_ =	sdelay $0x1  }
0x35b: {  	v12 =	vshrl.u32 v12, $0x4  }
0x35c: {  	v13 =	vmul.u32 $0xFFFFFFCC, v12  }
0x35d: {  	v14 =	vsub.s32 $0x0, v11  }
0x35e: {  	vm0 =	veq.s32 v10, v0;
	vm1 =	vne.s32 v13, v14  }
0x35f: {  	vm0 =	vmand vm0, vm1  }
0x360: {  	v10 =	vsel vm0, $0xFFFFFFFF, v6  }
0x361: {  	v12 =	vadd.s32 v10, v12  }
0x362: {  	v10 =	vmul.u32 $0xFFFFFFCC, v12;
	_ =	sdelay $0x1  }
0x363: {  	v11 =	vadd.s32 v11, v10  }
0x364: {  	v13 =	vshll.u32 v12, $0x7;
	v10 =	vand.u32 $0xFFFFFF80, v11  }
0x365: {  	v14 =	vand.u32 $0x7F, v11;
	v10 =	vadd.s32 v13, v10  }
0x366: {  	p1 =	slt.u32 s21, $0x2;
	v10 =	vor.u32 v14, v10  }
0x367: {  	s23 =	simm.s32 @!p1 $0x2;
	v13 =	vadd.s32 $0x400, v10  }
0x368: {  	_ =	swait.ge @!p1 [sflag:s23], $0x800  }
0x369: {  	[sflag:s23] =	ssyncset.done @!p1 $0x0  }
0x36a: {  	[sflag:s23] =	ssyncadd.s32 @!p1 $0xFFFFF800  }
0x36b: {  	v14 =	vld.idx.msk [tilespmem:v10+s2+$0x0], $0xffff  }
0x36c: {  	v13 =	vld.idx.msk [tilespmem:v13+s2+$0x0], $0xffff;
	_ =	sdelay $0x2  }
0x36d: {  	v16 =	vadd.s32 $0x8000, v10  }
0x36e: {  	v15 =	vadd.s32 $0x800, v10;
	v14 =	vsub.f32 $0.0e+00, v14  }
0x36f: {  	v17 =	vadd.s32 $0xC00, v10;
	v13 =	vsub.f32 $0.0e+00, v13  }
0x370: {  	v14 =	vmul.f32 $1.442695020e+00, v14  }
0x371: {  	v13 =	vmul.f32 $1.442695020e+00, v13  }
0x372: {  	(erf) = vpow2.f32 v14;
	v14 =	vld.idx.msk [tilespmem:v16+s13+$0x0], $0xffff  }
0x373: {  	v15 =	vld.idx.msk [tilespmem:v15+s2+$0x0], $0xffff;
	(erf) = vpow2.f32 v13  }
0x374: {  	v16 =	vld.idx.msk [tilespmem:v17+s2+$0x0], $0xffff;
	_ =	sdelay $0x2  }
0x375: {  	v14 =	vsub.f32 $0.0e+00, v14  }
0x376: {  	v13 =	vmul.f32 $1.442695020e+00, v15  }
0x377: {  	v15 =	vmul.f32 $1.442695020e+00, v16  }
0x378: {  	(erf) = vpow2.f32 v13;
	v13 =	vmul.f32 $1.442695020e+00, v14  }
0x379: {  	(erf) = vpow2.f32 v15;
	v14 =	vpop (erf)  }
0x37a: {  	(erf) = vpow2.f32 v13;
	v13 =	vadd.f32 $1.000000000e+00, v14;
	v14 =	vpop (erf)  }
0x37b: {  	v14 =	vadd.f32 $1.000000000e+00, v14;
	_ =	sdelay $0x1  }
0x37c: {  	v15 =	vsub.s32 $0x7EF311C3, v13;
	v17 =	vsub.s32 $0x7EF311C3, v14  }
0x37d: {  	v16 =	vmul.f32 v15, v13;
	v18 =	vmul.f32 v17, v14;
	_ =	sdelay $0x1  }
0x37e: {  	v16 =	vsub.f32 $2.000000000e+00, v16  }
0x37f: {  	v19 =	vpop (erf)  }
0x380: {  	v15 =	vmul.f32 v15, v16;
	v16 =	vsub.f32 $2.000000000e+00, v18;
	v18 =	vpop (erf)  }
0x381: {  	v20 =	vpop (erf)  }
0x382: {  	v21 =	vmul.f32 v15, v13;
	v16 =	vmul.f32 v17, v16;
	v17 =	vadd.f32 $1.000000000e+00, v20;
	_ =	sdelay $0x1  }
0x383: {  	v20 =	vsub.f32 $2.000000000e+00, v21;
	v51 =	vmul.f32 v16, v14;
	v22 =	vsub.s32 $0x7EF311C3, v17  }
0x384: {  	v23 =	vmul.f32 v22, v17  }
0x385: {  	v15 =	vmul.f32 v20, v15;
	v20 =	vsub.f32 $2.000000000e+00, v51  }
0x386: {  	v52 =	vsub.f32 $2.000000000e+00, v23  }
0x387: {  	v16 =	vmul.f32 v20, v16  }
0x388: {  	v13 =	vmul.f32 v15, v13;
	v20 =	vmul.f32 v22, v52  }
0x389: {  	v14 =	vmul.f32 v16, v14  }
0x38a: {  	v13 =	vsub.f32 $2.000000000e+00, v13;
	v21 =	vmul.f32 v20, v17  }
0x38b: {  	v12 =	vadd.s32 $0x30, v12;
	v14 =	vsub.f32 $2.000000000e+00, v14  }
0x38c: {  	v11 =	vcvt.s32.f32 v11;
	v13 =	vmul.f32 v13, v15;
	v15 =	vsub.f32 $2.000000000e+00, v21  }
0x38d: {  	v12 =	vcvt.s32.f32 v12;
	v14 =	vmul.f32 v14, v16  }
0x38e: {  	v11 =	vadd.f32 v11, v13;
	v15 =	vmul.f32 v15, v20  }
0x38f: {  	v12 =	vadd.f32 v12, v14  }
0x390: {  	v11 =	vmul.f32 v11, v7;
	v13 =	vmul.f32 v15, v17  }
0x391: {  	s28 =	simm.s32 $0x2C00;
	v12 =	vmul.f32 v12, v7  }
0x392: {  	v14 =	vadd.s32 s28, v10;
	[tilespmem:v1+s17+$0x0] =	vst.idx.msk $0xffff, v11;
	v11 =	vmul.f32 v19, v8;
	v13 =	vsub.f32 $2.000000000e+00, v13  }
0x393: {  	s29 =	simm.s32 $0x2000;
	[tilespmem:v2+s17+$0x0] =	vst.idx.msk $0xffff, v12;
	v12 =	vmul.f32 v18, v9  }
0x394: {  	s30 =	simm.s32 $0x2400;
	[tilespmem:v3+s17+$0x0] =	vst.idx.msk $0xffff, v11;
	v11 =	vadd.s32 s29, v10;
	v13 =	vmul.f32 v13, v15  }
0x395: {  	[tilespmem:v4+s17+$0x0] =	vst.idx.msk $0xffff, v12;
	v12 =	vadd.s32 s30, v10  }
0x396: {  	s23 =	simm.s32 $0x0;
	[tilespmem:v5+s17+$0x0] =	vst.idx.msk $0xffff, v13  }
0x397: {  	v14 =	vld.idx.msk [tilespmem:v14+s23+$0x0], $0xffff;
	_ =	sdelay $0x1  }
0x398: {  	s24 =	simm.s32 $0x2800;
	v11 =	vld.idx.msk [tilespmem:v11+s23+$0x0], $0xffff  }
0x399: {  	v13 =	vadd.s32 s24, v10;
	v12 =	vld.idx.msk [tilespmem:v12+s23+$0x0], $0xffff;
	_ =	sdelay $0x1  }
0x39a: {  	v14 =	vsub.f32 $0.0e+00, v14;
	_ =	sdelay $0x1  }
0x39b: {  	v11 =	vsub.f32 $0.0e+00, v11;
	v14 =	vmul.f32 $1.442695020e+00, v14  }
0x39c: {  	v13 =	vld.idx.msk [tilespmem:v13+s23+$0x0], $0xffff;
	v12 =	vsub.f32 $0.0e+00, v12  }
0x39d: {  	v11 =	vmul.f32 $1.442695020e+00, v11;
	(erf) = vpow2.f32 v14  }
0x39e: {  	v12 =	vmul.f32 $1.442695020e+00, v12  }
0x39f: {  	(erf) = vpow2.f32 v11  }
0x3a0: {  	s25 =	simm.s32 $0x3C00;
	(erf) = vpow2.f32 v12  }
0x3a1: {  	s26 =	simm.s32 $0x3800;
	v13 =	vsub.f32 $0.0e+00, v13;
	v14 =	vadd.s32 s25, v10  }
0x3a2: {  	v19 =	vadd.s32 s26, v10;
	s25 =	simm.s32 $0x3400  }
0x3a3: {  	v18 =	vadd.s32 s25, v10;
	v13 =	vmul.f32 $1.442695020e+00, v13;
	_ =	sdelay $0x1  }
0x3a4: {  	s31 =	simm.s32 $0x3000;
	(erf) = vpow2.f32 v13  }
0x3a5: {  	v13 =	vadd.s32 s31, v10;
	v14 =	vld.idx.msk [tilespmem:v14+s23+$0x0], $0xffff;
	v11 =	vpop (erf)  }
0x3a6: {  	v19 =	vld.idx.msk [tilespmem:v19+s23+$0x0], $0xffff;
	v12 =	vadd.f32 $1.000000000e+00, v11  }
0x3a7: {  	v18 =	vld.idx.msk [tilespmem:v18+s23+$0x0], $0xffff;
	v11 =	vpop (erf)  }
0x3a8: {  	v15 =	vpop (erf);
	v16 =	vsub.s32 $0x7EF311C3, v12  }
0x3a9: {  	s28 =	simm.s32 $0x4;
	s29 =	simm.s32 $0x5;
	v20 =	vadd.f32 $1.000000000e+00, v15;
	v15 =	vmul.f32 v16, v12  }
0x3aa: {  	v57 =	vmov s28;
	v59 =	vmov s29;
	s30 =	simm.s32 $0x6;
	v13 =	vld.idx.msk [tilespmem:v13+s23+$0x0], $0xffff;
	v14 =	vsub.f32 $0.0e+00, v14  }
0x3ab: {  	v60 =	vmov s30;
	s31 =	simm.s32 $0x7;
	v17 =	vadd.f32 $1.000000000e+00, v11;
	v15 =	vsub.f32 $2.000000000e+00, v15  }
0x3ac: {  	v19 =	vsub.f32 $0.0e+00, v19;
	v28 =	vmov s31;
	v18 =	vsub.f32 $0.0e+00, v18  }
0x3ad: {  	v14 =	vmul.f32 $1.442695020e+00, v14;
	v11 =	vpop (erf);
	v53 =	vsub.s32 $0x7EF311C3, v17;
	v15 =	vmul.f32 v16, v15  }
0x3ae: {  	v18 =	vmul.f32 $1.442695020e+00, v18;
	v11 =	vadd.f32 $1.000000000e+00, v11;
	v24 =	vmul.f32 v53, v17  }
0x3af: {  	v54 =	vsub.s32 $0x7EF311C3, v20;
	v13 =	vsub.f32 $0.0e+00, v13;
	v27 =	vmul.f32 v15, v12  }
0x3b0: {  	(erf) = vpow2.f32 v14;
	v25 =	vmul.f32 v54, v20;
	v16 =	vsub.f32 $2.000000000e+00, v24  }
0x3b1: {  	v55 =	vsub.s32 $0x7EF311C3, v11;
	v13 =	vmul.f32 $1.442695020e+00, v13;
	v61 =	vsub.f32 $2.000000000e+00, v27  }
0x3b2: {  	v63 =	vand.u32 $0x7F, v28;
	v26 =	vmul.f32 v55, v11;
	v16 =	vmul.f32 v53, v16  }
0x3b3: {  	v14 =	vmul.f32 $1.442695020e+00, v19;
	v56 =	vsub.f32 $2.000000000e+00, v25;
	v15 =	vmul.f32 v61, v15  }
0x3b4: {  	(erf) = vpow2.f32 v13;
	v26 =	vsub.f32 $2.000000000e+00, v26;
	v62 =	vmul.f32 v16, v17  }
0x3b5: {  	v19 =	vand.u32 $0x7C, v57;
	v58 =	vmul.f32 v54, v56;
	v12 =	vmul.f32 v15, v12  }
0x3b6: {  	v23 =	vmul.f32 v55, v26;
	v26 =	vbroadcast v63, $0x0;
	v13 =	vsub.f32 $2.000000000e+00, v62  }
0x3b7: {  	(erf) = vpow2.f32 v18;
	v18 =	vmul.f32 v58, v20;
	v12 =	vsub.f32 $2.000000000e+00, v12  }
0x3b8: {  	(erf) = vpow2.f32 v14;
	v26 =	vor.u32 v1, v26;
	v14 =	vmul.f32 v13, v16  }
0x3b9: {  	v13 =	vmul.f32 v23, v11;
	v15 =	vmul.f32 v12, v15;
	v12 =	vsub.f32 $2.000000000e+00, v18  }
0x3ba: {  	v16 =	vbroadcast v19, $0x0;
	v19 =	vand.u32 $0x7E, v60;
	v17 =	vmul.f32 v14, v17  }
0x3bb: {  	v13 =	vsub.f32 $2.000000000e+00, v13;
	v18 =	vand.u32 $0x7D, v59;
	v12 =	vmul.f32 v12, v58  }
0x3bc: {  	v19 =	vbroadcast v19, $0x0;
	v18 =	vbroadcast v18, $0x0  }
0x3bd: {  	s24 =	simm.s32 $0x0;
	s25 =	simm.s32 $0x4;
	v13 =	vmul.f32 v13, v23;
	[tilespmem:v26+s17+$0x0] =	vst.idx.msk $0xffff, v15;
	v15 =	vsub.f32 $2.000000000e+00, v17;
	v17 =	vmul.f32 v12, v20  }
.LBB2_25:
0x3be: {  	s28 =	sshll.u32 s25, $0xA;
	v20 =	vpop (erf);
	v16 =	vor.u32 v1, v16;
	v18 =	vor.u32 v1, v18;
	v19 =	vor.u32 v1, v19;
	s26 =	smov.u32 s25;
	s25 =	sadd.s32 $0x4, s25  }
0x3bf: {  	s29 =	sadd.s32 $0x3000, s28;
	s30 =	sadd.s32 $0x3C00, s28;
	p1 =	slt.u32 s25, $0x2C;
	v20 =	vadd.f32 $1.000000000e+00, v20;
	v21 =	vpop (erf);
	v17 =	vsub.f32 $2.000000000e+00, v17;
	v22 =	vmul.f32 v13, v11  }
0x3c0: {  	v23 =	vadd.s32 s29, v10;
	s29 =	sadd.s32 $0x3400, s28;
	s28 =	sadd.s32 $0x3800, s28;
	v24 =	vadd.s32 s30, v10;
	v21 =	vadd.f32 $1.000000000e+00, v21;
	v11 =	vpop (erf)  }
0x3c1: {  	v25 =	vadd.s32 s29, v10;
	v26 =	vadd.s32 s28, v10;
	v27 =	vsub.s32 $0x7EF311C3, v20;
	v28 =	vpop (erf)  }
0x3c2: {  	v29 =	vadd.f32 $1.000000000e+00, v11;
	v11 =	vadd.f32 $1.000000000e+00, v28;
	v28 =	vmul.f32 v27, v20  }
0x3c3: {  	v14 =	vmul.f32 v15, v14;
	v15 =	vsub.f32 $2.000000000e+00, v22;
	v30 =	vsub.s32 $0x7EF311C3, v21  }
0x3c4: {  	v22 =	vsub.s32 $0x7EF311C3, v29;
	v31 =	vsub.s32 $0x7EF311C3, v11;
	v28 =	vsub.f32 $2.000000000e+00, v28  }
0x3c5: {  	s28 =	sadd.s32 $0x8, s24;
	v32 =	vmul.f32 v30, v21;
	v33 =	vmul.f32 v22, v29;
	v24 =	vld.idx.msk [tilespmem:v24+s23+$0x0], $0xffff;
	[tilespmem:v16+s17+$0x0] =	vst.idx.msk $0xffff, v14  }
0x3c6: {  	v16 =	vmov s28;
	v14 =	vld.idx.msk [tilespmem:v23+s23+$0x0], $0xffff;
	v23 =	vmul.f32 v31, v11;
	v27 =	vmul.f32 v27, v28  }
0x3c7: {  	v12 =	vmul.f32 v17, v12;
	v28 =	vsub.f32 $2.000000000e+00, v32;
	v32 =	vsub.f32 $2.000000000e+00, v33;
	v25 =	vld.idx.msk [tilespmem:v25+s23+$0x0], $0xffff  }
0x3c8: {  	v13 =	vmul.f32 v15, v13;
	s28 =	sadd.s32 $0x9, s24;
	v17 =	vld.idx.msk [tilespmem:v26+s23+$0x0], $0xffff;
	v23 =	vsub.f32 $2.000000000e+00, v23;
	v26 =	vmul.f32 v27, v20  }
0x3c9: {  	v15 =	vmul.f32 v30, v28;
	v22 =	vmul.f32 v22, v32;
	v28 =	vmov s28;
	s28 =	sadd.s32 $0xA, s24;
	[tilespmem:v18+s17+$0x0] =	vst.idx.msk $0xffff, v12  }
0x3ca: {  	v12 =	vmov s28;
	s28 =	sadd.s32 $0xB, s24;
	s24 =	smov.u32 s26;
	v23 =	vmul.f32 v31, v23;
	v18 =	vsub.f32 $2.000000000e+00, v26;
	[tilespmem:v19+s17+$0x0] =	vst.idx.msk $0xffff, v13  }
0x3cb: {  	v13 =	vsub.f32 $0.0e+00, v24;
	v19 =	vmul.f32 v15, v21;
	v24 =	vmov s28  }
0x3cc: {  	v14 =	vsub.f32 $0.0e+00, v14;
	v24 =	vand.u32 $0x7F, v24;
	v18 =	vmul.f32 v18, v27  }
0x3cd: {  	v25 =	vsub.f32 $0.0e+00, v25;
	v13 =	vmul.f32 $1.442695020e+00, v13;
	v24 =	vbroadcast v24, $0x0  }
0x3ce: {  	v14 =	vmul.f32 $1.442695020e+00, v14;
	v17 =	vsub.f32 $0.0e+00, v17;
	v20 =	vmul.f32 v18, v20  }
0x3cf: {  	v25 =	vmul.f32 $1.442695020e+00, v25;
	(erf) = vpow2.f32 v13;
	v13 =	vor.u32 v1, v24  }
0x3d0: {  	v17 =	vmul.f32 $1.442695020e+00, v17;
	(erf) = vpow2.f32 v14;
	v14 =	vsub.f32 $2.000000000e+00, v20  }
0x3d1: {  	v19 =	vsub.f32 $2.000000000e+00, v19;
	v20 =	vmul.f32 v22, v29;
	(erf) = vpow2.f32 v25  }
0x3d2: {  	v16 =	vand.u32 $0x7C, v16;
	(erf) = vpow2.f32 v17;
	v17 =	vmul.f32 v14, v18  }
.Ltmp24:
0x3d3: {  	v14 =	vmul.f32 v19, v15;
	v15 =	vsub.f32 $2.000000000e+00, v20;
	v18 =	vmul.f32 v23, v11;
	(pc) =	sbr.rel @p1 .LBB2_25-.Ltmp24, $4  }
0x3d4: {  	v16 =	vbroadcast v16, $0x0;
	v19 =	vand.u32 $0x7D, v28;
	v20 =	vand.u32 $0x7E, v12;
	[tilespmem:v13+s17+$0x0] =	vst.idx.msk $0xffff, v17  }
0x3d5: {  	v13 =	vmul.f32 v14, v21;
	v12 =	vmul.f32 v15, v22;
	v21 =	vsub.f32 $2.000000000e+00, v18  }
0x3d6: {  	v18 =	vbroadcast v19, $0x0;
	v19 =	vbroadcast v20, $0x0  }
0x3d7: {  	v15 =	vsub.f32 $2.000000000e+00, v13;
	v17 =	vmul.f32 v12, v29;
	v13 =	vmul.f32 v21, v23  }
0x3d8: {  	v20 =	vpop (erf)  }
0x3d9: {  	v16 =	vor.u32 v1, v16;
	v20 =	vadd.f32 $1.000000000e+00, v20  }
0x3da: {  	v18 =	vor.u32 v1, v18;
	v19 =	vor.u32 v1, v19;
	v21 =	vpop (erf);
	v17 =	vsub.f32 $2.000000000e+00, v17  }
0x3db: {  	v11 =	vmul.f32 v13, v11;
	v22 =	vpop (erf);
	v21 =	vadd.f32 $1.000000000e+00, v21;
	v23 =	vsub.s32 $0x7EF311C3, v20  }
0x3dc: {  	v14 =	vmul.f32 v15, v14;
	v24 =	vpop (erf);
	v22 =	vadd.f32 $1.000000000e+00, v22;
	v25 =	vmul.f32 v23, v20  }
0x3dd: {  	v11 =	vsub.f32 $2.000000000e+00, v11;
	v24 =	vadd.f32 $1.000000000e+00, v24;
	v26 =	vsub.s32 $0x7EF311C3, v21  }
0x3de: {  	v27 =	vmul.f32 v26, v21;
	v15 =	vsub.f32 $2.000000000e+00, v25;
	v25 =	vsub.s32 $0x7EF311C3, v22  }
0x3df: {  	v12 =	vmul.f32 v17, v12;
	v28 =	vsub.s32 $0x7EF311C3, v24;
	v29 =	vmul.f32 v25, v22  }
0x3e0: {  	s23 =	sadd.s32 $0x8, s24;
	v11 =	vmul.f32 v11, v13;
	v30 =	vmul.f32 v28, v24;
	v27 =	vsub.f32 $2.000000000e+00, v27  }
0x3e1: {  	s31 =	sadd.s32 $0xB, s24;
	v15 =	vmul.f32 v23, v15;
	v23 =	vmov s23;
	v29 =	vsub.f32 $2.000000000e+00, v29  }
0x3e2: {  	v30 =	vsub.f32 $2.000000000e+00, v30;
	v13 =	vmul.f32 v26, v27;
	v26 =	vmov s31  }
0x3e3: {  	v23 =	vand.u32 $0x7C, v23;
	v17 =	vmul.f32 v15, v20;
	v25 =	vmul.f32 v25, v29  }
0x3e4: {  	s25 =	sadd.s32 $0x9, s24;
	v26 =	vand.u32 $0x7F, v26;
	v27 =	vmul.f32 v28, v30;
	v28 =	vmul.f32 v13, v21  }
0x3e5: {  	v23 =	vbroadcast v23, $0x0;
	v29 =	vmov s25;
	v17 =	vsub.f32 $2.000000000e+00, v17  }
0x3e6: {  	v29 =	vand.u32 $0x7D, v29;
	v28 =	vsub.f32 $2.000000000e+00, v28;
	v57 =	vmul.f32 v25, v22  }
0x3e7: {  	v23 =	vor.u32 v1, v23;
	v31 =	vmul.f32 v27, v24;
	v15 =	vmul.f32 v17, v15  }
0x3e8: {  	s26 =	sadd.s32 $0xA, s24;
	v17 =	vbroadcast v26, $0x0;
	v13 =	vmul.f32 v28, v13;
	v28 =	vsub.f32 $2.000000000e+00, v57  }
0x3e9: {  	v26 =	vmov s26;
	v58 =	vsub.f32 $2.000000000e+00, v31;
	v20 =	vmul.f32 v15, v20  }
0x3ea: {  	v26 =	vand.u32 $0x7E, v26;
	v21 =	vmul.f32 v13, v21;
	v25 =	vmul.f32 v28, v25  }
0x3eb: {  	v17 =	vor.u32 v1, v17;
	v28 =	vbroadcast v29, $0x0;
	v27 =	vmul.f32 v58, v27  }
0x3ec: {  	v26 =	vbroadcast v26, $0x0;
	v20 =	vsub.f32 $2.000000000e+00, v20;
	v22 =	vmul.f32 v25, v22  }
0x3ed: {  	[tilespmem:v16+s17+$0x0] =	vst.idx.msk $0xffff, v14;
	v14 =	vsub.f32 $2.000000000e+00, v21;
	v16 =	vor.u32 v1, v28;
	v21 =	vmul.f32 v27, v24  }
0x3ee: {  	s28 =	simm.s32 $0xC00;
	[tilespmem:v18+s17+$0x0] =	vst.idx.msk $0xffff, v12;
	v12 =	vmul.f32 v20, v15;
	v15 =	vor.u32 v1, v26;
	v18 =	vsub.f32 $2.000000000e+00, v22  }
0x3ef: {  	[tilespmem:v19+s17+$0x0] =	vst.idx.msk $0xffff, v11;
	v11 =	vmul.f32 v14, v13;
	v13 =	vsub.f32 $2.000000000e+00, v21;
	v14 =	vadd.s32 s28, v10  }
0x3f0: {  	s29 =	simm.s32 $0x400;
	[tilespmem:v17+s17+$0x0] =	vst.idx.msk $0xffff, v12;
	v12 =	vmul.f32 v18, v25  }
0x3f1: {  	s30 =	simm.s32 $0x800;
	v17 =	vadd.s32 s29, v10;
	[tilespmem:v23+s17+$0x0] =	vst.idx.msk $0xffff, v11;
	v11 =	vmul.f32 v13, v27  }
0x3f2: {  	s31 =	simm.s32 $0x0;
	v13 =	vadd.s32 s30, v10;
	[tilespmem:v16+s17+$0x0] =	vst.idx.msk $0xffff, v12  }
0x3f3: {  	v12 =	vadd.s32 s31, v10;
	[tilespmem:v15+s17+$0x0] =	vst.idx.msk $0xffff, v11  }
0x3f4: {  	v11 =	vld.idx.msk [tilespmem:v14+s13+$0x0], $0xffff;
	_ =	sdelay $0x1  }
0x3f5: {  	s29 =	simm.s32 $0x1C00;
	v14 =	vld.idx.msk [tilespmem:v17+s13+$0x0], $0xffff  }
0x3f6: {  	v15 =	vadd.s32 s29, v10;
	s29 =	simm.s32 $0x1800;
	v13 =	vld.idx.msk [tilespmem:v13+s13+$0x0], $0xffff  }
0x3f7: {  	v24 =	vadd.s32 s29, v10;
	v12 =	vld.idx.msk [tilespmem:v12+s13+$0x0], $0xffff  }
0x3f8: {  	v11 =	vsub.f32 $0.0e+00, v11;
	_ =	sdelay $0x1  }
0x3f9: {  	v14 =	vsub.f32 $0.0e+00, v14;
	v11 =	vmul.f32 $1.442695020e+00, v11  }
0x3fa: {  	v13 =	vsub.f32 $0.0e+00, v13  }
0x3fb: {  	v24 =	vld.idx.msk [tilespmem:v24+s13+$0x0], $0xffff;
	v14 =	vmul.f32 $1.442695020e+00, v14;
	v12 =	vsub.f32 $0.0e+00, v12;
	(erf) = vpow2.f32 v11  }
0x3fc: {  	v13 =	vmul.f32 $1.442695020e+00, v13  }
0x3fd: {  	s26 =	simm.s32 $0x35;
	(erf) = vpow2.f32 v14;
	v11 =	vmul.f32 $1.442695020e+00, v12  }
0x3fe: {  	s28 =	simm.s32 $0x37;
	(erf) = vpow2.f32 v13;
	v12 =	vmov s26;
	s26 =	simm.s32 $0x1400  }
0x3ff: {  	v13 =	vmov s28;
	s28 =	simm.s32 $0x1000;
	v19 =	vadd.s32 s26, v10;
	(erf) = vpow2.f32 v11  }
0x400: {  	v24 =	vsub.f32 $0.0e+00, v24;
	v23 =	vadd.s32 s28, v10  }
0x401: {  	s25 =	simm.s32 $0x36;
	v12 =	vand.u32 $0x7D, v12  }
0x402: {  	v14 =	vand.u32 $0x7F, v13;
	v24 =	vmul.f32 $1.442695020e+00, v24;
	v11 =	vmov s25;
	s25 =	simm.s32 $0x34  }
0x403: {  	s30 =	simm.s32 $0x39;
	v16 =	vbroadcast v12, $0x0;
	v11 =	vand.u32 $0x7E, v11;
	v13 =	vmov s25  }
0x404: {  	s31 =	simm.s32 $0x3A;
	v20 =	vbroadcast v11, $0x0;
	v11 =	vand.u32 $0x7C, v13;
	v13 =	vmov s30;
	v59 =	vld.idx.msk [tilespmem:v19+s13+$0x0], $0xffff;
	v12 =	vpop (erf)  }
0x405: {  	s30 =	simm.s32 $0x3B;
	v11 =	vbroadcast v11, $0x0;
	v23 =	vld.idx.msk [tilespmem:v23+s13+$0x0], $0xffff;
	v22 =	vadd.f32 $1.000000000e+00, v12;
	v12 =	vmov s31  }
0x406: {  	v13 =	vand.u32 $0x7D, v13;
	v27 =	vmov s30;
	v17 =	vpop (erf);
	v28 =	vand.u32 $0x7E, v12  }
0x407: {  	v21 =	vpop (erf);
	v12 =	vbroadcast v13, $0x0;
	v25 =	vsub.s32 $0x7EF311C3, v22;
	v13 =	vbroadcast v28, $0x0  }
0x408: {  	s31 =	simm.s32 $0x38;
	v28 =	vld.idx.msk [tilespmem:v15+s13+$0x0], $0xffff;
	v19 =	vadd.f32 $1.000000000e+00, v21;
	v15 =	vadd.f32 $1.000000000e+00, v17;
	v18 =	vpop (erf);
	v26 =	vmul.f32 v25, v22  }
0x409: {  	v21 =	vmov s31;
	v30 =	vsub.f32 $0.0e+00, v59;
	v18 =	vadd.f32 $1.000000000e+00, v18  }
0x40a: {  	v17 =	vand.u32 $0x7C, v21;
	v23 =	vsub.f32 $0.0e+00, v23;
	v26 =	vsub.f32 $2.000000000e+00, v26  }
0x40b: {  	v17 =	vbroadcast v17, $0x0;
	v61 =	vsub.s32 $0x7EF311C3, v15;
	v29 =	vsub.s32 $0x7EF311C3, v18  }
0x40c: {  	v60 =	vmul.f32 v29, v18;
	v25 =	vmul.f32 v25, v26;
	v26 =	vsub.s32 $0x7EF311C3, v19  }
0x40d: {  	v34 =	vmul.f32 v61, v15;
	v28 =	vsub.f32 $0.0e+00, v28;
	v32 =	vmul.f32 v26, v19  }
0x40e: {  	v30 =	vmul.f32 $1.442695020e+00, v30;
	v21 =	vsub.f32 $2.000000000e+00, v60;
	v33 =	vmul.f32 v25, v22  }
0x40f: {  	v62 =	vmul.f32 $1.442695020e+00, v23;
	v28 =	vmul.f32 $1.442695020e+00, v28;
	v32 =	vsub.f32 $2.000000000e+00, v32  }
0x410: {  	v29 =	vmul.f32 v29, v21;
	v21 =	vbroadcast v14, $0x0;
	v33 =	vsub.f32 $2.000000000e+00, v33  }
0x411: {  	v14 =	vand.u32 $0x7F, v27;
	(erf) = vpow2.f32 v28;
	v26 =	vmul.f32 v26, v32  }
0x412: {  	v27 =	vsub.f32 $2.000000000e+00, v34;
	(erf) = vpow2.f32 v30;
	v35 =	vmul.f32 v29, v18  }
0x413: {  	v23 =	vmul.f32 v33, v25;
	v28 =	vmul.f32 v26, v19  }
0x414: {  	v16 =	vor.u32 v1, v16;
	v25 =	vmul.f32 v61, v27;
	(erf) = vpow2.f32 v24  }
0x415: {  	v63 =	vsub.f32 $2.000000000e+00, v35;
	v24 =	vsub.f32 $2.000000000e+00, v28;
	v28 =	vmul.f32 v23, v22  }
0x416: {  	v20 =	vor.u32 v1, v20;
	(erf) = vpow2.f32 v62;
	v27 =	vmul.f32 v25, v15  }
0x417: {  	s23 =	simm.s32 $0x8;
	v22 =	vmul.f32 v63, v29;
	v24 =	vmul.f32 v24, v26;
	v26 =	vsub.f32 $2.000000000e+00, v28  }
.LBB2_27:
0x418: {  	s24 =	sadd.s32 $0x34, s23;
	s25 =	sadd.s32 $0x35, s23;
	s26 =	sadd.s32 $0x36, s23;
	v28 =	vor.u32 v1, v11;
	v27 =	vsub.f32 $2.000000000e+00, v27;
	v21 =	vor.u32 v1, v21;
	v11 =	vmovc v17  }
0x419: {  	s29 =	sadd.s32 $0x37, s23;
	s28 =	sshll.u32 s24, $0xA;
	v17 =	vmov s26;
	s26 =	sshll.u32 s26, $0xA;
	v18 =	vmul.f32 v22, v18;
	v19 =	vmul.f32 v24, v19  }
0x41a: {  	v29 =	vmov s25;
	s25 =	sshll.u32 s25, $0xA;
	v30 =	vmov s29;
	s28 =	sadd.s32 $0xFFFF3400, s28;
	s26 =	sadd.s32 $0xFFFF3400, s26;
	v25 =	vmul.f32 v27, v25  }
0x41b: {  	p1 =	slt.u32 s23, $0x1C;
	s29 =	sshll.u32 s23, $0xA;
	s23 =	sadd.s32 $0x4, s23;
	v17 =	vand.u32 $0x7E, v17;
	v27 =	vadd.s32 s28, v10;
	v19 =	vsub.f32 $2.000000000e+00, v19  }
0x41c: {  	v23 =	vmul.f32 v26, v23;
	v31 =	vadd.s32 s29, v10;
	s25 =	sadd.s32 $0xFFFF3400, s25;
	v32 =	vadd.s32 s26, v10;
	v33 =	vpop (erf)  }
0x41d: {  	v26 =	vadd.s32 s25, v10;
	v35 =	vsub.f32 $2.000000000e+00, v18;
	v33 =	vadd.f32 $1.000000000e+00, v33;
	v34 =	vpop (erf)  }
0x41e: {  	v37 =	vand.u32 $0x7D, v29;
	v29 =	vand.u32 $0x7F, v30;
	v15 =	vmul.f32 v25, v15;
	v30 =	vpop (erf);
	[tilespmem:v21+s17+$0x0] =	vst.idx.msk $0xffff, v23  }
0x41f: {  	v36 =	vbroadcast v37, $0x0;
	v23 =	vmul.f32 v19, v24;
	v21 =	vsub.s32 $0x7EF311C3, v33;
	v18 =	vpop (erf)  }
0x420: {  	v15 =	vsub.f32 $2.000000000e+00, v15;
	v24 =	vld.idx.msk [tilespmem:v27+s13+$0x0], $0xffff;
	v18 =	vadd.f32 $1.000000000e+00, v18;
	v27 =	vmul.f32 v21, v33  }
0x421: {  	v37 =	vbroadcast v17, $0x0;
	v17 =	vmul.f32 v35, v22;
	v19 =	vadd.f32 $1.000000000e+00, v30;
	v32 =	vld.idx.msk [tilespmem:v32+s13+$0x0], $0xffff;
	[tilespmem:v20+s17+$0x0] =	vst.idx.msk $0xffff, v23  }
0x422: {  	v23 =	vmul.f32 v15, v25;
	v20 =	vsub.s32 $0x7EF311C3, v18;
	v22 =	vsub.f32 $2.000000000e+00, v27  }
0x423: {  	v25 =	vmov s24;
	v15 =	vadd.f32 $1.000000000e+00, v34;
	v26 =	vld.idx.msk [tilespmem:v26+s13+$0x0], $0xffff;
	v27 =	vmul.f32 v20, v18;
	[tilespmem:v28+s17+$0x0] =	vst.idx.msk $0xffff, v17  }
0x424: {  	v17 =	vand.u32 $0x7C, v25;
	v25 =	vsub.s32 $0x7EF311C3, v19;
	v28 =	vld.idx.msk [tilespmem:v31+s13+$0x0], $0xffff;
	v22 =	vmul.f32 v21, v22;
	[tilespmem:v16+s17+$0x0] =	vst.idx.msk $0xffff, v23  }
0x425: {  	v17 =	vbroadcast v17, $0x0;
	v16 =	vsub.f32 $2.000000000e+00, v27;
	v27 =	vsub.s32 $0x7EF311C3, v15  }
0x426: {  	v21 =	vmul.f32 v25, v19;
	v23 =	vmul.f32 v22, v33  }
0x427: {  	v30 =	vsub.f32 $0.0e+00, v32;
	v31 =	vmul.f32 v20, v16;
	v16 =	vmul.f32 v27, v15  }
0x428: {  	v20 =	vsub.f32 $0.0e+00, v24;
	v24 =	vsub.f32 $2.000000000e+00, v21;
	v21 =	vbroadcast v14, $0x0;
	v14 =	vmovc v29  }
0x429: {  	v26 =	vsub.f32 $0.0e+00, v26;
	v29 =	vmul.f32 $1.442695020e+00, v30;
	v23 =	vsub.f32 $2.000000000e+00, v23  }
0x42a: {  	v28 =	vsub.f32 $0.0e+00, v28;
	v20 =	vmul.f32 $1.442695020e+00, v20;
	v30 =	vmul.f32 v31, v18  }
0x42b: {  	v16 =	vsub.f32 $2.000000000e+00, v16;
	v24 =	vmul.f32 v25, v24;
	v26 =	vmul.f32 $1.442695020e+00, v26  }
0x42c: {  	v23 =	vmul.f32 v23, v22;
	v28 =	vmul.f32 $1.442695020e+00, v28;
	v30 =	vsub.f32 $2.000000000e+00, v30  }
.Ltmp25:
0x42d: {  	v22 =	vmul.f32 v24, v19;
	(erf) = vpow2.f32 v29;
	(pc) =	sbr.rel @p1 .LBB2_27-.Ltmp25, $4  }
0x42e: {  	v25 =	vmul.f32 v27, v16;
	v16 =	vor.u32 v1, v12;
	v12 =	vmovc v36;
	(erf) = vpow2.f32 v20  }
0x42f: {  	v29 =	vmul.f32 v23, v33;
	(erf) = vpow2.f32 v26;
	v26 =	vsub.f32 $2.000000000e+00, v22  }
0x430: {  	v27 =	vmul.f32 v25, v15;
	v20 =	vor.u32 v1, v13;
	v13 =	vmovc v37;
	(erf) = vpow2.f32 v28  }
0x431: {  	v22 =	vmul.f32 v30, v31;
	v24 =	vmul.f32 v26, v24;
	v26 =	vsub.f32 $2.000000000e+00, v29  }
0x432: {  	_ =	sdelay $0x3  }
0x433: {  	v10 =	vpop (erf)  }
0x434: {  	v28 =	vpop (erf)  }
0x435: {  	v27 =	vsub.f32 $2.000000000e+00, v27;
	v21 =	vor.u32 v1, v21;
	v10 =	vadd.f32 $1.000000000e+00, v10;
	v29 =	vpop (erf)  }
0x436: {  	v11 =	vor.u32 v1, v11;
	v14 =	vbroadcast v14, $0x0;
	v29 =	vadd.f32 $1.000000000e+00, v29;
	v31 =	vpop (erf)  }
0x437: {  	v18 =	vmul.f32 v22, v18;
	v30 =	vsub.s32 $0x7EF311C3, v10;
	v31 =	vadd.f32 $1.000000000e+00, v31  }
0x438: {  	v28 =	vadd.f32 $1.000000000e+00, v28;
	v32 =	vmul.f32 v30, v10;
	v33 =	vsub.s32 $0x7EF311C3, v29  }
0x439: {  	v19 =	vmul.f32 v24, v19;
	v34 =	vmul.f32 v33, v29;
	v44 =	vsub.s32 $0x7EF311C3, v31  }
0x43a: {  	v47 =	vsub.s32 $0x7EF311C3, v28;
	v43 =	vsub.f32 $2.000000000e+00, v32;
	v46 =	vmul.f32 v44, v31  }
0x43b: {  	v25 =	vmul.f32 v27, v25;
	v48 =	vmul.f32 v47, v28;
	v45 =	vsub.f32 $2.000000000e+00, v34  }
0x43c: {  	v23 =	vmul.f32 v26, v23;
	v27 =	vmul.f32 v30, v43;
	v34 =	vsub.f32 $2.000000000e+00, v46  }
0x43d: {  	v15 =	vmul.f32 v25, v15;
	v32 =	vmul.f32 v33, v45;
	v33 =	vsub.f32 $2.000000000e+00, v48  }
0x43e: {  	v19 =	vsub.f32 $2.000000000e+00, v19;
	v49 =	vmul.f32 v27, v10;
	v26 =	vmul.f32 v44, v34  }
0x43f: {  	v18 =	vsub.f32 $2.000000000e+00, v18;
	v50 =	vmul.f32 v32, v29;
	v51 =	vmul.f32 v47, v33  }
0x440: {  	v19 =	vmul.f32 v19, v24;
	v24 =	vsub.f32 $2.000000000e+00, v49;
	v52 =	vmul.f32 v26, v31  }
0x441: {  	v15 =	vsub.f32 $2.000000000e+00, v15;
	v53 =	vsub.f32 $2.000000000e+00, v50;
	v54 =	vmul.f32 v51, v28  }
0x442: {  	v18 =	vmul.f32 v18, v22;
	v24 =	vmul.f32 v24, v27;
	v30 =	vsub.f32 $2.000000000e+00, v52  }
0x443: {  	v15 =	vmul.f32 v15, v25;
	v55 =	vmul.f32 v53, v32;
	v25 =	vsub.f32 $2.000000000e+00, v54  }
0x444: {  	v10 =	vmul.f32 v24, v10;
	v26 =	vmul.f32 v30, v26  }
0x445: {  	v14 =	vor.u32 v1, v14;
	v22 =	vmul.f32 v25, v51;
	v56 =	vmul.f32 v55, v29  }
0x446: {  	v13 =	vor.u32 v1, v13;
	[tilespmem:v21+s17+$0x0] =	vst.idx.msk $0xffff, v23;
	v10 =	vsub.f32 $2.000000000e+00, v10;
	v57 =	vmul.f32 v26, v31  }
0x447: {  	v17 =	vor.u32 v1, v17;
	[tilespmem:v20+s17+$0x0] =	vst.idx.msk $0xffff, v19;
	v58 =	vsub.f32 $2.000000000e+00, v56;
	v59 =	vmul.f32 v22, v28  }
0x448: {  	[tilespmem:v11+s17+$0x0] =	vst.idx.msk $0xffff, v18;
	v11 =	vor.u32 v1, v12;
	v10 =	vmul.f32 v10, v24;
	v60 =	vsub.f32 $2.000000000e+00, v57  }
0x449: {  	s22 =	sadd.s32 s19, s22;
	[tilespmem:v16+s17+$0x0] =	vst.idx.msk $0xffff, v15;
	v61 =	vmul.f32 v58, v55;
	v62 =	vsub.f32 $2.000000000e+00, v59  }
.Ltmp26:
0x44a: {  	s22 =	sshll.u32 s22, $0x7;
	[tilespmem:v14+s17+$0x0] =	vst.idx.msk $0xffff, v10;
	v10 =	vmul.f32 v60, v26;
	(pc) =	sbr.rel .LBB2_34-.Ltmp26, $4  }
0x44b: {  	s22 =	sadd.s32 s20, s22;
	[tilespmem:v13+s17+$0x0] =	vst.idx.msk $0xffff, v61;
	v63 =	vmul.f32 v62, v22  }
0x44c: {  	s22 =	sshrl.u32 s22, $0x3;
	[tilespmem:v17+s17+$0x0] =	vst.idx.msk $0xffff, v10  }
0x44d: {  	s22 =	sadd.s32 s5, s22;
	[tilespmem:v11+s17+$0x0] =	vst.idx.msk $0xffff, v63  }
0x44e: {  	[hbm4b:s22+s2] =	stream.linear.scatter [tilespmem:s17], [sflag:$0x2], $0x800, $0x38;
	[tilespmem:$0x17480] =	vst v63  }
.LBB2_38:
0x44f: {  	_ =	sfence.sel $0x180000  }
0x450: {  	[bflag:$0x0] =	sbarrier.arrive $0xFFFF  }
0x451: {  	p0 =	sne.s32 s3, $0x0;
	_ =	strace $0x90000047  }
0x452: {  	s0 =	sadd.s32 @!p0 $0x100000, s0;
	[bflag:$0x2] =	sbarrier.arrive $0xFFFF  }
0x453: {  	[sflag:s0] =	ssyncadd.tile.s32 @!p0 $0x1;
	_ =	shalt  }
.Lfunc_end2:
_tile_overlayer_lowered:
.L_overlay_start_2:
0x454: {  	(tag) =	ssettag $0x2  }
0x455: {  	s0 =	rddreg [dreg:$0x0];
	s2 =	stileid.u32  }
0x456: {  	s1 =	rddreg [dreg:$0x1];
	p0 =	sne.s32 s2, $0x0  }
0x457: {  	s3 =	rddreg [dreg:$0x2];
	[bflag:$0x3] =	sbarrier.arrive $0xFFFF;
	s2 =	simm.s32 @!p0 $0x1C04  }
0x458: {  	[timem:s3], [sflag:s2] =	dma.local @!p0 [hbm:s0], s1  }
0x459: {  	s0 =	simm.s32 @!p0 $0x4  }
0x45a: {  	_ =	swait.ge @!p0 [sflag:s0], s1  }
0x45b: {  	s1 =	ssub.s32 @!p0 $0x0, s1;
	[sflag:s0] =	ssyncset.done @!p0 $0x0  }
0x45c: {  	[sflag:s0] =	ssyncadd.s32 @!p0 s1  }
0x45d: {  	[bflag:$0x3] =	sbarrier.arrive $0xFFFF  }
0x45e: {  	_ =	shalt  }

</sc_bundles>
